<compile_context>
chip_gen: v7x
topology: tpu7x:2x2x1
jax: 0.10.2.dev20260603
libtpu: 0.0.44.dev20260713+nightly
codegen_flags: <defaults>
</compile_context>

<pallas_src>
import functools

import jax
import jax.numpy as jnp
from jax import lax
from jax.experimental import pallas as pl
from jax.experimental.pallas import tpu as pltpu
from jax.experimental.pallas import tpu_sc as plsc

VOCAB = 100000
EMBED_DIM = 32
GENRE_DIM = 19
BATCH = 16384
ROW_PACK = 128 // EMBED_DIM
PACK_STRIDE = 25088
PACK_ROWS = PACK_STRIDE
PACK_BLK = 6272
CHUNK = 128



def _pack_body(t0_ref, t1_ref, t2_ref, t3_ref, out_ref):
  eye = (lax.broadcasted_iota(jnp.int32, (EMBED_DIM, EMBED_DIM), 0) ==
         lax.broadcasted_iota(jnp.int32, (EMBED_DIM, EMBED_DIM), 1)
         ).astype(jnp.float32)
  out_ref[...] = jnp.concatenate(
      [lax.dot_general(t_ref[...], eye, (((0,), (0,)), ((), ())),
                       preferred_element_type=jnp.float32)
       for t_ref in (t0_ref, t1_ref, t2_ref, t3_ref)], axis=1)


def _tc_pack(tableT):
  grid = (PACK_ROWS // PACK_BLK,)
  n_blk = PACK_STRIDE // PACK_BLK

  def spec(s):
    return pl.BlockSpec((EMBED_DIM, PACK_BLK), lambda i, s=s: (0, n_blk * s + i))

  return pl.pallas_call(
      _pack_body,
      grid=grid,
      in_specs=[spec(0), spec(1), spec(2), spec(3)],
      out_specs=pl.BlockSpec((PACK_BLK, 128), lambda i: (i, 0)),
      out_shape=jax.ShapeDtypeStruct((PACK_ROWS, 128), jnp.float32),
  )(tableT, tableT, tableT, tableT)



def _sc_gather(pack, movie_id):
  info = plsc.get_sparse_core_info()
  nc, ns, nl = info.num_cores, info.num_subcores, info.num_lanes
  nw = nc * ns
  b_per_w = BATCH // nw
  n_chunks = b_per_w // CHUNK

  mesh = plsc.VectorSubcoreMesh(core_axis_name="c", subcore_axis_name="s")

  def sgroup(v):
    s = (v >= PACK_STRIDE).astype(jnp.int32)
    s = s + (v >= 2 * PACK_STRIDE).astype(jnp.int32)
    return s + (v >= 3 * PACK_STRIDE).astype(jnp.int32)

  @functools.partial(
      pl.kernel,
      mesh=mesh,
      compiler_params=pltpu.CompilerParams(needs_layout_passes=False),
      out_type=jax.ShapeDtypeStruct((EMBED_DIM, BATCH), jnp.float32),
      scratch_types=[
          pltpu.VMEM((b_per_w,), jnp.int32),
          pltpu.VMEM((b_per_w,), jnp.int32),
          pltpu.VMEM((CHUNK, 128), jnp.float32),
          pltpu.VMEM((CHUNK, 128), jnp.float32),
          pltpu.VMEM((EMBED_DIM, b_per_w), jnp.float32),
          pltpu.SemaphoreType.DMA,
          pltpu.SemaphoreType.DMA,
      ],
  )
  def gather_kernel(pack_hbm, idx_hbm, out_hbm, idx_v, q_v, rows_a, rows_b,
                    outT_v, sem_a, sem_b):
    wid = lax.axis_index("s") * nc + lax.axis_index("c")
    base = wid * b_per_w
    pltpu.sync_copy(idx_hbm.at[pl.ds(base, b_per_w)], idx_v)
    for i in range(b_per_w // nl):
      v = idx_v[pl.ds(i * nl, nl)]
      q_v[pl.ds(i * nl, nl)] = v - sgroup(v) * PACK_STRIDE
    lane = lax.iota(jnp.int32, nl)
    bufs = [(rows_a, sem_a), (rows_b, sem_b)]

    def fire(c):
      rows_v, sem = bufs[c % 2]
      return pltpu.async_copy(
          pack_hbm.at[q_v.at[pl.ds(c * CHUNK, CHUNK)]], rows_v, sem)

    copies = {c: fire(c) for c in range(min(2, n_chunks))}
    for c in range(n_chunks):
      rows_v, _ = bufs[c % 2]
      copies[c].wait()
      def extract(jj, carry, c=c, rows_v=rows_v):
        col = c * CHUNK + jj * nl
        sv = idx_v[pl.ds(col, nl)]
        colbase = jax.lax.shift_left(sgroup(sv), 5)
        row = jj * nl + lane
        vals = [plsc.load_gather(rows_v, [row, colbase + d])
                for d in range(EMBED_DIM)]
        for d in range(EMBED_DIM):
          outT_v[d, pl.ds(col, nl)] = vals[d]
        return carry
      lax.fori_loop(0, CHUNK // nl, extract, 0)
      if c + 2 < n_chunks:
        copies[c + 2] = fire(c + 2)
    pltpu.sync_copy(outT_v, out_hbm.at[:, pl.ds(base, b_per_w)])

  return gather_kernel(pack, movie_id)



def _dotg(a, b, a_dim, b_dim):
  return lax.dot_general(
      a, b, (((a_dim,), (b_dim,)), ((), ())),
      preferred_element_type=jnp.float32)


def _mlp_body(meT_ref, gpT_ref, gW1_ref, gb1_ref, gW2T_ref, gb2_ref,
              rW1T_ref, rb1_ref, rW2T_ref, rb2_ref, rW3T_ref, rb3_ref,
              out_ref):
  gpT = gpT_ref[...]
  h = jnp.maximum(_dotg(gW1_ref[...], gpT, 0, 0) + gb1_ref[...], 0.0)
  geT = _dotg(gW2T_ref[...], h, 1, 0) + gb2_ref[...]
  combinedT = jnp.concatenate([meT_ref[...], geT], axis=0)
  h = jnp.maximum(_dotg(rW1T_ref[...], combinedT, 1, 0) + rb1_ref[...], 0.0)
  h = jnp.maximum(_dotg(rW2T_ref[...], h, 1, 0) + rb2_ref[...], 0.0)
  out_ref[...] = _dotg(rW3T_ref[...], h, 1, 0) + rb3_ref[...]


def _tc_mlp(movie_embT, gpT, gW1, gb1, gW2T, gb2,
            rW1T, rb1, rW2T, rb2, rW3T, rb3, block_b=4096):
  grid = (BATCH // block_b,)

  def full(a):
    return pl.BlockSpec(a.shape, lambda i: tuple(0 for _ in a.shape))

  return pl.pallas_call(
      _mlp_body,
      grid=grid,
      in_specs=[
          pl.BlockSpec((EMBED_DIM, block_b), lambda i: (0, i)),
          pl.BlockSpec((GENRE_DIM, block_b), lambda i: (0, i)),
          full(gW1), full(gb1), full(gW2T), full(gb2),
          full(rW1T), full(rb1), full(rW2T), full(rb2), full(rW3T), full(rb3),
      ],
      out_specs=pl.BlockSpec((1, block_b), lambda i: (0, i)),
      out_shape=jax.ShapeDtypeStruct((1, BATCH), jnp.float32),
  )(movie_embT, gpT, gW1, gb1, gW2T, gb2,
    rW1T, rb1, rW2T, rb2, rW3T, rb3)


@jax.jit
def kernel(movieId, genre_preferences, emb_table, gW1, gb1, gW2, gb2,
           rW1, rb1, rW2, rb2, rW3, rb3):
  pack = _tc_pack(emb_table.T)
  movie_embT = _sc_gather(pack, movieId.astype(jnp.int32))
  out = _tc_mlp(
      movie_embT, genre_preferences.T,
      gW1, gb1.reshape(-1, 1), gW2.T, gb2.reshape(-1, 1),
      rW1.T, rb1.reshape(-1, 1), rW2.T, rb2.reshape(-1, 1),
      rW3.T, rb3.reshape(1, 1))
  return out.reshape(BATCH, 1)

# --- scband reference (transcript-rebuilt; emitter-appended) ---
"""Pipeline reference for scband-movie-genre-model-65970697666942 (READ-ONLY COPY).

The authoritative reference and input builder live on the scoring server;
editing this copy changes nothing except your own understanding.
"""

import jax, jax.numpy as jnp
import numpy as np

VOCAB = 100000
EMBED_DIM = 32
GENRE_DIM = 19
BATCH = 16384


def setup_inputs(seed: int = 0) -> dict:
    key = jax.random.key(seed)
    ks = jax.random.split(key, 14)
    movieId = jax.random.randint(ks[0], (BATCH,), 0, VOCAB, dtype=jnp.int64) if jax.config.jax_enable_x64 else jax.random.randint(ks[0], (BATCH,), 0, VOCAB, dtype=jnp.int32)
    genre_preferences = jax.random.normal(ks[1], (BATCH, GENRE_DIM), dtype=jnp.float32)
    emb_table = jax.random.normal(ks[2], (VOCAB, EMBED_DIM), dtype=jnp.float32) * 0.05
    gW1 = jax.random.normal(ks[3], (GENRE_DIM, 64), dtype=jnp.float32) * 0.1
    gb1 = jnp.zeros((64,), dtype=jnp.float32)
    gW2 = jax.random.normal(ks[4], (64, 32), dtype=jnp.float32) * 0.1
    gb2 = jnp.zeros((32,), dtype=jnp.float32)
    rW1 = jax.random.normal(ks[5], (64, 32), dtype=jnp.float32) * 0.1
    rb1 = jnp.zeros((32,), dtype=jnp.float32)
    rW2 = jax.random.normal(ks[6], (32, 16), dtype=jnp.float32) * 0.1
    rb2 = jnp.zeros((16,), dtype=jnp.float32)
    rW3 = jax.random.normal(ks[7], (16, 1), dtype=jnp.float32) * 0.1
    rb3 = jnp.zeros((1,), dtype=jnp.float32)
    return {
        'movieId': movieId,
        'genre_preferences': genre_preferences,
        'emb_table': emb_table,
        'gW1': gW1, 'gb1': gb1, 'gW2': gW2, 'gb2': gb2,
        'rW1': rW1, 'rb1': rb1, 'rW2': rW2, 'rb2': rb2, 'rW3': rW3, 'rb3': rb3,
    }


def reference(movieId, genre_preferences, emb_table, gW1, gb1, gW2, gb2, rW1, rb1, rW2, rb2, rW3, rb3):
    # movie_embedding: StringLookup (identity index here) + Embedding gather
    movie_emb = jnp.take(emb_table, movieId, axis=0)
    # genre_embedding: Dense(64, relu) -> Dense(32)
    h = jax.nn.relu(genre_preferences @ gW1 + gb1)
    genre_emb = h @ gW2 + gb2
    # concat
    combined = jnp.concatenate([movie_emb, genre_emb], axis=1)
    # rating_predictor: Dense(32, relu) -> Dense(16, relu) -> Dense(1)
    h = jax.nn.relu(combined @ rW1 + rb1)
    h = jax.nn.relu(h @ rW2 + rb2)
    out = h @ rW3 + rb3
    return out

if __name__ == "__main__":
    import jax
    _d = setup_inputs()
    print(jax.jit(kernel)(*tuple(_d.values())))

</pallas_src>

<mosaic_0001>
#map = affine_map<(d0, d1) -> (0, 0)>
#map1 = affine_map<(d0, d1) -> (0)>
module attributes {stable_mosaic.version = 14 : i64} {
  func.func @gather_kernel(%arg0: i32, %arg1: i32, %arg2: memref<25088x128xf32, #tpu.memory_space<hbm>>, %arg3: memref<16384xi32, #tpu.memory_space<hbm>>, %arg4: memref<32x16384xf32, #tpu.memory_space<hbm>>, %arg5: memref<512xi32, #tpu.memory_space<vmem>>, %arg6: memref<512xi32, #tpu.memory_space<vmem>>, %arg7: memref<128x128xf32, #tpu.memory_space<vmem>>, %arg8: memref<128x128xf32, #tpu.memory_space<vmem>>, %arg9: memref<32x512xf32, #tpu.memory_space<vmem>>, %arg10: memref<!tpu.dma_semaphore, #tpu.memory_space<semaphore_mem>>, %arg11: memref<!tpu.dma_semaphore, #tpu.memory_space<semaphore_mem>>) attributes {dimension_semantics = [#tpu.dimension_semantics<core_parallel>, #tpu.dimension_semantics<subcore_parallel>], iteration_bounds = array<i64: 2, 16>, scalar_prefetch = 0 : i64, scratch_operands = 7 : i64, tpu.core_type = #tpu.core_type<sc_vector_subcore>, window_params = [{transform_indices = #map}, {transform_indices = #map1}, {transform_indices = #map}]} {
    %mul3A = arith.constant 2 : i32
    %mul3A_0 = arith.muli %arg1, %mul3A : i32
    %add3A = arith.addi %mul3A_0, %arg0 : i32
    %mul3A_1 = arith.constant 512 : i32
    %mul3A_2 = arith.muli %add3A, %mul3A_1 : i32
    "tpu.region"() ({
      %run_scoped3A = tpu.sem_alloc : memref<!tpu.dma_semaphore, #tpu.memory_space<semaphore_mem>>
      %dma_start3A_763 = tpu.memref_slice %arg3[%mul3A_2] : memref<16384xi32, #tpu.memory_space<hbm>> -> memref<512xi32, #tpu.memory_space<hbm>>
      %dma_start3A_764 = tpu.memref_slice %arg3[%mul3A_2] : memref<16384xi32, #tpu.memory_space<hbm>> -> memref<512xi32, #tpu.memory_space<hbm>>
      tpu.enqueue_dma source(%dma_start3A_764 : memref<512xi32, #tpu.memory_space<hbm>>) target(%arg5 : memref<512xi32, #tpu.memory_space<vmem>>) target_semaphore(%run_scoped3A : memref<!tpu.dma_semaphore, #tpu.memory_space<semaphore_mem>>)
      %dma_wait3A_765 = tpu.memref_slice %arg3[%mul3A_2] : memref<16384xi32, #tpu.memory_space<hbm>> -> memref<512xi32, #tpu.memory_space<hbm>>
      %dma_wait3A_766 = tpu.memref_slice %arg3[%mul3A_2] : memref<16384xi32, #tpu.memory_space<hbm>> -> memref<512xi32, #tpu.memory_space<hbm>>
      tpu.wait_dma2 semaphore(%run_scoped3A : memref<!tpu.dma_semaphore, #tpu.memory_space<semaphore_mem>>) src(%dma_wait3A_766 : memref<512xi32, #tpu.memory_space<hbm>>) dst(%arg5 : memref<512xi32, #tpu.memory_space<vmem>>)
      tpu.yield
    }) : () -> ()
    %get3A = arith.constant 0 : index
    %get3A_3 = tpu.vector_load %arg5[%get3A] {strides = array<i32>} : memref<512xi32, #tpu.memory_space<vmem>>, vector<16xi32>,
    %ge3A = arith.constant 25088 : i32
    %ge3A_4 = vector.broadcast %ge3A : i32 to vector<16xi32>
    %ge3A_5 = arith.cmpi sge, %get3A_3, %ge3A_4 : vector<16xi32>
    %convert_element_type3A = arith.extui %ge3A_5 : vector<16xi1> to vector<16xi32>
    %ge3A_6 = arith.constant 50176 : i32
    %ge3A_7 = vector.broadcast %ge3A_6 : i32 to vector<16xi32>
    %ge3A_8 = arith.cmpi sge, %get3A_3, %ge3A_7 : vector<16xi32>
    %convert_element_type3A_9 = arith.extui %ge3A_8 : vector<16xi1> to vector<16xi32>
    %add3A_10 = arith.addi %convert_element_type3A, %convert_element_type3A_9 : vector<16xi32>
    %ge3A_11 = arith.constant 75264 : i32
    %ge3A_12 = vector.broadcast %ge3A_11 : i32 to vector<16xi32>
    %ge3A_13 = arith.cmpi sge, %get3A_3, %ge3A_12 : vector<16xi32>
    %convert_element_type3A_14 = arith.extui %ge3A_13 : vector<16xi1> to vector<16xi32>
    %add3A_15 = arith.addi %add3A_10, %convert_element_type3A_14 : vector<16xi32>
    %mul3A_16 = arith.constant 25088 : i32
    %mul3A_17 = vector.broadcast %mul3A_16 : i32 to vector<16xi32>
    %mul3A_18 = arith.muli %add3A_15, %mul3A_17 : vector<16xi32>
    %sub3A = arith.subi %get3A_3, %mul3A_18 : vector<16xi32>
    %swap3A = arith.constant 0 : index
    %swap3A_19 = tpu.vector_load %arg6[%swap3A] {strides = array<i32>} : memref<512xi32, #tpu.memory_space<vmem>>, vector<16xi32>,
    tpu.vector_store %arg6[%swap3A], %sub3A {strides = array<i32>} : memref<512xi32, #tpu.memory_space<vmem>>, vector<16xi32>,
    %get3A_20 = arith.constant 16 : index
    %get3A_21 = tpu.vector_load %arg5[%get3A_20] {strides = array<i32>} : memref<512xi32, #tpu.memory_space<vmem>>, vector<16xi32>,
    %ge3A_22 = arith.constant 25088 : i32
    %ge3A_23 = vector.broadcast %ge3A_22 : i32 to vector<16xi32>
    %ge3A_24 = arith.cmpi sge, %get3A_21, %ge3A_23 : vector<16xi32>
    %convert_element_type3A_25 = arith.extui %ge3A_24 : vector<16xi1> to vector<16xi32>
    %ge3A_26 = arith.constant 50176 : i32
    %ge3A_27 = vector.broadcast %ge3A_26 : i32 to vector<16xi32>
    %ge3A_28 = arith.cmpi sge, %get3A_21, %ge3A_27 : vector<16xi32>
    %convert_element_type3A_29 = arith.extui %ge3A_28 : vector<16xi1> to vector<16xi32>
    %add3A_30 = arith.addi %convert_element_type3A_25, %convert_element_type3A_29 : vector<16xi32>
    %ge3A_31 = arith.constant 75264 : i32
    %ge3A_32 = vector.broadcast %ge3A_31 : i32 to vector<16xi32>
    %ge3A_33 = arith.cmpi sge, %get3A_21, %ge3A_32 : vector<16xi32>
    %convert_element_type3A_34 = arith.extui %ge3A_33 : vector<16xi1> to vector<16xi32>
    %add3A_35 = arith.addi %add3A_30, %convert_element_type3A_34 : vector<16xi32>
    %mul3A_36 = arith.constant 25088 : i32
    %mul3A_37 = vector.broadcast %mul3A_36 : i32 to vector<16xi32>
    %mul3A_38 = arith.muli %add3A_35, %mul3A_37 : vector<16xi32>
    %sub3A_39 = arith.subi %get3A_21, %mul3A_38 : vector<16xi32>
    %swap3A_40 = arith.constant 16 : index
    %swap3A_41 = tpu.vector_load %arg6[%swap3A_40] {strides = array<i32>} : memref<512xi32, #tpu.memory_space<vmem>>, vector<16xi32>,
    tpu.vector_store %arg6[%swap3A_40], %sub3A_39 {strides = array<i32>} : memref<512xi32, #tpu.memory_space<vmem>>, vector<16xi32>,
    %get3A_42 = arith.constant 32 : index
    %get3A_43 = tpu.vector_load %arg5[%get3A_42] {strides = array<i32>} : memref<512xi32, #tpu.memory_space<vmem>>, vector<16xi32>,
    %ge3A_44 = arith.constant 25088 : i32
    %ge3A_45 = vector.broadcast %ge3A_44 : i32 to vector<16xi32>
    %ge3A_46 = arith.cmpi sge, %get3A_43, %ge3A_45 : vector<16xi32>
    %convert_element_type3A_47 = arith.extui %ge3A_46 : vector<16xi1> to vector<16xi32>
    %ge3A_48 = arith.constant 50176 : i32
    %ge3A_49 = vector.broadcast %ge3A_48 : i32 to vector<16xi32>
    %ge3A_50 = arith.cmpi sge, %get3A_43, %ge3A_49 : vector<16xi32>
    %convert_element_type3A_51 = arith.extui %ge3A_50 : vector<16xi1> to vector<16xi32>
    %add3A_52 = arith.addi %convert_element_type3A_47, %convert_element_type3A_51 : vector<16xi32>
    %ge3A_53 = arith.constant 75264 : i32
    %ge3A_54 = vector.broadcast %ge3A_53 : i32 to vector<16xi32>
    %ge3A_55 = arith.cmpi sge, %get3A_43, %ge3A_54 : vector<16xi32>
    %convert_element_type3A_56 = arith.extui %ge3A_55 : vector<16xi1> to vector<16xi32>
    %add3A_57 = arith.addi %add3A_52, %convert_element_type3A_56 : vector<16xi32>
    %mul3A_58 = arith.constant 25088 : i32
    %mul3A_59 = vector.broadcast %mul3A_58 : i32 to vector<16xi32>
    %mul3A_60 = arith.muli %add3A_57, %mul3A_59 : vector<16xi32>
    %sub3A_61 = arith.subi %get3A_43, %mul3A_60 : vector<16xi32>
    %swap3A_62 = arith.constant 32 : index
    %swap3A_63 = tpu.vector_load %arg6[%swap3A_62] {strides = array<i32>} : memref<512xi32, #tpu.memory_space<vmem>>, vector<16xi32>,
    tpu.vector_store %arg6[%swap3A_62], %sub3A_61 {strides = array<i32>} : memref<512xi32, #tpu.memory_space<vmem>>, vector<16xi32>,
    %get3A_64 = arith.constant 48 : index
    %get3A_65 = tpu.vector_load %arg5[%get3A_64] {strides = array<i32>} : memref<512xi32, #tpu.memory_space<vmem>>, vector<16xi32>,
    %ge3A_66 = arith.constant 25088 : i32
    %ge3A_67 = vector.broadcast %ge3A_66 : i32 to vector<16xi32>
    %ge3A_68 = arith.cmpi sge, %get3A_65, %ge3A_67 : vector<16xi32>
    %convert_element_type3A_69 = arith.extui %ge3A_68 : vector<16xi1> to vector<16xi32>
    %ge3A_70 = arith.constant 50176 : i32
    %ge3A_71 = vector.broadcast %ge3A_70 : i32 to vector<16xi32>
    %ge3A_72 = arith.cmpi sge, %get3A_65, %ge3A_71 : vector<16xi32>
    %convert_element_type3A_73 = arith.extui %ge3A_72 : vector<16xi1> to vector<16xi32>
    %add3A_74 = arith.addi %convert_element_type3A_69, %convert_element_type3A_73 : vector<16xi32>
    %ge3A_75 = arith.constant 75264 : i32
    %ge3A_76 = vector.broadcast %ge3A_75 : i32 to vector<16xi32>
    %ge3A_77 = arith.cmpi sge, %get3A_65, %ge3A_76 : vector<16xi32>
    %convert_element_type3A_78 = arith.extui %ge3A_77 : vector<16xi1> to vector<16xi32>
    %add3A_79 = arith.addi %add3A_74, %convert_element_type3A_78 : vector<16xi32>
    %mul3A_80 = arith.constant 25088 : i32
    %mul3A_81 = vector.broadcast %mul3A_80 : i32 to vector<16xi32>
    %mul3A_82 = arith.muli %add3A_79, %mul3A_81 : vector<16xi32>
    %sub3A_83 = arith.subi %get3A_65, %mul3A_82 : vector<16xi32>
    %swap3A_84 = arith.constant 48 : index
    %swap3A_85 = tpu.vector_load %arg6[%swap3A_84] {strides = array<i32>} : memref<512xi32, #tpu.memory_space<vmem>>, vector<16xi32>,
    tpu.vector_store %arg6[%swap3A_84], %sub3A_83 {strides = array<i32>} : memref<512xi32, #tpu.memory_space<vmem>>, vector<16xi32>,
    %get3A_86 = arith.constant 64 : index
    %get3A_87 = tpu.vector_load %arg5[%get3A_86] {strides = array<i32>} : memref<512xi32, #tpu.memory_space<vmem>>, vector<16xi32>,
    %ge3A_88 = arith.constant 25088 : i32
    %ge3A_89 = vector.broadcast %ge3A_88 : i32 to vector<16xi32>
    %ge3A_90 = arith.cmpi sge, %get3A_87, %ge3A_89 : vector<16xi32>
    %convert_element_type3A_91 = arith.extui %ge3A_90 : vector<16xi1> to vector<16xi32>
    %ge3A_92 = arith.constant 50176 : i32
    %ge3A_93 = vector.broadcast %ge3A_92 : i32 to vector<16xi32>
    %ge3A_94 = arith.cmpi sge, %get3A_87, %ge3A_93 : vector<16xi32>
    %convert_element_type3A_95 = arith.extui %ge3A_94 : vector<16xi1> to vector<16xi32>
    %add3A_96 = arith.addi %convert_element_type3A_91, %convert_element_type3A_95 : vector<16xi32>
    %ge3A_97 = arith.constant 75264 : i32
    %ge3A_98 = vector.broadcast %ge3A_97 : i32 to vector<16xi32>
    %ge3A_99 = arith.cmpi sge, %get3A_87, %ge3A_98 : vector<16xi32>
    %convert_element_type3A_100 = arith.extui %ge3A_99 : vector<16xi1> to vector<16xi32>
    %add3A_101 = arith.addi %add3A_96, %convert_element_type3A_100 : vector<16xi32>
    %mul3A_102 = arith.constant 25088 : i32
    %mul3A_103 = vector.broadcast %mul3A_102 : i32 to vector<16xi32>
    %mul3A_104 = arith.muli %add3A_101, %mul3A_103 : vector<16xi32>
    %sub3A_105 = arith.subi %get3A_87, %mul3A_104 : vector<16xi32>
    %swap3A_106 = arith.constant 64 : index
    %swap3A_107 = tpu.vector_load %arg6[%swap3A_106] {strides = array<i32>} : memref<512xi32, #tpu.memory_space<vmem>>, vector<16xi32>,
    tpu.vector_store %arg6[%swap3A_106], %sub3A_105 {strides = array<i32>} : memref<512xi32, #tpu.memory_space<vmem>>, vector<16xi32>,
    %get3A_108 = arith.constant 80 : index
    %get3A_109 = tpu.vector_load %arg5[%get3A_108] {strides = array<i32>} : memref<512xi32, #tpu.memory_space<vmem>>, vector<16xi32>,
    %ge3A_110 = arith.constant 25088 : i32
    %ge3A_111 = vector.broadcast %ge3A_110 : i32 to vector<16xi32>
    %ge3A_112 = arith.cmpi sge, %get3A_109, %ge3A_111 : vector<16xi32>
    %convert_element_type3A_113 = arith.extui %ge3A_112 : vector<16xi1> to vector<16xi32>
    %ge3A_114 = arith.constant 50176 : i32
    %ge3A_115 = vector.broadcast %ge3A_114 : i32 to vector<16xi32>
    %ge3A_116 = arith.cmpi sge, %get3A_109, %ge3A_115 : vector<16xi32>
    %convert_element_type3A_117 = arith.extui %ge3A_116 : vector<16xi1> to vector<16xi32>
    %add3A_118 = arith.addi %convert_element_type3A_113, %convert_element_type3A_117 : vector<16xi32>
    %ge3A_119 = arith.constant 75264 : i32
    %ge3A_120 = vector.broadcast %ge3A_119 : i32 to vector<16xi32>
    %ge3A_121 = arith.cmpi sge, %get3A_109, %ge3A_120 : vector<16xi32>
    %convert_element_type3A_122 = arith.extui %ge3A_121 : vector<16xi1> to vector<16xi32>
    %add3A_123 = arith.addi %add3A_118, %convert_element_type3A_122 : vector<16xi32>
    %mul3A_124 = arith.constant 25088 : i32
    %mul3A_125 = vector.broadcast %mul3A_124 : i32 to vector<16xi32>
    %mul3A_126 = arith.muli %add3A_123, %mul3A_125 : vector<16xi32>
    %sub3A_127 = arith.subi %get3A_109, %mul3A_126 : vector<16xi32>
    %swap3A_128 = arith.constant 80 : index
    %swap3A_129 = tpu.vector_load %arg6[%swap3A_128] {strides = array<i32>} : memref<512xi32, #tpu.memory_space<vmem>>, vector<16xi32>,
    tpu.vector_store %arg6[%swap3A_128], %sub3A_127 {strides = array<i32>} : memref<512xi32, #tpu.memory_space<vmem>>, vector<16xi32>,
    %get3A_130 = arith.constant 96 : index
    %get3A_131 = tpu.vector_load %arg5[%get3A_130] {strides = array<i32>} : memref<512xi32, #tpu.memory_space<vmem>>, vector<16xi32>,
    %ge3A_132 = arith.constant 25088 : i32
    %ge3A_133 = vector.broadcast %ge3A_132 : i32 to vector<16xi32>
    %ge3A_134 = arith.cmpi sge, %get3A_131, %ge3A_133 : vector<16xi32>
    %convert_element_type3A_135 = arith.extui %ge3A_134 : vector<16xi1> to vector<16xi32>
    %ge3A_136 = arith.constant 50176 : i32
    %ge3A_137 = vector.broadcast %ge3A_136 : i32 to vector<16xi32>
    %ge3A_138 = arith.cmpi sge, %get3A_131, %ge3A_137 : vector<16xi32>
    %convert_element_type3A_139 = arith.extui %ge3A_138 : vector<16xi1> to vector<16xi32>
    %add3A_140 = arith.addi %convert_element_type3A_135, %convert_element_type3A_139 : vector<16xi32>
    %ge3A_141 = arith.constant 75264 : i32
    %ge3A_142 = vector.broadcast %ge3A_141 : i32 to vector<16xi32>
    %ge3A_143 = arith.cmpi sge, %get3A_131, %ge3A_142 : vector<16xi32>
    %convert_element_type3A_144 = arith.extui %ge3A_143 : vector<16xi1> to vector<16xi32>
    %add3A_145 = arith.addi %add3A_140, %convert_element_type3A_144 : vector<16xi32>
    %mul3A_146 = arith.constant 25088 : i32
    %mul3A_147 = vector.broadcast %mul3A_146 : i32 to vector<16xi32>
    %mul3A_148 = arith.muli %add3A_145, %mul3A_147 : vector<16xi32>
    %sub3A_149 = arith.subi %get3A_131, %mul3A_148 : vector<16xi32>
    %swap3A_150 = arith.constant 96 : index
    %swap3A_151 = tpu.vector_load %arg6[%swap3A_150] {strides = array<i32>} : memref<512xi32, #tpu.memory_space<vmem>>, vector<16xi32>,
    tpu.vector_store %arg6[%swap3A_150], %sub3A_149 {strides = array<i32>} : memref<512xi32, #tpu.memory_space<vmem>>, vector<16xi32>,
    %get3A_152 = arith.constant 112 : index
    %get3A_153 = tpu.vector_load %arg5[%get3A_152] {strides = array<i32>} : memref<512xi32, #tpu.memory_space<vmem>>, vector<16xi32>,
    %ge3A_154 = arith.constant 25088 : i32
    %ge3A_155 = vector.broadcast %ge3A_154 : i32 to vector<16xi32>
    %ge3A_156 = arith.cmpi sge, %get3A_153, %ge3A_155 : vector<16xi32>
    %convert_element_type3A_157 = arith.extui %ge3A_156 : vector<16xi1> to vector<16xi32>
    %ge3A_158 = arith.constant 50176 : i32
    %ge3A_159 = vector.broadcast %ge3A_158 : i32 to vector<16xi32>
    %ge3A_160 = arith.cmpi sge, %get3A_153, %ge3A_159 : vector<16xi32>
    %convert_element_type3A_161 = arith.extui %ge3A_160 : vector<16xi1> to vector<16xi32>
    %add3A_162 = arith.addi %convert_element_type3A_157, %convert_element_type3A_161 : vector<16xi32>
    %ge3A_163 = arith.constant 75264 : i32
    %ge3A_164 = vector.broadcast %ge3A_163 : i32 to vector<16xi32>
    %ge3A_165 = arith.cmpi sge, %get3A_153, %ge3A_164 : vector<16xi32>
    %convert_element_type3A_166 = arith.extui %ge3A_165 : vector<16xi1> to vector<16xi32>
    %add3A_167 = arith.addi %add3A_162, %convert_element_type3A_166 : vector<16xi32>
    %mul3A_168 = arith.constant 25088 : i32
    %mul3A_169 = vector.broadcast %mul3A_168 : i32 to vector<16xi32>
    %mul3A_170 = arith.muli %add3A_167, %mul3A_169 : vector<16xi32>
    %sub3A_171 = arith.subi %get3A_153, %mul3A_170 : vector<16xi32>
    %swap3A_172 = arith.constant 112 : index
    %swap3A_173 = tpu.vector_load %arg6[%swap3A_172] {strides = array<i32>} : memref<512xi32, #tpu.memory_space<vmem>>, vector<16xi32>,
    tpu.vector_store %arg6[%swap3A_172], %sub3A_171 {strides = array<i32>} : memref<512xi32, #tpu.memory_space<vmem>>, vector<16xi32>,
    %get3A_174 = arith.constant 128 : index
    %get3A_175 = tpu.vector_load %arg5[%get3A_174] {strides = array<i32>} : memref<512xi32, #tpu.memory_space<vmem>>, vector<16xi32>,
    %ge3A_176 = arith.constant 25088 : i32
    %ge3A_177 = vector.broadcast %ge3A_176 : i32 to vector<16xi32>
    %ge3A_178 = arith.cmpi sge, %get3A_175, %ge3A_177 : vector<16xi32>
    %convert_element_type3A_179 = arith.extui %ge3A_178 : vector<16xi1> to vector<16xi32>
    %ge3A_180 = arith.constant 50176 : i32
    %ge3A_181 = vector.broadcast %ge3A_180 : i32 to vector<16xi32>
    %ge3A_182 = arith.cmpi sge, %get3A_175, %ge3A_181 : vector<16xi32>
    %convert_element_type3A_183 = arith.extui %ge3A_182 : vector<16xi1> to vector<16xi32>
    %add3A_184 = arith.addi %convert_element_type3A_179, %convert_element_type3A_183 : vector<16xi32>
    %ge3A_185 = arith.constant 75264 : i32
    %ge3A_186 = vector.broadcast %ge3A_185 : i32 to vector<16xi32>
    %ge3A_187 = arith.cmpi sge, %get3A_175, %ge3A_186 : vector<16xi32>
    %convert_element_type3A_188 = arith.extui %ge3A_187 : vector<16xi1> to vector<16xi32>
    %add3A_189 = arith.addi %add3A_184, %convert_element_type3A_188 : vector<16xi32>
    %mul3A_190 = arith.constant 25088 : i32
    %mul3A_191 = vector.broadcast %mul3A_190 : i32 to vector<16xi32>
    %mul3A_192 = arith.muli %add3A_189, %mul3A_191 : vector<16xi32>
    %sub3A_193 = arith.subi %get3A_175, %mul3A_192 : vector<16xi32>
    %swap3A_194 = arith.constant 128 : index
    %swap3A_195 = tpu.vector_load %arg6[%swap3A_194] {strides = array<i32>} : memref<512xi32, #tpu.memory_space<vmem>>, vector<16xi32>,
    tpu.vector_store %arg6[%swap3A_194], %sub3A_193 {strides = array<i32>} : memref<512xi32, #tpu.memory_space<vmem>>, vector<16xi32>,
    %get3A_196 = arith.constant 144 : index
    %get3A_197 = tpu.vector_load %arg5[%get3A_196] {strides = array<i32>} : memref<512xi32, #tpu.memory_space<vmem>>, vector<16xi32>,
    %ge3A_198 = arith.constant 25088 : i32
    %ge3A_199 = vector.broadcast %ge3A_198 : i32 to vector<16xi32>
    %ge3A_200 = arith.cmpi sge, %get3A_197, %ge3A_199 : vector<16xi32>
    %convert_element_type3A_201 = arith.extui %ge3A_200 : vector<16xi1> to vector<16xi32>
    %ge3A_202 = arith.constant 50176 : i32
    %ge3A_203 = vector.broadcast %ge3A_202 : i32 to vector<16xi32>
    %ge3A_204 = arith.cmpi sge, %get3A_197, %ge3A_203 : vector<16xi32>
    %convert_element_type3A_205 = arith.extui %ge3A_204 : vector<16xi1> to vector<16xi32>
    %add3A_206 = arith.addi %convert_element_type3A_201, %convert_element_type3A_205 : vector<16xi32>
    %ge3A_207 = arith.constant 75264 : i32
    %ge3A_208 = vector.broadcast %ge3A_207 : i32 to vector<16xi32>
    %ge3A_209 = arith.cmpi sge, %get3A_197, %ge3A_208 : vector<16xi32>
    %convert_element_type3A_210 = arith.extui %ge3A_209 : vector<16xi1> to vector<16xi32>
    %add3A_211 = arith.addi %add3A_206, %convert_element_type3A_210 : vector<16xi32>
    %mul3A_212 = arith.constant 25088 : i32
    %mul3A_213 = vector.broadcast %mul3A_212 : i32 to vector<16xi32>
    %mul3A_214 = arith.muli %add3A_211, %mul3A_213 : vector<16xi32>
    %sub3A_215 = arith.subi %get3A_197, %mul3A_214 : vector<16xi32>
    %swap3A_216 = arith.constant 144 : index
    %swap3A_217 = tpu.vector_load %arg6[%swap3A_216] {strides = array<i32>} : memref<512xi32, #tpu.memory_space<vmem>>, vector<16xi32>,
    tpu.vector_store %arg6[%swap3A_216], %sub3A_215 {strides = array<i32>} : memref<512xi32, #tpu.memory_space<vmem>>, vector<16xi32>,
    %get3A_218 = arith.constant 160 : index
    %get3A_219 = tpu.vector_load %arg5[%get3A_218] {strides = array<i32>} : memref<512xi32, #tpu.memory_space<vmem>>, vector<16xi32>,
    %ge3A_220 = arith.constant 25088 : i32
    %ge3A_221 = vector.broadcast %ge3A_220 : i32 to vector<16xi32>
    %ge3A_222 = arith.cmpi sge, %get3A_219, %ge3A_221 : vector<16xi32>
    %convert_element_type3A_223 = arith.extui %ge3A_222 : vector<16xi1> to vector<16xi32>
    %ge3A_224 = arith.constant 50176 : i32
    %ge3A_225 = vector.broadcast %ge3A_224 : i32 to vector<16xi32>
    %ge3A_226 = arith.cmpi sge, %get3A_219, %ge3A_225 : vector<16xi32>
    %convert_element_type3A_227 = arith.extui %ge3A_226 : vector<16xi1> to vector<16xi32>
    %add3A_228 = arith.addi %convert_element_type3A_223, %convert_element_type3A_227 : vector<16xi32>
    %ge3A_229 = arith.constant 75264 : i32
    %ge3A_230 = vector.broadcast %ge3A_229 : i32 to vector<16xi32>
    %ge3A_231 = arith.cmpi sge, %get3A_219, %ge3A_230 : vector<16xi32>
    %convert_element_type3A_232 = arith.extui %ge3A_231 : vector<16xi1> to vector<16xi32>
    %add3A_233 = arith.addi %add3A_228, %convert_element_type3A_232 : vector<16xi32>
    %mul3A_234 = arith.constant 25088 : i32
    %mul3A_235 = vector.broadcast %mul3A_234 : i32 to vector<16xi32>
    %mul3A_236 = arith.muli %add3A_233, %mul3A_235 : vector<16xi32>
    %sub3A_237 = arith.subi %get3A_219, %mul3A_236 : vector<16xi32>
    %swap3A_238 = arith.constant 160 : index
    %swap3A_239 = tpu.vector_load %arg6[%swap3A_238] {strides = array<i32>} : memref<512xi32, #tpu.memory_space<vmem>>, vector<16xi32>,
    tpu.vector_store %arg6[%swap3A_238], %sub3A_237 {strides = array<i32>} : memref<512xi32, #tpu.memory_space<vmem>>, vector<16xi32>,
    %get3A_240 = arith.constant 176 : index
    %get3A_241 = tpu.vector_load %arg5[%get3A_240] {strides = array<i32>} : memref<512xi32, #tpu.memory_space<vmem>>, vector<16xi32>,
    %ge3A_242 = arith.constant 25088 : i32
    %ge3A_243 = vector.broadcast %ge3A_242 : i32 to vector<16xi32>
    %ge3A_244 = arith.cmpi sge, %get3A_241, %ge3A_243 : vector<16xi32>
    %convert_element_type3A_245 = arith.extui %ge3A_244 : vector<16xi1> to vector<16xi32>
    %ge3A_246 = arith.constant 50176 : i32
    %ge3A_247 = vector.broadcast %ge3A_246 : i32 to vector<16xi32>
    %ge3A_248 = arith.cmpi sge, %get3A_241, %ge3A_247 : vector<16xi32>
    %convert_element_type3A_249 = arith.extui %ge3A_248 : vector<16xi1> to vector<16xi32>
    %add3A_250 = arith.addi %convert_element_type3A_245, %convert_element_type3A_249 : vector<16xi32>
    %ge3A_251 = arith.constant 75264 : i32
    %ge3A_252 = vector.broadcast %ge3A_251 : i32 to vector<16xi32>
    %ge3A_253 = arith.cmpi sge, %get3A_241, %ge3A_252 : vector<16xi32>
    %convert_element_type3A_254 = arith.extui %ge3A_253 : vector<16xi1> to vector<16xi32>
    %add3A_255 = arith.addi %add3A_250, %convert_element_type3A_254 : vector<16xi32>
    %mul3A_256 = arith.constant 25088 : i32
    %mul3A_257 = vector.broadcast %mul3A_256 : i32 to vector<16xi32>
    %mul3A_258 = arith.muli %add3A_255, %mul3A_257 : vector<16xi32>
    %sub3A_259 = arith.subi %get3A_241, %mul3A_258 : vector<16xi32>
    %swap3A_260 = arith.constant 176 : index
    %swap3A_261 = tpu.vector_load %arg6[%swap3A_260] {strides = array<i32>} : memref<512xi32, #tpu.memory_space<vmem>>, vector<16xi32>,
    tpu.vector_store %arg6[%swap3A_260], %sub3A_259 {strides = array<i32>} : memref<512xi32, #tpu.memory_space<vmem>>, vector<16xi32>,
    %get3A_262 = arith.constant 192 : index
    %get3A_263 = tpu.vector_load %arg5[%get3A_262] {strides = array<i32>} : memref<512xi32, #tpu.memory_space<vmem>>, vector<16xi32>,
    %ge3A_264 = arith.constant 25088 : i32
    %ge3A_265 = vector.broadcast %ge3A_264 : i32 to vector<16xi32>
    %ge3A_266 = arith.cmpi sge, %get3A_263, %ge3A_265 : vector<16xi32>
    %convert_element_type3A_267 = arith.extui %ge3A_266 : vector<16xi1> to vector<16xi32>
    %ge3A_268 = arith.constant 50176 : i32
    %ge3A_269 = vector.broadcast %ge3A_268 : i32 to vector<16xi32>
    %ge3A_270 = arith.cmpi sge, %get3A_263, %ge3A_269 : vector<16xi32>
    %convert_element_type3A_271 = arith.extui %ge3A_270 : vector<16xi1> to vector<16xi32>
    %add3A_272 = arith.addi %convert_element_type3A_267, %convert_element_type3A_271 : vector<16xi32>
    %ge3A_273 = arith.constant 75264 : i32
    %ge3A_274 = vector.broadcast %ge3A_273 : i32 to vector<16xi32>
    %ge3A_275 = arith.cmpi sge, %get3A_263, %ge3A_274 : vector<16xi32>
    %convert_element_type3A_276 = arith.extui %ge3A_275 : vector<16xi1> to vector<16xi32>
    %add3A_277 = arith.addi %add3A_272, %convert_element_type3A_276 : vector<16xi32>
    %mul3A_278 = arith.constant 25088 : i32
    %mul3A_279 = vector.broadcast %mul3A_278 : i32 to vector<16xi32>
    %mul3A_280 = arith.muli %add3A_277, %mul3A_279 : vector<16xi32>
    %sub3A_281 = arith.subi %get3A_263, %mul3A_280 : vector<16xi32>
    %swap3A_282 = arith.constant 192 : index
    %swap3A_283 = tpu.vector_load %arg6[%swap3A_282] {strides = array<i32>} : memref<512xi32, #tpu.memory_space<vmem>>, vector<16xi32>,
    tpu.vector_store %arg6[%swap3A_282], %sub3A_281 {strides = array<i32>} : memref<512xi32, #tpu.memory_space<vmem>>, vector<16xi32>,
    %get3A_284 = arith.constant 208 : index
    %get3A_285 = tpu.vector_load %arg5[%get3A_284] {strides = array<i32>} : memref<512xi32, #tpu.memory_space<vmem>>, vector<16xi32>,
    %ge3A_286 = arith.constant 25088 : i32
    %ge3A_287 = vector.broadcast %ge3A_286 : i32 to vector<16xi32>
    %ge3A_288 = arith.cmpi sge, %get3A_285, %ge3A_287 : vector<16xi32>
    %convert_element_type3A_289 = arith.extui %ge3A_288 : vector<16xi1> to vector<16xi32>
    %ge3A_290 = arith.constant 50176 : i32
    %ge3A_291 = vector.broadcast %ge3A_290 : i32 to vector<16xi32>
    %ge3A_292 = arith.cmpi sge, %get3A_285, %ge3A_291 : vector<16xi32>
    %convert_element_type3A_293 = arith.extui %ge3A_292 : vector<16xi1> to vector<16xi32>
    %add3A_294 = arith.addi %convert_element_type3A_289, %convert_element_type3A_293 : vector<16xi32>
    %ge3A_295 = arith.constant 75264 : i32
    %ge3A_296 = vector.broadcast %ge3A_295 : i32 to vector<16xi32>
    %ge3A_297 = arith.cmpi sge, %get3A_285, %ge3A_296 : vector<16xi32>
    %convert_element_type3A_298 = arith.extui %ge3A_297 : vector<16xi1> to vector<16xi32>
    %add3A_299 = arith.addi %add3A_294, %convert_element_type3A_298 : vector<16xi32>
    %mul3A_300 = arith.constant 25088 : i32
    %mul3A_301 = vector.broadcast %mul3A_300 : i32 to vector<16xi32>
    %mul3A_302 = arith.muli %add3A_299, %mul3A_301 : vector<16xi32>
    %sub3A_303 = arith.subi %get3A_285, %mul3A_302 : vector<16xi32>
    %swap3A_304 = arith.constant 208 : index
    %swap3A_305 = tpu.vector_load %arg6[%swap3A_304] {strides = array<i32>} : memref<512xi32, #tpu.memory_space<vmem>>, vector<16xi32>,
    tpu.vector_store %arg6[%swap3A_304], %sub3A_303 {strides = array<i32>} : memref<512xi32, #tpu.memory_space<vmem>>, vector<16xi32>,
    %get3A_306 = arith.constant 224 : index
    %get3A_307 = tpu.vector_load %arg5[%get3A_306] {strides = array<i32>} : memref<512xi32, #tpu.memory_space<vmem>>, vector<16xi32>,
    %ge3A_308 = arith.constant 25088 : i32
    %ge3A_309 = vector.broadcast %ge3A_308 : i32 to vector<16xi32>
    %ge3A_310 = arith.cmpi sge, %get3A_307, %ge3A_309 : vector<16xi32>
    %convert_element_type3A_311 = arith.extui %ge3A_310 : vector<16xi1> to vector<16xi32>
    %ge3A_312 = arith.constant 50176 : i32
    %ge3A_313 = vector.broadcast %ge3A_312 : i32 to vector<16xi32>
    %ge3A_314 = arith.cmpi sge, %get3A_307, %ge3A_313 : vector<16xi32>
    %convert_element_type3A_315 = arith.extui %ge3A_314 : vector<16xi1> to vector<16xi32>
    %add3A_316 = arith.addi %convert_element_type3A_311, %convert_element_type3A_315 : vector<16xi32>
    %ge3A_317 = arith.constant 75264 : i32
    %ge3A_318 = vector.broadcast %ge3A_317 : i32 to vector<16xi32>
    %ge3A_319 = arith.cmpi sge, %get3A_307, %ge3A_318 : vector<16xi32>
    %convert_element_type3A_320 = arith.extui %ge3A_319 : vector<16xi1> to vector<16xi32>
    %add3A_321 = arith.addi %add3A_316, %convert_element_type3A_320 : vector<16xi32>
    %mul3A_322 = arith.constant 25088 : i32
    %mul3A_323 = vector.broadcast %mul3A_322 : i32 to vector<16xi32>
    %mul3A_324 = arith.muli %add3A_321, %mul3A_323 : vector<16xi32>
    %sub3A_325 = arith.subi %get3A_307, %mul3A_324 : vector<16xi32>
    %swap3A_326 = arith.constant 224 : index
    %swap3A_327 = tpu.vector_load %arg6[%swap3A_326] {strides = array<i32>} : memref<512xi32, #tpu.memory_space<vmem>>, vector<16xi32>,
    tpu.vector_store %arg6[%swap3A_326], %sub3A_325 {strides = array<i32>} : memref<512xi32, #tpu.memory_space<vmem>>, vector<16xi32>,
    %get3A_328 = arith.constant 240 : index
    %get3A_329 = tpu.vector_load %arg5[%get3A_328] {strides = array<i32>} : memref<512xi32, #tpu.memory_space<vmem>>, vector<16xi32>,
    %ge3A_330 = arith.constant 25088 : i32
    %ge3A_331 = vector.broadcast %ge3A_330 : i32 to vector<16xi32>
    %ge3A_332 = arith.cmpi sge, %get3A_329, %ge3A_331 : vector<16xi32>
    %convert_element_type3A_333 = arith.extui %ge3A_332 : vector<16xi1> to vector<16xi32>
    %ge3A_334 = arith.constant 50176 : i32
    %ge3A_335 = vector.broadcast %ge3A_334 : i32 to vector<16xi32>
    %ge3A_336 = arith.cmpi sge, %get3A_329, %ge3A_335 : vector<16xi32>
    %convert_element_type3A_337 = arith.extui %ge3A_336 : vector<16xi1> to vector<16xi32>
    %add3A_338 = arith.addi %convert_element_type3A_333, %convert_element_type3A_337 : vector<16xi32>
    %ge3A_339 = arith.constant 75264 : i32
    %ge3A_340 = vector.broadcast %ge3A_339 : i32 to vector<16xi32>
    %ge3A_341 = arith.cmpi sge, %get3A_329, %ge3A_340 : vector<16xi32>
    %convert_element_type3A_342 = arith.extui %ge3A_341 : vector<16xi1> to vector<16xi32>
    %add3A_343 = arith.addi %add3A_338, %convert_element_type3A_342 : vector<16xi32>
    %mul3A_344 = arith.constant 25088 : i32
    %mul3A_345 = vector.broadcast %mul3A_344 : i32 to vector<16xi32>
    %mul3A_346 = arith.muli %add3A_343, %mul3A_345 : vector<16xi32>
    %sub3A_347 = arith.subi %get3A_329, %mul3A_346 : vector<16xi32>
    %swap3A_348 = arith.constant 240 : index
    %swap3A_349 = tpu.vector_load %arg6[%swap3A_348] {strides = array<i32>} : memref<512xi32, #tpu.memory_space<vmem>>, vector<16xi32>,
    tpu.vector_store %arg6[%swap3A_348], %sub3A_347 {strides = array<i32>} : memref<512xi32, #tpu.memory_space<vmem>>, vector<16xi32>,
    %get3A_350 = arith.constant 256 : index
    %get3A_351 = tpu.vector_load %arg5[%get3A_350] {strides = array<i32>} : memref<512xi32, #tpu.memory_space<vmem>>, vector<16xi32>,
    %ge3A_352 = arith.constant 25088 : i32
    %ge3A_353 = vector.broadcast %ge3A_352 : i32 to vector<16xi32>
    %ge3A_354 = arith.cmpi sge, %get3A_351, %ge3A_353 : vector<16xi32>
    %convert_element_type3A_355 = arith.extui %ge3A_354 : vector<16xi1> to vector<16xi32>
    %ge3A_356 = arith.constant 50176 : i32
    %ge3A_357 = vector.broadcast %ge3A_356 : i32 to vector<16xi32>
    %ge3A_358 = arith.cmpi sge, %get3A_351, %ge3A_357 : vector<16xi32>
    %convert_element_type3A_359 = arith.extui %ge3A_358 : vector<16xi1> to vector<16xi32>
    %add3A_360 = arith.addi %convert_element_type3A_355, %convert_element_type3A_359 : vector<16xi32>
    %ge3A_361 = arith.constant 75264 : i32
    %ge3A_362 = vector.broadcast %ge3A_361 : i32 to vector<16xi32>
    %ge3A_363 = arith.cmpi sge, %get3A_351, %ge3A_362 : vector<16xi32>
    %convert_element_type3A_364 = arith.extui %ge3A_363 : vector<16xi1> to vector<16xi32>
    %add3A_365 = arith.addi %add3A_360, %convert_element_type3A_364 : vector<16xi32>
    %mul3A_366 = arith.constant 25088 : i32
    %mul3A_367 = vector.broadcast %mul3A_366 : i32 to vector<16xi32>
    %mul3A_368 = arith.muli %add3A_365, %mul3A_367 : vector<16xi32>
    %sub3A_369 = arith.subi %get3A_351, %mul3A_368 : vector<16xi32>
    %swap3A_370 = arith.constant 256 : index
    %swap3A_371 = tpu.vector_load %arg6[%swap3A_370] {strides = array<i32>} : memref<512xi32, #tpu.memory_space<vmem>>, vector<16xi32>,
    tpu.vector_store %arg6[%swap3A_370], %sub3A_369 {strides = array<i32>} : memref<512xi32, #tpu.memory_space<vmem>>, vector<16xi32>,
    %get3A_372 = arith.constant 272 : index
    %get3A_373 = tpu.vector_load %arg5[%get3A_372] {strides = array<i32>} : memref<512xi32, #tpu.memory_space<vmem>>, vector<16xi32>,
    %ge3A_374 = arith.constant 25088 : i32
    %ge3A_375 = vector.broadcast %ge3A_374 : i32 to vector<16xi32>
    %ge3A_376 = arith.cmpi sge, %get3A_373, %ge3A_375 : vector<16xi32>
    %convert_element_type3A_377 = arith.extui %ge3A_376 : vector<16xi1> to vector<16xi32>
    %ge3A_378 = arith.constant 50176 : i32
    %ge3A_379 = vector.broadcast %ge3A_378 : i32 to vector<16xi32>
    %ge3A_380 = arith.cmpi sge, %get3A_373, %ge3A_379 : vector<16xi32>
    %convert_element_type3A_381 = arith.extui %ge3A_380 : vector<16xi1> to vector<16xi32>
    %add3A_382 = arith.addi %convert_element_type3A_377, %convert_element_type3A_381 : vector<16xi32>
    %ge3A_383 = arith.constant 75264 : i32
    %ge3A_384 = vector.broadcast %ge3A_383 : i32 to vector<16xi32>
    %ge3A_385 = arith.cmpi sge, %get3A_373, %ge3A_384 : vector<16xi32>
    %convert_element_type3A_386 = arith.extui %ge3A_385 : vector<16xi1> to vector<16xi32>
    %add3A_387 = arith.addi %add3A_382, %convert_element_type3A_386 : vector<16xi32>
    %mul3A_388 = arith.constant 25088 : i32
    %mul3A_389 = vector.broadcast %mul3A_388 : i32 to vector<16xi32>
    %mul3A_390 = arith.muli %add3A_387, %mul3A_389 : vector<16xi32>
    %sub3A_391 = arith.subi %get3A_373, %mul3A_390 : vector<16xi32>
    %swap3A_392 = arith.constant 272 : index
    %swap3A_393 = tpu.vector_load %arg6[%swap3A_392] {strides = array<i32>} : memref<512xi32, #tpu.memory_space<vmem>>, vector<16xi32>,
    tpu.vector_store %arg6[%swap3A_392], %sub3A_391 {strides = array<i32>} : memref<512xi32, #tpu.memory_space<vmem>>, vector<16xi32>,
    %get3A_394 = arith.constant 288 : index
    %get3A_395 = tpu.vector_load %arg5[%get3A_394] {strides = array<i32>} : memref<512xi32, #tpu.memory_space<vmem>>, vector<16xi32>,
    %ge3A_396 = arith.constant 25088 : i32
    %ge3A_397 = vector.broadcast %ge3A_396 : i32 to vector<16xi32>
    %ge3A_398 = arith.cmpi sge, %get3A_395, %ge3A_397 : vector<16xi32>
    %convert_element_type3A_399 = arith.extui %ge3A_398 : vector<16xi1> to vector<16xi32>
    %ge3A_400 = arith.constant 50176 : i32
    %ge3A_401 = vector.broadcast %ge3A_400 : i32 to vector<16xi32>
    %ge3A_402 = arith.cmpi sge, %get3A_395, %ge3A_401 : vector<16xi32>
    %convert_element_type3A_403 = arith.extui %ge3A_402 : vector<16xi1> to vector<16xi32>
    %add3A_404 = arith.addi %convert_element_type3A_399, %convert_element_type3A_403 : vector<16xi32>
    %ge3A_405 = arith.constant 75264 : i32
    %ge3A_406 = vector.broadcast %ge3A_405 : i32 to vector<16xi32>
    %ge3A_407 = arith.cmpi sge, %get3A_395, %ge3A_406 : vector<16xi32>
    %convert_element_type3A_408 = arith.extui %ge3A_407 : vector<16xi1> to vector<16xi32>
    %add3A_409 = arith.addi %add3A_404, %convert_element_type3A_408 : vector<16xi32>
    %mul3A_410 = arith.constant 25088 : i32
    %mul3A_411 = vector.broadcast %mul3A_410 : i32 to vector<16xi32>
    %mul3A_412 = arith.muli %add3A_409, %mul3A_411 : vector<16xi32>
    %sub3A_413 = arith.subi %get3A_395, %mul3A_412 : vector<16xi32>
    %swap3A_414 = arith.constant 288 : index
    %swap3A_415 = tpu.vector_load %arg6[%swap3A_414] {strides = array<i32>} : memref<512xi32, #tpu.memory_space<vmem>>, vector<16xi32>,
    tpu.vector_store %arg6[%swap3A_414], %sub3A_413 {strides = array<i32>} : memref<512xi32, #tpu.memory_space<vmem>>, vector<16xi32>,
    %get3A_416 = arith.constant 304 : index
    %get3A_417 = tpu.vector_load %arg5[%get3A_416] {strides = array<i32>} : memref<512xi32, #tpu.memory_space<vmem>>, vector<16xi32>,
    %ge3A_418 = arith.constant 25088 : i32
    %ge3A_419 = vector.broadcast %ge3A_418 : i32 to vector<16xi32>
    %ge3A_420 = arith.cmpi sge, %get3A_417, %ge3A_419 : vector<16xi32>
    %convert_element_type3A_421 = arith.extui %ge3A_420 : vector<16xi1> to vector<16xi32>
    %ge3A_422 = arith.constant 50176 : i32
    %ge3A_423 = vector.broadcast %ge3A_422 : i32 to vector<16xi32>
    %ge3A_424 = arith.cmpi sge, %get3A_417, %ge3A_423 : vector<16xi32>
    %convert_element_type3A_425 = arith.extui %ge3A_424 : vector<16xi1> to vector<16xi32>
    %add3A_426 = arith.addi %convert_element_type3A_421, %convert_element_type3A_425 : vector<16xi32>
    %ge3A_427 = arith.constant 75264 : i32
    %ge3A_428 = vector.broadcast %ge3A_427 : i32 to vector<16xi32>
    %ge3A_429 = arith.cmpi sge, %get3A_417, %ge3A_428 : vector<16xi32>
    %convert_element_type3A_430 = arith.extui %ge3A_429 : vector<16xi1> to vector<16xi32>
    %add3A_431 = arith.addi %add3A_426, %convert_element_type3A_430 : vector<16xi32>
    %mul3A_432 = arith.constant 25088 : i32
    %mul3A_433 = vector.broadcast %mul3A_432 : i32 to vector<16xi32>
    %mul3A_434 = arith.muli %add3A_431, %mul3A_433 : vector<16xi32>
    %sub3A_435 = arith.subi %get3A_417, %mul3A_434 : vector<16xi32>
    %swap3A_436 = arith.constant 304 : index
    %swap3A_437 = tpu.vector_load %arg6[%swap3A_436] {strides = array<i32>} : memref<512xi32, #tpu.memory_space<vmem>>, vector<16xi32>,
    tpu.vector_store %arg6[%swap3A_436], %sub3A_435 {strides = array<i32>} : memref<512xi32, #tpu.memory_space<vmem>>, vector<16xi32>,
    %get3A_438 = arith.constant 320 : index
    %get3A_439 = tpu.vector_load %arg5[%get3A_438] {strides = array<i32>} : memref<512xi32, #tpu.memory_space<vmem>>, vector<16xi32>,
    %ge3A_440 = arith.constant 25088 : i32
    %ge3A_441 = vector.broadcast %ge3A_440 : i32 to vector<16xi32>
    %ge3A_442 = arith.cmpi sge, %get3A_439, %ge3A_441 : vector<16xi32>
    %convert_element_type3A_443 = arith.extui %ge3A_442 : vector<16xi1> to vector<16xi32>
    %ge3A_444 = arith.constant 50176 : i32
    %ge3A_445 = vector.broadcast %ge3A_444 : i32 to vector<16xi32>
    %ge3A_446 = arith.cmpi sge, %get3A_439, %ge3A_445 : vector<16xi32>
    %convert_element_type3A_447 = arith.extui %ge3A_446 : vector<16xi1> to vector<16xi32>
    %add3A_448 = arith.addi %convert_element_type3A_443, %convert_element_type3A_447 : vector<16xi32>
    %ge3A_449 = arith.constant 75264 : i32
    %ge3A_450 = vector.broadcast %ge3A_449 : i32 to vector<16xi32>
    %ge3A_451 = arith.cmpi sge, %get3A_439, %ge3A_450 : vector<16xi32>
    %convert_element_type3A_452 = arith.extui %ge3A_451 : vector<16xi1> to vector<16xi32>
    %add3A_453 = arith.addi %add3A_448, %convert_element_type3A_452 : vector<16xi32>
    %mul3A_454 = arith.constant 25088 : i32
    %mul3A_455 = vector.broadcast %mul3A_454 : i32 to vector<16xi32>
    %mul3A_456 = arith.muli %add3A_453, %mul3A_455 : vector<16xi32>
    %sub3A_457 = arith.subi %get3A_439, %mul3A_456 : vector<16xi32>
    %swap3A_458 = arith.constant 320 : index
    %swap3A_459 = tpu.vector_load %arg6[%swap3A_458] {strides = array<i32>} : memref<512xi32, #tpu.memory_space<vmem>>, vector<16xi32>,
    tpu.vector_store %arg6[%swap3A_458], %sub3A_457 {strides = array<i32>} : memref<512xi32, #tpu.memory_space<vmem>>, vector<16xi32>,
    %get3A_460 = arith.constant 336 : index
    %get3A_461 = tpu.vector_load %arg5[%get3A_460] {strides = array<i32>} : memref<512xi32, #tpu.memory_space<vmem>>, vector<16xi32>,
    %ge3A_462 = arith.constant 25088 : i32
    %ge3A_463 = vector.broadcast %ge3A_462 : i32 to vector<16xi32>
    %ge3A_464 = arith.cmpi sge, %get3A_461, %ge3A_463 : vector<16xi32>
    %convert_element_type3A_465 = arith.extui %ge3A_464 : vector<16xi1> to vector<16xi32>
    %ge3A_466 = arith.constant 50176 : i32
    %ge3A_467 = vector.broadcast %ge3A_466 : i32 to vector<16xi32>
    %ge3A_468 = arith.cmpi sge, %get3A_461, %ge3A_467 : vector<16xi32>
    %convert_element_type3A_469 = arith.extui %ge3A_468 : vector<16xi1> to vector<16xi32>
    %add3A_470 = arith.addi %convert_element_type3A_465, %convert_element_type3A_469 : vector<16xi32>
    %ge3A_471 = arith.constant 75264 : i32
    %ge3A_472 = vector.broadcast %ge3A_471 : i32 to vector<16xi32>
    %ge3A_473 = arith.cmpi sge, %get3A_461, %ge3A_472 : vector<16xi32>
    %convert_element_type3A_474 = arith.extui %ge3A_473 : vector<16xi1> to vector<16xi32>
    %add3A_475 = arith.addi %add3A_470, %convert_element_type3A_474 : vector<16xi32>
    %mul3A_476 = arith.constant 25088 : i32
    %mul3A_477 = vector.broadcast %mul3A_476 : i32 to vector<16xi32>
    %mul3A_478 = arith.muli %add3A_475, %mul3A_477 : vector<16xi32>
    %sub3A_479 = arith.subi %get3A_461, %mul3A_478 : vector<16xi32>
    %swap3A_480 = arith.constant 336 : index
    %swap3A_481 = tpu.vector_load %arg6[%swap3A_480] {strides = array<i32>} : memref<512xi32, #tpu.memory_space<vmem>>, vector<16xi32>,
    tpu.vector_store %arg6[%swap3A_480], %sub3A_479 {strides = array<i32>} : memref<512xi32, #tpu.memory_space<vmem>>, vector<16xi32>,
    %get3A_482 = arith.constant 352 : index
    %get3A_483 = tpu.vector_load %arg5[%get3A_482] {strides = array<i32>} : memref<512xi32, #tpu.memory_space<vmem>>, vector<16xi32>,
    %ge3A_484 = arith.constant 25088 : i32
    %ge3A_485 = vector.broadcast %ge3A_484 : i32 to vector<16xi32>
    %ge3A_486 = arith.cmpi sge, %get3A_483, %ge3A_485 : vector<16xi32>
    %convert_element_type3A_487 = arith.extui %ge3A_486 : vector<16xi1> to vector<16xi32>
    %ge3A_488 = arith.constant 50176 : i32
    %ge3A_489 = vector.broadcast %ge3A_488 : i32 to vector<16xi32>
    %ge3A_490 = arith.cmpi sge, %get3A_483, %ge3A_489 : vector<16xi32>
    %convert_element_type3A_491 = arith.extui %ge3A_490 : vector<16xi1> to vector<16xi32>
    %add3A_492 = arith.addi %convert_element_type3A_487, %convert_element_type3A_491 : vector<16xi32>
    %ge3A_493 = arith.constant 75264 : i32
    %ge3A_494 = vector.broadcast %ge3A_493 : i32 to vector<16xi32>
    %ge3A_495 = arith.cmpi sge, %get3A_483, %ge3A_494 : vector<16xi32>
    %convert_element_type3A_496 = arith.extui %ge3A_495 : vector<16xi1> to vector<16xi32>
    %add3A_497 = arith.addi %add3A_492, %convert_element_type3A_496 : vector<16xi32>
    %mul3A_498 = arith.constant 25088 : i32
    %mul3A_499 = vector.broadcast %mul3A_498 : i32 to vector<16xi32>
    %mul3A_500 = arith.muli %add3A_497, %mul3A_499 : vector<16xi32>
    %sub3A_501 = arith.subi %get3A_483, %mul3A_500 : vector<16xi32>
    %swap3A_502 = arith.constant 352 : index
    %swap3A_503 = tpu.vector_load %arg6[%swap3A_502] {strides = array<i32>} : memref<512xi32, #tpu.memory_space<vmem>>, vector<16xi32>,
    tpu.vector_store %arg6[%swap3A_502], %sub3A_501 {strides = array<i32>} : memref<512xi32, #tpu.memory_space<vmem>>, vector<16xi32>,
    %get3A_504 = arith.constant 368 : index
    %get3A_505 = tpu.vector_load %arg5[%get3A_504] {strides = array<i32>} : memref<512xi32, #tpu.memory_space<vmem>>, vector<16xi32>,
    %ge3A_506 = arith.constant 25088 : i32
    %ge3A_507 = vector.broadcast %ge3A_506 : i32 to vector<16xi32>
    %ge3A_508 = arith.cmpi sge, %get3A_505, %ge3A_507 : vector<16xi32>
    %convert_element_type3A_509 = arith.extui %ge3A_508 : vector<16xi1> to vector<16xi32>
    %ge3A_510 = arith.constant 50176 : i32
    %ge3A_511 = vector.broadcast %ge3A_510 : i32 to vector<16xi32>
    %ge3A_512 = arith.cmpi sge, %get3A_505, %ge3A_511 : vector<16xi32>
    %convert_element_type3A_513 = arith.extui %ge3A_512 : vector<16xi1> to vector<16xi32>
    %add3A_514 = arith.addi %convert_element_type3A_509, %convert_element_type3A_513 : vector<16xi32>
    %ge3A_515 = arith.constant 75264 : i32
    %ge3A_516 = vector.broadcast %ge3A_515 : i32 to vector<16xi32>
    %ge3A_517 = arith.cmpi sge, %get3A_505, %ge3A_516 : vector<16xi32>
    %convert_element_type3A_518 = arith.extui %ge3A_517 : vector<16xi1> to vector<16xi32>
    %add3A_519 = arith.addi %add3A_514, %convert_element_type3A_518 : vector<16xi32>
    %mul3A_520 = arith.constant 25088 : i32
    %mul3A_521 = vector.broadcast %mul3A_520 : i32 to vector<16xi32>
    %mul3A_522 = arith.muli %add3A_519, %mul3A_521 : vector<16xi32>
    %sub3A_523 = arith.subi %get3A_505, %mul3A_522 : vector<16xi32>
    %swap3A_524 = arith.constant 368 : index
    %swap3A_525 = tpu.vector_load %arg6[%swap3A_524] {strides = array<i32>} : memref<512xi32, #tpu.memory_space<vmem>>, vector<16xi32>,
    tpu.vector_store %arg6[%swap3A_524], %sub3A_523 {strides = array<i32>} : memref<512xi32, #tpu.memory_space<vmem>>, vector<16xi32>,
    %get3A_526 = arith.constant 384 : index
    %get3A_527 = tpu.vector_load %arg5[%get3A_526] {strides = array<i32>} : memref<512xi32, #tpu.memory_space<vmem>>, vector<16xi32>,
    %ge3A_528 = arith.constant 25088 : i32
    %ge3A_529 = vector.broadcast %ge3A_528 : i32 to vector<16xi32>
    %ge3A_530 = arith.cmpi sge, %get3A_527, %ge3A_529 : vector<16xi32>
    %convert_element_type3A_531 = arith.extui %ge3A_530 : vector<16xi1> to vector<16xi32>
    %ge3A_532 = arith.constant 50176 : i32
    %ge3A_533 = vector.broadcast %ge3A_532 : i32 to vector<16xi32>
    %ge3A_534 = arith.cmpi sge, %get3A_527, %ge3A_533 : vector<16xi32>
    %convert_element_type3A_535 = arith.extui %ge3A_534 : vector<16xi1> to vector<16xi32>
    %add3A_536 = arith.addi %convert_element_type3A_531, %convert_element_type3A_535 : vector<16xi32>
    %ge3A_537 = arith.constant 75264 : i32
    %ge3A_538 = vector.broadcast %ge3A_537 : i32 to vector<16xi32>
    %ge3A_539 = arith.cmpi sge, %get3A_527, %ge3A_538 : vector<16xi32>
    %convert_element_type3A_540 = arith.extui %ge3A_539 : vector<16xi1> to vector<16xi32>
    %add3A_541 = arith.addi %add3A_536, %convert_element_type3A_540 : vector<16xi32>
    %mul3A_542 = arith.constant 25088 : i32
    %mul3A_543 = vector.broadcast %mul3A_542 : i32 to vector<16xi32>
    %mul3A_544 = arith.muli %add3A_541, %mul3A_543 : vector<16xi32>
    %sub3A_545 = arith.subi %get3A_527, %mul3A_544 : vector<16xi32>
    %swap3A_546 = arith.constant 384 : index
    %swap3A_547 = tpu.vector_load %arg6[%swap3A_546] {strides = array<i32>} : memref<512xi32, #tpu.memory_space<vmem>>, vector<16xi32>,
    tpu.vector_store %arg6[%swap3A_546], %sub3A_545 {strides = array<i32>} : memref<512xi32, #tpu.memory_space<vmem>>, vector<16xi32>,
    %get3A_548 = arith.constant 400 : index
    %get3A_549 = tpu.vector_load %arg5[%get3A_548] {strides = array<i32>} : memref<512xi32, #tpu.memory_space<vmem>>, vector<16xi32>,
    %ge3A_550 = arith.constant 25088 : i32
    %ge3A_551 = vector.broadcast %ge3A_550 : i32 to vector<16xi32>
    %ge3A_552 = arith.cmpi sge, %get3A_549, %ge3A_551 : vector<16xi32>
    %convert_element_type3A_553 = arith.extui %ge3A_552 : vector<16xi1> to vector<16xi32>
    %ge3A_554 = arith.constant 50176 : i32
    %ge3A_555 = vector.broadcast %ge3A_554 : i32 to vector<16xi32>
    %ge3A_556 = arith.cmpi sge, %get3A_549, %ge3A_555 : vector<16xi32>
    %convert_element_type3A_557 = arith.extui %ge3A_556 : vector<16xi1> to vector<16xi32>
    %add3A_558 = arith.addi %convert_element_type3A_553, %convert_element_type3A_557 : vector<16xi32>
    %ge3A_559 = arith.constant 75264 : i32
    %ge3A_560 = vector.broadcast %ge3A_559 : i32 to vector<16xi32>
    %ge3A_561 = arith.cmpi sge, %get3A_549, %ge3A_560 : vector<16xi32>
    %convert_element_type3A_562 = arith.extui %ge3A_561 : vector<16xi1> to vector<16xi32>
    %add3A_563 = arith.addi %add3A_558, %convert_element_type3A_562 : vector<16xi32>
    %mul3A_564 = arith.constant 25088 : i32
    %mul3A_565 = vector.broadcast %mul3A_564 : i32 to vector<16xi32>
    %mul3A_566 = arith.muli %add3A_563, %mul3A_565 : vector<16xi32>
    %sub3A_567 = arith.subi %get3A_549, %mul3A_566 : vector<16xi32>
    %swap3A_568 = arith.constant 400 : index
    %swap3A_569 = tpu.vector_load %arg6[%swap3A_568] {strides = array<i32>} : memref<512xi32, #tpu.memory_space<vmem>>, vector<16xi32>,
    tpu.vector_store %arg6[%swap3A_568], %sub3A_567 {strides = array<i32>} : memref<512xi32, #tpu.memory_space<vmem>>, vector<16xi32>,
    %get3A_570 = arith.constant 416 : index
    %get3A_571 = tpu.vector_load %arg5[%get3A_570] {strides = array<i32>} : memref<512xi32, #tpu.memory_space<vmem>>, vector<16xi32>,
    %ge3A_572 = arith.constant 25088 : i32
    %ge3A_573 = vector.broadcast %ge3A_572 : i32 to vector<16xi32>
    %ge3A_574 = arith.cmpi sge, %get3A_571, %ge3A_573 : vector<16xi32>
    %convert_element_type3A_575 = arith.extui %ge3A_574 : vector<16xi1> to vector<16xi32>
    %ge3A_576 = arith.constant 50176 : i32
    %ge3A_577 = vector.broadcast %ge3A_576 : i32 to vector<16xi32>
    %ge3A_578 = arith.cmpi sge, %get3A_571, %ge3A_577 : vector<16xi32>
    %convert_element_type3A_579 = arith.extui %ge3A_578 : vector<16xi1> to vector<16xi32>
    %add3A_580 = arith.addi %convert_element_type3A_575, %convert_element_type3A_579 : vector<16xi32>
    %ge3A_581 = arith.constant 75264 : i32
    %ge3A_582 = vector.broadcast %ge3A_581 : i32 to vector<16xi32>
    %ge3A_583 = arith.cmpi sge, %get3A_571, %ge3A_582 : vector<16xi32>
    %convert_element_type3A_584 = arith.extui %ge3A_583 : vector<16xi1> to vector<16xi32>
    %add3A_585 = arith.addi %add3A_580, %convert_element_type3A_584 : vector<16xi32>
    %mul3A_586 = arith.constant 25088 : i32
    %mul3A_587 = vector.broadcast %mul3A_586 : i32 to vector<16xi32>
    %mul3A_588 = arith.muli %add3A_585, %mul3A_587 : vector<16xi32>
    %sub3A_589 = arith.subi %get3A_571, %mul3A_588 : vector<16xi32>
    %swap3A_590 = arith.constant 416 : index
    %swap3A_591 = tpu.vector_load %arg6[%swap3A_590] {strides = array<i32>} : memref<512xi32, #tpu.memory_space<vmem>>, vector<16xi32>,
    tpu.vector_store %arg6[%swap3A_590], %sub3A_589 {strides = array<i32>} : memref<512xi32, #tpu.memory_space<vmem>>, vector<16xi32>,
    %get3A_592 = arith.constant 432 : index
    %get3A_593 = tpu.vector_load %arg5[%get3A_592] {strides = array<i32>} : memref<512xi32, #tpu.memory_space<vmem>>, vector<16xi32>,
    %ge3A_594 = arith.constant 25088 : i32
    %ge3A_595 = vector.broadcast %ge3A_594 : i32 to vector<16xi32>
    %ge3A_596 = arith.cmpi sge, %get3A_593, %ge3A_595 : vector<16xi32>
    %convert_element_type3A_597 = arith.extui %ge3A_596 : vector<16xi1> to vector<16xi32>
    %ge3A_598 = arith.constant 50176 : i32
    %ge3A_599 = vector.broadcast %ge3A_598 : i32 to vector<16xi32>
    %ge3A_600 = arith.cmpi sge, %get3A_593, %ge3A_599 : vector<16xi32>
    %convert_element_type3A_601 = arith.extui %ge3A_600 : vector<16xi1> to vector<16xi32>
    %add3A_602 = arith.addi %convert_element_type3A_597, %convert_element_type3A_601 : vector<16xi32>
    %ge3A_603 = arith.constant 75264 : i32
    %ge3A_604 = vector.broadcast %ge3A_603 : i32 to vector<16xi32>
    %ge3A_605 = arith.cmpi sge, %get3A_593, %ge3A_604 : vector<16xi32>
    %convert_element_type3A_606 = arith.extui %ge3A_605 : vector<16xi1> to vector<16xi32>
    %add3A_607 = arith.addi %add3A_602, %convert_element_type3A_606 : vector<16xi32>
    %mul3A_608 = arith.constant 25088 : i32
    %mul3A_609 = vector.broadcast %mul3A_608 : i32 to vector<16xi32>
    %mul3A_610 = arith.muli %add3A_607, %mul3A_609 : vector<16xi32>
    %sub3A_611 = arith.subi %get3A_593, %mul3A_610 : vector<16xi32>
    %swap3A_612 = arith.constant 432 : index
    %swap3A_613 = tpu.vector_load %arg6[%swap3A_612] {strides = array<i32>} : memref<512xi32, #tpu.memory_space<vmem>>, vector<16xi32>,
    tpu.vector_store %arg6[%swap3A_612], %sub3A_611 {strides = array<i32>} : memref<512xi32, #tpu.memory_space<vmem>>, vector<16xi32>,
    %get3A_614 = arith.constant 448 : index
    %get3A_615 = tpu.vector_load %arg5[%get3A_614] {strides = array<i32>} : memref<512xi32, #tpu.memory_space<vmem>>, vector<16xi32>,
    %ge3A_616 = arith.constant 25088 : i32
    %ge3A_617 = vector.broadcast %ge3A_616 : i32 to vector<16xi32>
    %ge3A_618 = arith.cmpi sge, %get3A_615, %ge3A_617 : vector<16xi32>
    %convert_element_type3A_619 = arith.extui %ge3A_618 : vector<16xi1> to vector<16xi32>
    %ge3A_620 = arith.constant 50176 : i32
    %ge3A_621 = vector.broadcast %ge3A_620 : i32 to vector<16xi32>
    %ge3A_622 = arith.cmpi sge, %get3A_615, %ge3A_621 : vector<16xi32>
    %convert_element_type3A_623 = arith.extui %ge3A_622 : vector<16xi1> to vector<16xi32>
    %add3A_624 = arith.addi %convert_element_type3A_619, %convert_element_type3A_623 : vector<16xi32>
    %ge3A_625 = arith.constant 75264 : i32
    %ge3A_626 = vector.broadcast %ge3A_625 : i32 to vector<16xi32>
    %ge3A_627 = arith.cmpi sge, %get3A_615, %ge3A_626 : vector<16xi32>
    %convert_element_type3A_628 = arith.extui %ge3A_627 : vector<16xi1> to vector<16xi32>
    %add3A_629 = arith.addi %add3A_624, %convert_element_type3A_628 : vector<16xi32>
    %mul3A_630 = arith.constant 25088 : i32
    %mul3A_631 = vector.broadcast %mul3A_630 : i32 to vector<16xi32>
    %mul3A_632 = arith.muli %add3A_629, %mul3A_631 : vector<16xi32>
    %sub3A_633 = arith.subi %get3A_615, %mul3A_632 : vector<16xi32>
    %swap3A_634 = arith.constant 448 : index
    %swap3A_635 = tpu.vector_load %arg6[%swap3A_634] {strides = array<i32>} : memref<512xi32, #tpu.memory_space<vmem>>, vector<16xi32>,
    tpu.vector_store %arg6[%swap3A_634], %sub3A_633 {strides = array<i32>} : memref<512xi32, #tpu.memory_space<vmem>>, vector<16xi32>,
    %get3A_636 = arith.constant 464 : index
    %get3A_637 = tpu.vector_load %arg5[%get3A_636] {strides = array<i32>} : memref<512xi32, #tpu.memory_space<vmem>>, vector<16xi32>,
    %ge3A_638 = arith.constant 25088 : i32
    %ge3A_639 = vector.broadcast %ge3A_638 : i32 to vector<16xi32>
    %ge3A_640 = arith.cmpi sge, %get3A_637, %ge3A_639 : vector<16xi32>
    %convert_element_type3A_641 = arith.extui %ge3A_640 : vector<16xi1> to vector<16xi32>
    %ge3A_642 = arith.constant 50176 : i32
    %ge3A_643 = vector.broadcast %ge3A_642 : i32 to vector<16xi32>
    %ge3A_644 = arith.cmpi sge, %get3A_637, %ge3A_643 : vector<16xi32>
    %convert_element_type3A_645 = arith.extui %ge3A_644 : vector<16xi1> to vector<16xi32>
    %add3A_646 = arith.addi %convert_element_type3A_641, %convert_element_type3A_645 : vector<16xi32>
    %ge3A_647 = arith.constant 75264 : i32
    %ge3A_648 = vector.broadcast %ge3A_647 : i32 to vector<16xi32>
    %ge3A_649 = arith.cmpi sge, %get3A_637, %ge3A_648 : vector<16xi32>
    %convert_element_type3A_650 = arith.extui %ge3A_649 : vector<16xi1> to vector<16xi32>
    %add3A_651 = arith.addi %add3A_646, %convert_element_type3A_650 : vector<16xi32>
    %mul3A_652 = arith.constant 25088 : i32
    %mul3A_653 = vector.broadcast %mul3A_652 : i32 to vector<16xi32>
    %mul3A_654 = arith.muli %add3A_651, %mul3A_653 : vector<16xi32>
    %sub3A_655 = arith.subi %get3A_637, %mul3A_654 : vector<16xi32>
    %swap3A_656 = arith.constant 464 : index
    %swap3A_657 = tpu.vector_load %arg6[%swap3A_656] {strides = array<i32>} : memref<512xi32, #tpu.memory_space<vmem>>, vector<16xi32>,
    tpu.vector_store %arg6[%swap3A_656], %sub3A_655 {strides = array<i32>} : memref<512xi32, #tpu.memory_space<vmem>>, vector<16xi32>,
    %get3A_658 = arith.constant 480 : index
    %get3A_659 = tpu.vector_load %arg5[%get3A_658] {strides = array<i32>} : memref<512xi32, #tpu.memory_space<vmem>>, vector<16xi32>,
    %ge3A_660 = arith.constant 25088 : i32
    %ge3A_661 = vector.broadcast %ge3A_660 : i32 to vector<16xi32>
    %ge3A_662 = arith.cmpi sge, %get3A_659, %ge3A_661 : vector<16xi32>
    %convert_element_type3A_663 = arith.extui %ge3A_662 : vector<16xi1> to vector<16xi32>
    %ge3A_664 = arith.constant 50176 : i32
    %ge3A_665 = vector.broadcast %ge3A_664 : i32 to vector<16xi32>
    %ge3A_666 = arith.cmpi sge, %get3A_659, %ge3A_665 : vector<16xi32>
    %convert_element_type3A_667 = arith.extui %ge3A_666 : vector<16xi1> to vector<16xi32>
    %add3A_668 = arith.addi %convert_element_type3A_663, %convert_element_type3A_667 : vector<16xi32>
    %ge3A_669 = arith.constant 75264 : i32
    %ge3A_670 = vector.broadcast %ge3A_669 : i32 to vector<16xi32>
    %ge3A_671 = arith.cmpi sge, %get3A_659, %ge3A_670 : vector<16xi32>
    %convert_element_type3A_672 = arith.extui %ge3A_671 : vector<16xi1> to vector<16xi32>
    %add3A_673 = arith.addi %add3A_668, %convert_element_type3A_672 : vector<16xi32>
    %mul3A_674 = arith.constant 25088 : i32
    %mul3A_675 = vector.broadcast %mul3A_674 : i32 to vector<16xi32>
    %mul3A_676 = arith.muli %add3A_673, %mul3A_675 : vector<16xi32>
    %sub3A_677 = arith.subi %get3A_659, %mul3A_676 : vector<16xi32>
    %swap3A_678 = arith.constant 480 : index
    %swap3A_679 = tpu.vector_load %arg6[%swap3A_678] {strides = array<i32>} : memref<512xi32, #tpu.memory_space<vmem>>, vector<16xi32>,
    tpu.vector_store %arg6[%swap3A_678], %sub3A_677 {strides = array<i32>} : memref<512xi32, #tpu.memory_space<vmem>>, vector<16xi32>,
    %get3A_680 = arith.constant 496 : index
    %get3A_681 = tpu.vector_load %arg5[%get3A_680] {strides = array<i32>} : memref<512xi32, #tpu.memory_space<vmem>>, vector<16xi32>,
    %ge3A_682 = arith.constant 25088 : i32
    %ge3A_683 = vector.broadcast %ge3A_682 : i32 to vector<16xi32>
    %ge3A_684 = arith.cmpi sge, %get3A_681, %ge3A_683 : vector<16xi32>
    %convert_element_type3A_685 = arith.extui %ge3A_684 : vector<16xi1> to vector<16xi32>
    %ge3A_686 = arith.constant 50176 : i32
    %ge3A_687 = vector.broadcast %ge3A_686 : i32 to vector<16xi32>
    %ge3A_688 = arith.cmpi sge, %get3A_681, %ge3A_687 : vector<16xi32>
    %convert_element_type3A_689 = arith.extui %ge3A_688 : vector<16xi1> to vector<16xi32>
    %add3A_690 = arith.addi %convert_element_type3A_685, %convert_element_type3A_689 : vector<16xi32>
    %ge3A_691 = arith.constant 75264 : i32
    %ge3A_692 = vector.broadcast %ge3A_691 : i32 to vector<16xi32>
    %ge3A_693 = arith.cmpi sge, %get3A_681, %ge3A_692 : vector<16xi32>
    %convert_element_type3A_694 = arith.extui %ge3A_693 : vector<16xi1> to vector<16xi32>
    %add3A_695 = arith.addi %add3A_690, %convert_element_type3A_694 : vector<16xi32>
    %mul3A_696 = arith.constant 25088 : i32
    %mul3A_697 = vector.broadcast %mul3A_696 : i32 to vector<16xi32>
    %mul3A_698 = arith.muli %add3A_695, %mul3A_697 : vector<16xi32>
    %sub3A_699 = arith.subi %get3A_681, %mul3A_698 : vector<16xi32>
    %swap3A_700 = arith.constant 496 : index
    %swap3A_701 = tpu.vector_load %arg6[%swap3A_700] {strides = array<i32>} : memref<512xi32, #tpu.memory_space<vmem>>, vector<16xi32>,
    tpu.vector_store %arg6[%swap3A_700], %sub3A_699 {strides = array<i32>} : memref<512xi32, #tpu.memory_space<vmem>>, vector<16xi32>,
    %iota3A = tpu.iota {dimensions = array<i32: 0>} : vector<16xi32>
    %dma_start3A = arith.constant 0 : i32
    %dma_start3A_702 = tpu.memref_slice %arg6[%dma_start3A] : memref<512xi32, #tpu.memory_space<vmem>> -> memref<128xi32, #tpu.memory_space<vmem>>
    %dma_start3A_703 = arith.constant 0 : i32
    %dma_start3A_704 = arith.constant 0 : i32
    %dma_start3A_705 = tpu.memref_slice %arg2[%dma_start3A_703, %dma_start3A_704] : memref<25088x128xf32, #tpu.memory_space<hbm>> -> memref<25088x128xf32, #tpu.memory_space<hbm>>
    tpu.enqueue_indirect_dma source(%dma_start3A_705 : memref<25088x128xf32, #tpu.memory_space<hbm>>) target(%arg7 : memref<128x128xf32, #tpu.memory_space<vmem>>) offsets(%dma_start3A_702 : memref<128xi32, #tpu.memory_space<vmem>>) semaphore(%arg10 : memref<!tpu.dma_semaphore, #tpu.memory_space<semaphore_mem>>)
    %dma_start3A_706 = arith.constant 128 : i32
    %dma_start3A_707 = tpu.memref_slice %arg6[%dma_start3A_706] : memref<512xi32, #tpu.memory_space<vmem>> -> memref<128xi32, #tpu.memory_space<vmem>>
    %dma_start3A_708 = arith.constant 0 : i32
    %dma_start3A_709 = arith.constant 0 : i32
    %dma_start3A_710 = tpu.memref_slice %arg2[%dma_start3A_708, %dma_start3A_709] : memref<25088x128xf32, #tpu.memory_space<hbm>> -> memref<25088x128xf32, #tpu.memory_space<hbm>>
    tpu.enqueue_indirect_dma source(%dma_start3A_710 : memref<25088x128xf32, #tpu.memory_space<hbm>>) target(%arg8 : memref<128x128xf32, #tpu.memory_space<vmem>>) offsets(%dma_start3A_707 : memref<128xi32, #tpu.memory_space<vmem>>) semaphore(%arg11 : memref<!tpu.dma_semaphore, #tpu.memory_space<semaphore_mem>>)
    %dma_wait3A = arith.constant 0 : i32
    %dma_wait3A_711 = tpu.memref_slice %arg6[%dma_wait3A] : memref<512xi32, #tpu.memory_space<vmem>> -> memref<128xi32, #tpu.memory_space<vmem>>
    %dma_wait3A_712 = arith.constant 0 : i32
    %dma_wait3A_713 = arith.constant 0 : i32
    %dma_wait3A_714 = tpu.memref_slice %arg2[%dma_wait3A_712, %dma_wait3A_713] : memref<25088x128xf32, #tpu.memory_space<hbm>> -> memref<25088x128xf32, #tpu.memory_space<hbm>>
    tpu.wait_indirect_dma semaphore(%arg10 : memref<!tpu.dma_semaphore, #tpu.memory_space<semaphore_mem>>) src(%dma_wait3A_714 : memref<25088x128xf32, #tpu.memory_space<hbm>>) dst(%arg7 : memref<128x128xf32, #tpu.memory_space<vmem>>)
    %scan3A = arith.constant 0 : i32
    %scan3A_715 = arith.constant 0 : i32
    %scan3A_716 = arith.constant 8 : i32
    %scan3A_717 = arith.addi %scan3A_715, %scan3A_716 : i32
    %scan3A_718 = arith.constant 1 : i32
    scf.for %scan3A_763 = %scan3A_715 to %scan3A_717 step %scan3A_718  : i32 {
      %mul3A_764 = arith.constant 16 : i32
      %mul3A_765 = arith.muli %scan3A_763, %mul3A_764 : i32
      %add3A_766 = arith.constant 0 : i32
      %add3A_767 = arith.addi %add3A_766, %mul3A_765 : i32
      %get3A_768 = arith.index_cast %add3A_767 : i32 to index
      %get3A_769 = tpu.vector_load %arg5[%get3A_768] {strides = array<i32>} : memref<512xi32, #tpu.memory_space<vmem>>, vector<16xi32>,
      %ge3A_770 = arith.constant 25088 : i32
      %ge3A_771 = vector.broadcast %ge3A_770 : i32 to vector<16xi32>
      %ge3A_772 = arith.cmpi sge, %get3A_769, %ge3A_771 : vector<16xi32>
      %convert_element_type3A_773 = arith.extui %ge3A_772 : vector<16xi1> to vector<16xi32>
      %ge3A_774 = arith.constant 50176 : i32
      %ge3A_775 = vector.broadcast %ge3A_774 : i32 to vector<16xi32>
      %ge3A_776 = arith.cmpi sge, %get3A_769, %ge3A_775 : vector<16xi32>
      %convert_element_type3A_777 = arith.extui %ge3A_776 : vector<16xi1> to vector<16xi32>
      %add3A_778 = arith.addi %convert_element_type3A_773, %convert_element_type3A_777 : vector<16xi32>
      %ge3A_779 = arith.constant 75264 : i32
      %ge3A_780 = vector.broadcast %ge3A_779 : i32 to vector<16xi32>
      %ge3A_781 = arith.cmpi sge, %get3A_769, %ge3A_780 : vector<16xi32>
      %convert_element_type3A_782 = arith.extui %ge3A_781 : vector<16xi1> to vector<16xi32>
      %add3A_783 = arith.addi %add3A_778, %convert_element_type3A_782 : vector<16xi32>
      %shift_left3A = arith.constant 5 : i32
      %shift_left3A_784 = vector.broadcast %shift_left3A : i32 to vector<16xi32>
      %shift_left3A_785 = arith.shli %add3A_783, %shift_left3A_784 : vector<16xi32>
      %mul3A_786 = arith.constant 16 : i32
      %mul3A_787 = arith.muli %scan3A_763, %mul3A_786 : i32
      %add3A_788 = vector.broadcast %mul3A_787 : i32 to vector<16xi32>
      %add3A_789 = arith.addi %add3A_788, %iota3A : vector<16xi32>
      %add3A_790 = arith.constant 0 : i32
      %add3A_791 = vector.broadcast %add3A_790 : i32 to vector<16xi32>
      %add3A_792 = arith.addi %shift_left3A_785, %add3A_791 : vector<16xi32>
      %gather3A = tpu.vector_load_idx %arg7[%add3A_789, %add3A_792] : memref<128x128xf32, #tpu.memory_space<vmem>>[vector<16xi32>, vector<16xi32>], vector<16xf32>,
      %add3A_793 = arith.constant 1 : i32
      %add3A_794 = vector.broadcast %add3A_793 : i32 to vector<16xi32>
      %add3A_795 = arith.addi %shift_left3A_785, %add3A_794 : vector<16xi32>
      %gather3A_796 = tpu.vector_load_idx %arg7[%add3A_789, %add3A_795] : memref<128x128xf32, #tpu.memory_space<vmem>>[vector<16xi32>, vector<16xi32>], vector<16xf32>,
      %add3A_797 = arith.constant 2 : i32
      %add3A_798 = vector.broadcast %add3A_797 : i32 to vector<16xi32>
      %add3A_799 = arith.addi %shift_left3A_785, %add3A_798 : vector<16xi32>
      %gather3A_800 = tpu.vector_load_idx %arg7[%add3A_789, %add3A_799] : memref<128x128xf32, #tpu.memory_space<vmem>>[vector<16xi32>, vector<16xi32>], vector<16xf32>,
      %add3A_801 = arith.constant 3 : i32
      %add3A_802 = vector.broadcast %add3A_801 : i32 to vector<16xi32>
      %add3A_803 = arith.addi %shift_left3A_785, %add3A_802 : vector<16xi32>
      %gather3A_804 = tpu.vector_load_idx %arg7[%add3A_789, %add3A_803] : memref<128x128xf32, #tpu.memory_space<vmem>>[vector<16xi32>, vector<16xi32>], vector<16xf32>,
      %add3A_805 = arith.constant 4 : i32
      %add3A_806 = vector.broadcast %add3A_805 : i32 to vector<16xi32>
      %add3A_807 = arith.addi %shift_left3A_785, %add3A_806 : vector<16xi32>
      %gather3A_808 = tpu.vector_load_idx %arg7[%add3A_789, %add3A_807] : memref<128x128xf32, #tpu.memory_space<vmem>>[vector<16xi32>, vector<16xi32>], vector<16xf32>,
      %add3A_809 = arith.constant 5 : i32
      %add3A_810 = vector.broadcast %add3A_809 : i32 to vector<16xi32>
      %add3A_811 = arith.addi %shift_left3A_785, %add3A_810 : vector<16xi32>
      %gather3A_812 = tpu.vector_load_idx %arg7[%add3A_789, %add3A_811] : memref<128x128xf32, #tpu.memory_space<vmem>>[vector<16xi32>, vector<16xi32>], vector<16xf32>,
      %add3A_813 = arith.constant 6 : i32
      %add3A_814 = vector.broadcast %add3A_813 : i32 to vector<16xi32>
      %add3A_815 = arith.addi %shift_left3A_785, %add3A_814 : vector<16xi32>
      %gather3A_816 = tpu.vector_load_idx %arg7[%add3A_789, %add3A_815] : memref<128x128xf32, #tpu.memory_space<vmem>>[vector<16xi32>, vector<16xi32>], vector<16xf32>,
      %add3A_817 = arith.constant 7 : i32
      %add3A_818 = vector.broadcast %add3A_817 : i32 to vector<16xi32>
      %add3A_819 = arith.addi %shift_left3A_785, %add3A_818 : vector<16xi32>
      %gather3A_820 = tpu.vector_load_idx %arg7[%add3A_789, %add3A_819] : memref<128x128xf32, #tpu.memory_space<vmem>>[vector<16xi32>, vector<16xi32>], vector<16xf32>,
      %add3A_821 = arith.constant 8 : i32
      %add3A_822 = vector.broadcast %add3A_821 : i32 to vector<16xi32>
      %add3A_823 = arith.addi %shift_left3A_785, %add3A_822 : vector<16xi32>
      %gather3A_824 = tpu.vector_load_idx %arg7[%add3A_789, %add3A_823] : memref<128x128xf32, #tpu.memory_space<vmem>>[vector<16xi32>, vector<16xi32>], vector<16xf32>,
      %add3A_825 = arith.constant 9 : i32
      %add3A_826 = vector.broadcast %add3A_825 : i32 to vector<16xi32>
      %add3A_827 = arith.addi %shift_left3A_785, %add3A_826 : vector<16xi32>
      %gather3A_828 = tpu.vector_load_idx %arg7[%add3A_789, %add3A_827] : memref<128x128xf32, #tpu.memory_space<vmem>>[vector<16xi32>, vector<16xi32>], vector<16xf32>,
      %add3A_829 = arith.constant 10 : i32
      %add3A_830 = vector.broadcast %add3A_829 : i32 to vector<16xi32>
      %add3A_831 = arith.addi %shift_left3A_785, %add3A_830 : vector<16xi32>
      %gather3A_832 = tpu.vector_load_idx %arg7[%add3A_789, %add3A_831] : memref<128x128xf32, #tpu.memory_space<vmem>>[vector<16xi32>, vector<16xi32>], vector<16xf32>,
      %add3A_833 = arith.constant 11 : i32
      %add3A_834 = vector.broadcast %add3A_833 : i32 to vector<16xi32>
      %add3A_835 = arith.addi %shift_left3A_785, %add3A_834 : vector<16xi32>
      %gather3A_836 = tpu.vector_load_idx %arg7[%add3A_789, %add3A_835] : memref<128x128xf32, #tpu.memory_space<vmem>>[vector<16xi32>, vector<16xi32>], vector<16xf32>,
      %add3A_837 = arith.constant 12 : i32
      %add3A_838 = vector.broadcast %add3A_837 : i32 to vector<16xi32>
      %add3A_839 = arith.addi %shift_left3A_785, %add3A_838 : vector<16xi32>
      %gather3A_840 = tpu.vector_load_idx %arg7[%add3A_789, %add3A_839] : memref<128x128xf32, #tpu.memory_space<vmem>>[vector<16xi32>, vector<16xi32>], vector<16xf32>,
      %add3A_841 = arith.constant 13 : i32
      %add3A_842 = vector.broadcast %add3A_841 : i32 to vector<16xi32>
      %add3A_843 = arith.addi %shift_left3A_785, %add3A_842 : vector<16xi32>
      %gather3A_844 = tpu.vector_load_idx %arg7[%add3A_789, %add3A_843] : memref<128x128xf32, #tpu.memory_space<vmem>>[vector<16xi32>, vector<16xi32>], vector<16xf32>,
      %add3A_845 = arith.constant 14 : i32
      %add3A_846 = vector.broadcast %add3A_845 : i32 to vector<16xi32>
      %add3A_847 = arith.addi %shift_left3A_785, %add3A_846 : vector<16xi32>
      %gather3A_848 = tpu.vector_load_idx %arg7[%add3A_789, %add3A_847] : memref<128x128xf32, #tpu.memory_space<vmem>>[vector<16xi32>, vector<16xi32>], vector<16xf32>,
      %add3A_849 = arith.constant 15 : i32
      %add3A_850 = vector.broadcast %add3A_849 : i32 to vector<16xi32>
      %add3A_851 = arith.addi %shift_left3A_785, %add3A_850 : vector<16xi32>
      %gather3A_852 = tpu.vector_load_idx %arg7[%add3A_789, %add3A_851] : memref<128x128xf32, #tpu.memory_space<vmem>>[vector<16xi32>, vector<16xi32>], vector<16xf32>,
      %add3A_853 = arith.constant 16 : i32
      %add3A_854 = vector.broadcast %add3A_853 : i32 to vector<16xi32>
      %add3A_855 = arith.addi %shift_left3A_785, %add3A_854 : vector<16xi32>
      %gather3A_856 = tpu.vector_load_idx %arg7[%add3A_789, %add3A_855] : memref<128x128xf32, #tpu.memory_space<vmem>>[vector<16xi32>, vector<16xi32>], vector<16xf32>,
      %add3A_857 = arith.constant 17 : i32
      %add3A_858 = vector.broadcast %add3A_857 : i32 to vector<16xi32>
      %add3A_859 = arith.addi %shift_left3A_785, %add3A_858 : vector<16xi32>
      %gather3A_860 = tpu.vector_load_idx %arg7[%add3A_789, %add3A_859] : memref<128x128xf32, #tpu.memory_space<vmem>>[vector<16xi32>, vector<16xi32>], vector<16xf32>,
      %add3A_861 = arith.constant 18 : i32
      %add3A_862 = vector.broadcast %add3A_861 : i32 to vector<16xi32>
      %add3A_863 = arith.addi %shift_left3A_785, %add3A_862 : vector<16xi32>
      %gather3A_864 = tpu.vector_load_idx %arg7[%add3A_789, %add3A_863] : memref<128x128xf32, #tpu.memory_space<vmem>>[vector<16xi32>, vector<16xi32>], vector<16xf32>,
      %add3A_865 = arith.constant 19 : i32
      %add3A_866 = vector.broadcast %add3A_865 : i32 to vector<16xi32>
      %add3A_867 = arith.addi %shift_left3A_785, %add3A_866 : vector<16xi32>
      %gather3A_868 = tpu.vector_load_idx %arg7[%add3A_789, %add3A_867] : memref<128x128xf32, #tpu.memory_space<vmem>>[vector<16xi32>, vector<16xi32>], vector<16xf32>,
      %add3A_869 = arith.constant 20 : i32
      %add3A_870 = vector.broadcast %add3A_869 : i32 to vector<16xi32>
      %add3A_871 = arith.addi %shift_left3A_785, %add3A_870 : vector<16xi32>
      %gather3A_872 = tpu.vector_load_idx %arg7[%add3A_789, %add3A_871] : memref<128x128xf32, #tpu.memory_space<vmem>>[vector<16xi32>, vector<16xi32>], vector<16xf32>,
      %add3A_873 = arith.constant 21 : i32
      %add3A_874 = vector.broadcast %add3A_873 : i32 to vector<16xi32>
      %add3A_875 = arith.addi %shift_left3A_785, %add3A_874 : vector<16xi32>
      %gather3A_876 = tpu.vector_load_idx %arg7[%add3A_789, %add3A_875] : memref<128x128xf32, #tpu.memory_space<vmem>>[vector<16xi32>, vector<16xi32>], vector<16xf32>,
      %add3A_877 = arith.constant 22 : i32
      %add3A_878 = vector.broadcast %add3A_877 : i32 to vector<16xi32>
      %add3A_879 = arith.addi %shift_left3A_785, %add3A_878 : vector<16xi32>
      %gather3A_880 = tpu.vector_load_idx %arg7[%add3A_789, %add3A_879] : memref<128x128xf32, #tpu.memory_space<vmem>>[vector<16xi32>, vector<16xi32>], vector<16xf32>,
      %add3A_881 = arith.constant 23 : i32
      %add3A_882 = vector.broadcast %add3A_881 : i32 to vector<16xi32>
      %add3A_883 = arith.addi %shift_left3A_785, %add3A_882 : vector<16xi32>
      %gather3A_884 = tpu.vector_load_idx %arg7[%add3A_789, %add3A_883] : memref<128x128xf32, #tpu.memory_space<vmem>>[vector<16xi32>, vector<16xi32>], vector<16xf32>,
      %add3A_885 = arith.constant 24 : i32
      %add3A_886 = vector.broadcast %add3A_885 : i32 to vector<16xi32>
      %add3A_887 = arith.addi %shift_left3A_785, %add3A_886 : vector<16xi32>
      %gather3A_888 = tpu.vector_load_idx %arg7[%add3A_789, %add3A_887] : memref<128x128xf32, #tpu.memory_space<vmem>>[vector<16xi32>, vector<16xi32>], vector<16xf32>,
      %add3A_889 = arith.constant 25 : i32
      %add3A_890 = vector.broadcast %add3A_889 : i32 to vector<16xi32>
      %add3A_891 = arith.addi %shift_left3A_785, %add3A_890 : vector<16xi32>
      %gather3A_892 = tpu.vector_load_idx %arg7[%add3A_789, %add3A_891] : memref<128x128xf32, #tpu.memory_space<vmem>>[vector<16xi32>, vector<16xi32>], vector<16xf32>,
      %add3A_893 = arith.constant 26 : i32
      %add3A_894 = vector.broadcast %add3A_893 : i32 to vector<16xi32>
      %add3A_895 = arith.addi %shift_left3A_785, %add3A_894 : vector<16xi32>
      %gather3A_896 = tpu.vector_load_idx %arg7[%add3A_789, %add3A_895] : memref<128x128xf32, #tpu.memory_space<vmem>>[vector<16xi32>, vector<16xi32>], vector<16xf32>,
      %add3A_897 = arith.constant 27 : i32
      %add3A_898 = vector.broadcast %add3A_897 : i32 to vector<16xi32>
      %add3A_899 = arith.addi %shift_left3A_785, %add3A_898 : vector<16xi32>
      %gather3A_900 = tpu.vector_load_idx %arg7[%add3A_789, %add3A_899] : memref<128x128xf32, #tpu.memory_space<vmem>>[vector<16xi32>, vector<16xi32>], vector<16xf32>,
      %add3A_901 = arith.constant 28 : i32
      %add3A_902 = vector.broadcast %add3A_901 : i32 to vector<16xi32>
      %add3A_903 = arith.addi %shift_left3A_785, %add3A_902 : vector<16xi32>
      %gather3A_904 = tpu.vector_load_idx %arg7[%add3A_789, %add3A_903] : memref<128x128xf32, #tpu.memory_space<vmem>>[vector<16xi32>, vector<16xi32>], vector<16xf32>,
      %add3A_905 = arith.constant 29 : i32
      %add3A_906 = vector.broadcast %add3A_905 : i32 to vector<16xi32>
      %add3A_907 = arith.addi %shift_left3A_785, %add3A_906 : vector<16xi32>
      %gather3A_908 = tpu.vector_load_idx %arg7[%add3A_789, %add3A_907] : memref<128x128xf32, #tpu.memory_space<vmem>>[vector<16xi32>, vector<16xi32>], vector<16xf32>,
      %add3A_909 = arith.constant 30 : i32
      %add3A_910 = vector.broadcast %add3A_909 : i32 to vector<16xi32>
      %add3A_911 = arith.addi %shift_left3A_785, %add3A_910 : vector<16xi32>
      %gather3A_912 = tpu.vector_load_idx %arg7[%add3A_789, %add3A_911] : memref<128x128xf32, #tpu.memory_space<vmem>>[vector<16xi32>, vector<16xi32>], vector<16xf32>,
      %add3A_913 = arith.constant 31 : i32
      %add3A_914 = vector.broadcast %add3A_913 : i32 to vector<16xi32>
      %add3A_915 = arith.addi %shift_left3A_785, %add3A_914 : vector<16xi32>
      %gather3A_916 = tpu.vector_load_idx %arg7[%add3A_789, %add3A_915] : memref<128x128xf32, #tpu.memory_space<vmem>>[vector<16xi32>, vector<16xi32>], vector<16xf32>,
      %swap3A_917 = arith.constant 0 : i32
      %swap3A_918 = arith.index_cast %swap3A_917 : i32 to index
      %swap3A_919 = arith.index_cast %add3A_767 : i32 to index
      %swap3A_920 = tpu.vector_load %arg9[%swap3A_918, %swap3A_919] {strides = array<i32>} : memref<32x512xf32, #tpu.memory_space<vmem>>, vector<16xf32>,
      tpu.vector_store %arg9[%swap3A_918, %swap3A_919], %gather3A {strides = array<i32>} : memref<32x512xf32, #tpu.memory_space<vmem>>, vector<16xf32>,
      %swap3A_921 = arith.constant 1 : i32
      %swap3A_922 = arith.index_cast %swap3A_921 : i32 to index
      %swap3A_923 = arith.index_cast %add3A_767 : i32 to index
      %swap3A_924 = tpu.vector_load %arg9[%swap3A_922, %swap3A_923] {strides = array<i32>} : memref<32x512xf32, #tpu.memory_space<vmem>>, vector<16xf32>,
      tpu.vector_store %arg9[%swap3A_922, %swap3A_923], %gather3A_796 {strides = array<i32>} : memref<32x512xf32, #tpu.memory_space<vmem>>, vector<16xf32>,
      %swap3A_925 = arith.constant 2 : i32
      %swap3A_926 = arith.index_cast %swap3A_925 : i32 to index
      %swap3A_927 = arith.index_cast %add3A_767 : i32 to index
      %swap3A_928 = tpu.vector_load %arg9[%swap3A_926, %swap3A_927] {strides = array<i32>} : memref<32x512xf32, #tpu.memory_space<vmem>>, vector<16xf32>,
      tpu.vector_store %arg9[%swap3A_926, %swap3A_927], %gather3A_800 {strides = array<i32>} : memref<32x512xf32, #tpu.memory_space<vmem>>, vector<16xf32>,
      %swap3A_929 = arith.constant 3 : i32
      %swap3A_930 = arith.index_cast %swap3A_929 : i32 to index
      %swap3A_931 = arith.index_cast %add3A_767 : i32 to index
      %swap3A_932 = tpu.vector_load %arg9[%swap3A_930, %swap3A_931] {strides = array<i32>} : memref<32x512xf32, #tpu.memory_space<vmem>>, vector<16xf32>,
      tpu.vector_store %arg9[%swap3A_930, %swap3A_931], %gather3A_804 {strides = array<i32>} : memref<32x512xf32, #tpu.memory_space<vmem>>, vector<16xf32>,
      %swap3A_933 = arith.constant 4 : i32
      %swap3A_934 = arith.index_cast %swap3A_933 : i32 to index
      %swap3A_935 = arith.index_cast %add3A_767 : i32 to index
      %swap3A_936 = tpu.vector_load %arg9[%swap3A_934, %swap3A_935] {strides = array<i32>} : memref<32x512xf32, #tpu.memory_space<vmem>>, vector<16xf32>,
      tpu.vector_store %arg9[%swap3A_934, %swap3A_935], %gather3A_808 {strides = array<i32>} : memref<32x512xf32, #tpu.memory_space<vmem>>, vector<16xf32>,
      %swap3A_937 = arith.constant 5 : i32
      %swap3A_938 = arith.index_cast %swap3A_937 : i32 to index
      %swap3A_939 = arith.index_cast %add3A_767 : i32 to index
      %swap3A_940 = tpu.vector_load %arg9[%swap3A_938, %swap3A_939] {strides = array<i32>} : memref<32x512xf32, #tpu.memory_space<vmem>>, vector<16xf32>,
      tpu.vector_store %arg9[%swap3A_938, %swap3A_939], %gather3A_812 {strides = array<i32>} : memref<32x512xf32, #tpu.memory_space<vmem>>, vector<16xf32>,
      %swap3A_941 = arith.constant 6 : i32
      %swap3A_942 = arith.index_cast %swap3A_941 : i32 to index
      %swap3A_943 = arith.index_cast %add3A_767 : i32 to index
      %swap3A_944 = tpu.vector_load %arg9[%swap3A_942, %swap3A_943] {strides = array<i32>} : memref<32x512xf32, #tpu.memory_space<vmem>>, vector<16xf32>,
      tpu.vector_store %arg9[%swap3A_942, %swap3A_943], %gather3A_816 {strides = array<i32>} : memref<32x512xf32, #tpu.memory_space<vmem>>, vector<16xf32>,
      %swap3A_945 = arith.constant 7 : i32
      %swap3A_946 = arith.index_cast %swap3A_945 : i32 to index
      %swap3A_947 = arith.index_cast %add3A_767 : i32 to index
      %swap3A_948 = tpu.vector_load %arg9[%swap3A_946, %swap3A_947] {strides = array<i32>} : memref<32x512xf32, #tpu.memory_space<vmem>>, vector<16xf32>,
      tpu.vector_store %arg9[%swap3A_946, %swap3A_947], %gather3A_820 {strides = array<i32>} : memref<32x512xf32, #tpu.memory_space<vmem>>, vector<16xf32>,
      %swap3A_949 = arith.constant 8 : i32
      %swap3A_950 = arith.index_cast %swap3A_949 : i32 to index
      %swap3A_951 = arith.index_cast %add3A_767 : i32 to index
      %swap3A_952 = tpu.vector_load %arg9[%swap3A_950, %swap3A_951] {strides = array<i32>} : memref<32x512xf32, #tpu.memory_space<vmem>>, vector<16xf32>,
      tpu.vector_store %arg9[%swap3A_950, %swap3A_951], %gather3A_824 {strides = array<i32>} : memref<32x512xf32, #tpu.memory_space<vmem>>, vector<16xf32>,
      %swap3A_953 = arith.constant 9 : i32
      %swap3A_954 = arith.index_cast %swap3A_953 : i32 to index
      %swap3A_955 = arith.index_cast %add3A_767 : i32 to index
      %swap3A_956 = tpu.vector_load %arg9[%swap3A_954, %swap3A_955] {strides = array<i32>} : memref<32x512xf32, #tpu.memory_space<vmem>>, vector<16xf32>,
      tpu.vector_store %arg9[%swap3A_954, %swap3A_955], %gather3A_828 {strides = array<i32>} : memref<32x512xf32, #tpu.memory_space<vmem>>, vector<16xf32>,
      %swap3A_957 = arith.constant 10 : i32
      %swap3A_958 = arith.index_cast %swap3A_957 : i32 to index
      %swap3A_959 = arith.index_cast %add3A_767 : i32 to index
      %swap3A_960 = tpu.vector_load %arg9[%swap3A_958, %swap3A_959] {strides = array<i32>} : memref<32x512xf32, #tpu.memory_space<vmem>>, vector<16xf32>,
      tpu.vector_store %arg9[%swap3A_958, %swap3A_959], %gather3A_832 {strides = array<i32>} : memref<32x512xf32, #tpu.memory_space<vmem>>, vector<16xf32>,
      %swap3A_961 = arith.constant 11 : i32
      %swap3A_962 = arith.index_cast %swap3A_961 : i32 to index
      %swap3A_963 = arith.index_cast %add3A_767 : i32 to index
      %swap3A_964 = tpu.vector_load %arg9[%swap3A_962, %swap3A_963] {strides = array<i32>} : memref<32x512xf32, #tpu.memory_space<vmem>>, vector<16xf32>,
      tpu.vector_store %arg9[%swap3A_962, %swap3A_963], %gather3A_836 {strides = array<i32>} : memref<32x512xf32, #tpu.memory_space<vmem>>, vector<16xf32>,
      %swap3A_965 = arith.constant 12 : i32
      %swap3A_966 = arith.index_cast %swap3A_965 : i32 to index
      %swap3A_967 = arith.index_cast %add3A_767 : i32 to index
      %swap3A_968 = tpu.vector_load %arg9[%swap3A_966, %swap3A_967] {strides = array<i32>} : memref<32x512xf32, #tpu.memory_space<vmem>>, vector<16xf32>,
      tpu.vector_store %arg9[%swap3A_966, %swap3A_967], %gather3A_840 {strides = array<i32>} : memref<32x512xf32, #tpu.memory_space<vmem>>, vector<16xf32>,
      %swap3A_969 = arith.constant 13 : i32
      %swap3A_970 = arith.index_cast %swap3A_969 : i32 to index
      %swap3A_971 = arith.index_cast %add3A_767 : i32 to index
      %swap3A_972 = tpu.vector_load %arg9[%swap3A_970, %swap3A_971] {strides = array<i32>} : memref<32x512xf32, #tpu.memory_space<vmem>>, vector<16xf32>,
      tpu.vector_store %arg9[%swap3A_970, %swap3A_971], %gather3A_844 {strides = array<i32>} : memref<32x512xf32, #tpu.memory_space<vmem>>, vector<16xf32>,
      %swap3A_973 = arith.constant 14 : i32
      %swap3A_974 = arith.index_cast %swap3A_973 : i32 to index
      %swap3A_975 = arith.index_cast %add3A_767 : i32 to index
      %swap3A_976 = tpu.vector_load %arg9[%swap3A_974, %swap3A_975] {strides = array<i32>} : memref<32x512xf32, #tpu.memory_space<vmem>>, vector<16xf32>,
      tpu.vector_store %arg9[%swap3A_974, %swap3A_975], %gather3A_848 {strides = array<i32>} : memref<32x512xf32, #tpu.memory_space<vmem>>, vector<16xf32>,
      %swap3A_977 = arith.constant 15 : i32
      %swap3A_978 = arith.index_cast %swap3A_977 : i32 to index
      %swap3A_979 = arith.index_cast %add3A_767 : i32 to index
      %swap3A_980 = tpu.vector_load %arg9[%swap3A_978, %swap3A_979] {strides = array<i32>} : memref<32x512xf32, #tpu.memory_space<vmem>>, vector<16xf32>,
      tpu.vector_store %arg9[%swap3A_978, %swap3A_979], %gather3A_852 {strides = array<i32>} : memref<32x512xf32, #tpu.memory_space<vmem>>, vector<16xf32>,
      %swap3A_981 = arith.constant 16 : i32
      %swap3A_982 = arith.index_cast %swap3A_981 : i32 to index
      %swap3A_983 = arith.index_cast %add3A_767 : i32 to index
      %swap3A_984 = tpu.vector_load %arg9[%swap3A_982, %swap3A_983] {strides = array<i32>} : memref<32x512xf32, #tpu.memory_space<vmem>>, vector<16xf32>,
      tpu.vector_store %arg9[%swap3A_982, %swap3A_983], %gather3A_856 {strides = array<i32>} : memref<32x512xf32, #tpu.memory_space<vmem>>, vector<16xf32>,
      %swap3A_985 = arith.constant 17 : i32
      %swap3A_986 = arith.index_cast %swap3A_985 : i32 to index
      %swap3A_987 = arith.index_cast %add3A_767 : i32 to index
      %swap3A_988 = tpu.vector_load %arg9[%swap3A_986, %swap3A_987] {strides = array<i32>} : memref<32x512xf32, #tpu.memory_space<vmem>>, vector<16xf32>,
      tpu.vector_store %arg9[%swap3A_986, %swap3A_987], %gather3A_860 {strides = array<i32>} : memref<32x512xf32, #tpu.memory_space<vmem>>, vector<16xf32>,
      %swap3A_989 = arith.constant 18 : i32
      %swap3A_990 = arith.index_cast %swap3A_989 : i32 to index
      %swap3A_991 = arith.index_cast %add3A_767 : i32 to index
      %swap3A_992 = tpu.vector_load %arg9[%swap3A_990, %swap3A_991] {strides = array<i32>} : memref<32x512xf32, #tpu.memory_space<vmem>>, vector<16xf32>,
      tpu.vector_store %arg9[%swap3A_990, %swap3A_991], %gather3A_864 {strides = array<i32>} : memref<32x512xf32, #tpu.memory_space<vmem>>, vector<16xf32>,
      %swap3A_993 = arith.constant 19 : i32
      %swap3A_994 = arith.index_cast %swap3A_993 : i32 to index
      %swap3A_995 = arith.index_cast %add3A_767 : i32 to index
      %swap3A_996 = tpu.vector_load %arg9[%swap3A_994, %swap3A_995] {strides = array<i32>} : memref<32x512xf32, #tpu.memory_space<vmem>>, vector<16xf32>,
      tpu.vector_store %arg9[%swap3A_994, %swap3A_995], %gather3A_868 {strides = array<i32>} : memref<32x512xf32, #tpu.memory_space<vmem>>, vector<16xf32>,
      %swap3A_997 = arith.constant 20 : i32
      %swap3A_998 = arith.index_cast %swap3A_997 : i32 to index
      %swap3A_999 = arith.index_cast %add3A_767 : i32 to index
      %swap3A_1000 = tpu.vector_load %arg9[%swap3A_998, %swap3A_999] {strides = array<i32>} : memref<32x512xf32, #tpu.memory_space<vmem>>, vector<16xf32>,
      tpu.vector_store %arg9[%swap3A_998, %swap3A_999], %gather3A_872 {strides = array<i32>} : memref<32x512xf32, #tpu.memory_space<vmem>>, vector<16xf32>,
      %swap3A_1001 = arith.constant 21 : i32
      %swap3A_1002 = arith.index_cast %swap3A_1001 : i32 to index
      %swap3A_1003 = arith.index_cast %add3A_767 : i32 to index
      %swap3A_1004 = tpu.vector_load %arg9[%swap3A_1002, %swap3A_1003] {strides = array<i32>} : memref<32x512xf32, #tpu.memory_space<vmem>>, vector<16xf32>,
      tpu.vector_store %arg9[%swap3A_1002, %swap3A_1003], %gather3A_876 {strides = array<i32>} : memref<32x512xf32, #tpu.memory_space<vmem>>, vector<16xf32>,
      %swap3A_1005 = arith.constant 22 : i32
      %swap3A_1006 = arith.index_cast %swap3A_1005 : i32 to index
      %swap3A_1007 = arith.index_cast %add3A_767 : i32 to index
      %swap3A_1008 = tpu.vector_load %arg9[%swap3A_1006, %swap3A_1007] {strides = array<i32>} : memref<32x512xf32, #tpu.memory_space<vmem>>, vector<16xf32>,
      tpu.vector_store %arg9[%swap3A_1006, %swap3A_1007], %gather3A_880 {strides = array<i32>} : memref<32x512xf32, #tpu.memory_space<vmem>>, vector<16xf32>,
      %swap3A_1009 = arith.constant 23 : i32
      %swap3A_1010 = arith.index_cast %swap3A_1009 : i32 to index
      %swap3A_1011 = arith.index_cast %add3A_767 : i32 to index
      %swap3A_1012 = tpu.vector_load %arg9[%swap3A_1010, %swap3A_1011] {strides = array<i32>} : memref<32x512xf32, #tpu.memory_space<vmem>>, vector<16xf32>,
      tpu.vector_store %arg9[%swap3A_1010, %swap3A_1011], %gather3A_884 {strides = array<i32>} : memref<32x512xf32, #tpu.memory_space<vmem>>, vector<16xf32>,
      %swap3A_1013 = arith.constant 24 : i32
      %swap3A_1014 = arith.index_cast %swap3A_1013 : i32 to index
      %swap3A_1015 = arith.index_cast %add3A_767 : i32 to index
      %swap3A_1016 = tpu.vector_load %arg9[%swap3A_1014, %swap3A_1015] {strides = array<i32>} : memref<32x512xf32, #tpu.memory_space<vmem>>, vector<16xf32>,
      tpu.vector_store %arg9[%swap3A_1014, %swap3A_1015], %gather3A_888 {strides = array<i32>} : memref<32x512xf32, #tpu.memory_space<vmem>>, vector<16xf32>,
      %swap3A_1017 = arith.constant 25 : i32
      %swap3A_1018 = arith.index_cast %swap3A_1017 : i32 to index
      %swap3A_1019 = arith.index_cast %add3A_767 : i32 to index
      %swap3A_1020 = tpu.vector_load %arg9[%swap3A_1018, %swap3A_1019] {strides = array<i32>} : memref<32x512xf32, #tpu.memory_space<vmem>>, vector<16xf32>,
      tpu.vector_store %arg9[%swap3A_1018, %swap3A_1019], %gather3A_892 {strides = array<i32>} : memref<32x512xf32, #tpu.memory_space<vmem>>, vector<16xf32>,
      %swap3A_1021 = arith.constant 26 : i32
      %swap3A_1022 = arith.index_cast %swap3A_1021 : i32 to index
      %swap3A_1023 = arith.index_cast %add3A_767 : i32 to index
      %swap3A_1024 = tpu.vector_load %arg9[%swap3A_1022, %swap3A_1023] {strides = array<i32>} : memref<32x512xf32, #tpu.memory_space<vmem>>, vector<16xf32>,
      tpu.vector_store %arg9[%swap3A_1022, %swap3A_1023], %gather3A_896 {strides = array<i32>} : memref<32x512xf32, #tpu.memory_space<vmem>>, vector<16xf32>,
      %swap3A_1025 = arith.constant 27 : i32
      %swap3A_1026 = arith.index_cast %swap3A_1025 : i32 to index
      %swap3A_1027 = arith.index_cast %add3A_767 : i32 to index
      %swap3A_1028 = tpu.vector_load %arg9[%swap3A_1026, %swap3A_1027] {strides = array<i32>} : memref<32x512xf32, #tpu.memory_space<vmem>>, vector<16xf32>,
      tpu.vector_store %arg9[%swap3A_1026, %swap3A_1027], %gather3A_900 {strides = array<i32>} : memref<32x512xf32, #tpu.memory_space<vmem>>, vector<16xf32>,
      %swap3A_1029 = arith.constant 28 : i32
      %swap3A_1030 = arith.index_cast %swap3A_1029 : i32 to index
      %swap3A_1031 = arith.index_cast %add3A_767 : i32 to index
      %swap3A_1032 = tpu.vector_load %arg9[%swap3A_1030, %swap3A_1031] {strides = array<i32>} : memref<32x512xf32, #tpu.memory_space<vmem>>, vector<16xf32>,
      tpu.vector_store %arg9[%swap3A_1030, %swap3A_1031], %gather3A_904 {strides = array<i32>} : memref<32x512xf32, #tpu.memory_space<vmem>>, vector<16xf32>,
      %swap3A_1033 = arith.constant 29 : i32
      %swap3A_1034 = arith.index_cast %swap3A_1033 : i32 to index
      %swap3A_1035 = arith.index_cast %add3A_767 : i32 to index
      %swap3A_1036 = tpu.vector_load %arg9[%swap3A_1034, %swap3A_1035] {strides = array<i32>} : memref<32x512xf32, #tpu.memory_space<vmem>>, vector<16xf32>,
      tpu.vector_store %arg9[%swap3A_1034, %swap3A_1035], %gather3A_908 {strides = array<i32>} : memref<32x512xf32, #tpu.memory_space<vmem>>, vector<16xf32>,
      %swap3A_1037 = arith.constant 30 : i32
      %swap3A_1038 = arith.index_cast %swap3A_1037 : i32 to index
      %swap3A_1039 = arith.index_cast %add3A_767 : i32 to index
      %swap3A_1040 = tpu.vector_load %arg9[%swap3A_1038, %swap3A_1039] {strides = array<i32>} : memref<32x512xf32, #tpu.memory_space<vmem>>, vector<16xf32>,
      tpu.vector_store %arg9[%swap3A_1038, %swap3A_1039], %gather3A_912 {strides = array<i32>} : memref<32x512xf32, #tpu.memory_space<vmem>>, vector<16xf32>,
      %swap3A_1041 = arith.constant 31 : i32
      %swap3A_1042 = arith.index_cast %swap3A_1041 : i32 to index
      %swap3A_1043 = arith.index_cast %add3A_767 : i32 to index
      %swap3A_1044 = tpu.vector_load %arg9[%swap3A_1042, %swap3A_1043] {strides = array<i32>} : memref<32x512xf32, #tpu.memory_space<vmem>>, vector<16xf32>,
      tpu.vector_store %arg9[%swap3A_1042, %swap3A_1043], %gather3A_916 {strides = array<i32>} : memref<32x512xf32, #tpu.memory_space<vmem>>, vector<16xf32>,
    }
    %scan3A_719 = arith.constant 8 : i32
    %dma_start3A_720 = arith.constant 256 : i32
    %dma_start3A_721 = tpu.memref_slice %arg6[%dma_start3A_720] : memref<512xi32, #tpu.memory_space<vmem>> -> memref<128xi32, #tpu.memory_space<vmem>>
    %dma_start3A_722 = arith.constant 0 : i32
    %dma_start3A_723 = arith.constant 0 : i32
    %dma_start3A_724 = tpu.memref_slice %arg2[%dma_start3A_722, %dma_start3A_723] : memref<25088x128xf32, #tpu.memory_space<hbm>> -> memref<25088x128xf32, #tpu.memory_space<hbm>>
    tpu.enqueue_indirect_dma source(%dma_start3A_724 : memref<25088x128xf32, #tpu.memory_space<hbm>>) target(%arg7 : memref<128x128xf32, #tpu.memory_space<vmem>>) offsets(%dma_start3A_721 : memref<128xi32, #tpu.memory_space<vmem>>) semaphore(%arg10 : memref<!tpu.dma_semaphore, #tpu.memory_space<semaphore_mem>>)
    %dma_wait3A_725 = arith.constant 128 : i32
    %dma_wait3A_726 = tpu.memref_slice %arg6[%dma_wait3A_725] : memref<512xi32, #tpu.memory_space<vmem>> -> memref<128xi32, #tpu.memory_space<vmem>>
    %dma_wait3A_727 = arith.constant 0 : i32
    %dma_wait3A_728 = arith.constant 0 : i32
    %dma_wait3A_729 = tpu.memref_slice %arg2[%dma_wait3A_727, %dma_wait3A_728] : memref<25088x128xf32, #tpu.memory_space<hbm>> -> memref<25088x128xf32, #tpu.memory_space<hbm>>
    tpu.wait_indirect_dma semaphore(%arg11 : memref<!tpu.dma_semaphore, #tpu.memory_space<semaphore_mem>>) src(%dma_wait3A_729 : memref<25088x128xf32, #tpu.memory_space<hbm>>) dst(%arg8 : memref<128x128xf32, #tpu.memory_space<vmem>>)
    %scan3A_730 = arith.constant 0 : i32
    %scan3A_731 = arith.constant 0 : i32
    %scan3A_732 = arith.constant 8 : i32
    %scan3A_733 = arith.addi %scan3A_731, %scan3A_732 : i32
    %scan3A_734 = arith.constant 1 : i32
    scf.for %scan3A_763 = %scan3A_731 to %scan3A_733 step %scan3A_734  : i32 {
      %mul3A_764 = arith.constant 16 : i32
      %mul3A_765 = arith.muli %scan3A_763, %mul3A_764 : i32
      %add3A_766 = arith.constant 128 : i32
      %add3A_767 = arith.addi %add3A_766, %mul3A_765 : i32
      %get3A_768 = arith.index_cast %add3A_767 : i32 to index
      %get3A_769 = tpu.vector_load %arg5[%get3A_768] {strides = array<i32>} : memref<512xi32, #tpu.memory_space<vmem>>, vector<16xi32>,
      %ge3A_770 = arith.constant 25088 : i32
      %ge3A_771 = vector.broadcast %ge3A_770 : i32 to vector<16xi32>
      %ge3A_772 = arith.cmpi sge, %get3A_769, %ge3A_771 : vector<16xi32>
      %convert_element_type3A_773 = arith.extui %ge3A_772 : vector<16xi1> to vector<16xi32>
      %ge3A_774 = arith.constant 50176 : i32
      %ge3A_775 = vector.broadcast %ge3A_774 : i32 to vector<16xi32>
      %ge3A_776 = arith.cmpi sge, %get3A_769, %ge3A_775 : vector<16xi32>
      %convert_element_type3A_777 = arith.extui %ge3A_776 : vector<16xi1> to vector<16xi32>
      %add3A_778 = arith.addi %convert_element_type3A_773, %convert_element_type3A_777 : vector<16xi32>
      %ge3A_779 = arith.constant 75264 : i32
      %ge3A_780 = vector.broadcast %ge3A_779 : i32 to vector<16xi32>
      %ge3A_781 = arith.cmpi sge, %get3A_769, %ge3A_780 : vector<16xi32>
      %convert_element_type3A_782 = arith.extui %ge3A_781 : vector<16xi1> to vector<16xi32>
      %add3A_783 = arith.addi %add3A_778, %convert_element_type3A_782 : vector<16xi32>
      %shift_left3A = arith.constant 5 : i32
      %shift_left3A_784 = vector.broadcast %shift_left3A : i32 to vector<16xi32>
      %shift_left3A_785 = arith.shli %add3A_783, %shift_left3A_784 : vector<16xi32>
      %mul3A_786 = arith.constant 16 : i32
      %mul3A_787 = arith.muli %scan3A_763, %mul3A_786 : i32
      %add3A_788 = vector.broadcast %mul3A_787 : i32 to vector<16xi32>
      %add3A_789 = arith.addi %add3A_788, %iota3A : vector<16xi32>
      %add3A_790 = arith.constant 0 : i32
      %add3A_791 = vector.broadcast %add3A_790 : i32 to vector<16xi32>
      %add3A_792 = arith.addi %shift_left3A_785, %add3A_791 : vector<16xi32>
      %gather3A = tpu.vector_load_idx %arg8[%add3A_789, %add3A_792] : memref<128x128xf32, #tpu.memory_space<vmem>>[vector<16xi32>, vector<16xi32>], vector<16xf32>,
      %add3A_793 = arith.constant 1 : i32
      %add3A_794 = vector.broadcast %add3A_793 : i32 to vector<16xi32>
      %add3A_795 = arith.addi %shift_left3A_785, %add3A_794 : vector<16xi32>
      %gather3A_796 = tpu.vector_load_idx %arg8[%add3A_789, %add3A_795] : memref<128x128xf32, #tpu.memory_space<vmem>>[vector<16xi32>, vector<16xi32>], vector<16xf32>,
      %add3A_797 = arith.constant 2 : i32
      %add3A_798 = vector.broadcast %add3A_797 : i32 to vector<16xi32>
      %add3A_799 = arith.addi %shift_left3A_785, %add3A_798 : vector<16xi32>
      %gather3A_800 = tpu.vector_load_idx %arg8[%add3A_789, %add3A_799] : memref<128x128xf32, #tpu.memory_space<vmem>>[vector<16xi32>, vector<16xi32>], vector<16xf32>,
      %add3A_801 = arith.constant 3 : i32
      %add3A_802 = vector.broadcast %add3A_801 : i32 to vector<16xi32>
      %add3A_803 = arith.addi %shift_left3A_785, %add3A_802 : vector<16xi32>
      %gather3A_804 = tpu.vector_load_idx %arg8[%add3A_789, %add3A_803] : memref<128x128xf32, #tpu.memory_space<vmem>>[vector<16xi32>, vector<16xi32>], vector<16xf32>,
      %add3A_805 = arith.constant 4 : i32
      %add3A_806 = vector.broadcast %add3A_805 : i32 to vector<16xi32>
      %add3A_807 = arith.addi %shift_left3A_785, %add3A_806 : vector<16xi32>
      %gather3A_808 = tpu.vector_load_idx %arg8[%add3A_789, %add3A_807] : memref<128x128xf32, #tpu.memory_space<vmem>>[vector<16xi32>, vector<16xi32>], vector<16xf32>,
      %add3A_809 = arith.constant 5 : i32
      %add3A_810 = vector.broadcast %add3A_809 : i32 to vector<16xi32>
      %add3A_811 = arith.addi %shift_left3A_785, %add3A_810 : vector<16xi32>
      %gather3A_812 = tpu.vector_load_idx %arg8[%add3A_789, %add3A_811] : memref<128x128xf32, #tpu.memory_space<vmem>>[vector<16xi32>, vector<16xi32>], vector<16xf32>,
      %add3A_813 = arith.constant 6 : i32
      %add3A_814 = vector.broadcast %add3A_813 : i32 to vector<16xi32>
      %add3A_815 = arith.addi %shift_left3A_785, %add3A_814 : vector<16xi32>
      %gather3A_816 = tpu.vector_load_idx %arg8[%add3A_789, %add3A_815] : memref<128x128xf32, #tpu.memory_space<vmem>>[vector<16xi32>, vector<16xi32>], vector<16xf32>,
      %add3A_817 = arith.constant 7 : i32
      %add3A_818 = vector.broadcast %add3A_817 : i32 to vector<16xi32>
      %add3A_819 = arith.addi %shift_left3A_785, %add3A_818 : vector<16xi32>
      %gather3A_820 = tpu.vector_load_idx %arg8[%add3A_789, %add3A_819] : memref<128x128xf32, #tpu.memory_space<vmem>>[vector<16xi32>, vector<16xi32>], vector<16xf32>,
      %add3A_821 = arith.constant 8 : i32
      %add3A_822 = vector.broadcast %add3A_821 : i32 to vector<16xi32>
      %add3A_823 = arith.addi %shift_left3A_785, %add3A_822 : vector<16xi32>
      %gather3A_824 = tpu.vector_load_idx %arg8[%add3A_789, %add3A_823] : memref<128x128xf32, #tpu.memory_space<vmem>>[vector<16xi32>, vector<16xi32>], vector<16xf32>,
      %add3A_825 = arith.constant 9 : i32
      %add3A_826 = vector.broadcast %add3A_825 : i32 to vector<16xi32>
      %add3A_827 = arith.addi %shift_left3A_785, %add3A_826 : vector<16xi32>
      %gather3A_828 = tpu.vector_load_idx %arg8[%add3A_789, %add3A_827] : memref<128x128xf32, #tpu.memory_space<vmem>>[vector<16xi32>, vector<16xi32>], vector<16xf32>,
      %add3A_829 = arith.constant 10 : i32
      %add3A_830 = vector.broadcast %add3A_829 : i32 to vector<16xi32>
      %add3A_831 = arith.addi %shift_left3A_785, %add3A_830 : vector<16xi32>
      %gather3A_832 = tpu.vector_load_idx %arg8[%add3A_789, %add3A_831] : memref<128x128xf32, #tpu.memory_space<vmem>>[vector<16xi32>, vector<16xi32>], vector<16xf32>,
      %add3A_833 = arith.constant 11 : i32
      %add3A_834 = vector.broadcast %add3A_833 : i32 to vector<16xi32>
      %add3A_835 = arith.addi %shift_left3A_785, %add3A_834 : vector<16xi32>
      %gather3A_836 = tpu.vector_load_idx %arg8[%add3A_789, %add3A_835] : memref<128x128xf32, #tpu.memory_space<vmem>>[vector<16xi32>, vector<16xi32>], vector<16xf32>,
      %add3A_837 = arith.constant 12 : i32
      %add3A_838 = vector.broadcast %add3A_837 : i32 to vector<16xi32>
      %add3A_839 = arith.addi %shift_left3A_785, %add3A_838 : vector<16xi32>
      %gather3A_840 = tpu.vector_load_idx %arg8[%add3A_789, %add3A_839] : memref<128x128xf32, #tpu.memory_space<vmem>>[vector<16xi32>, vector<16xi32>], vector<16xf32>,
      %add3A_841 = arith.constant 13 : i32
      %add3A_842 = vector.broadcast %add3A_841 : i32 to vector<16xi32>
      %add3A_843 = arith.addi %shift_left3A_785, %add3A_842 : vector<16xi32>
      %gather3A_844 = tpu.vector_load_idx %arg8[%add3A_789, %add3A_843] : memref<128x128xf32, #tpu.memory_space<vmem>>[vector<16xi32>, vector<16xi32>], vector<16xf32>,
      %add3A_845 = arith.constant 14 : i32
      %add3A_846 = vector.broadcast %add3A_845 : i32 to vector<16xi32>
      %add3A_847 = arith.addi %shift_left3A_785, %add3A_846 : vector<16xi32>
      %gather3A_848 = tpu.vector_load_idx %arg8[%add3A_789, %add3A_847] : memref<128x128xf32, #tpu.memory_space<vmem>>[vector<16xi32>, vector<16xi32>], vector<16xf32>,
      %add3A_849 = arith.constant 15 : i32
      %add3A_850 = vector.broadcast %add3A_849 : i32 to vector<16xi32>
      %add3A_851 = arith.addi %shift_left3A_785, %add3A_850 : vector<16xi32>
      %gather3A_852 = tpu.vector_load_idx %arg8[%add3A_789, %add3A_851] : memref<128x128xf32, #tpu.memory_space<vmem>>[vector<16xi32>, vector<16xi32>], vector<16xf32>,
      %add3A_853 = arith.constant 16 : i32
      %add3A_854 = vector.broadcast %add3A_853 : i32 to vector<16xi32>
      %add3A_855 = arith.addi %shift_left3A_785, %add3A_854 : vector<16xi32>
      %gather3A_856 = tpu.vector_load_idx %arg8[%add3A_789, %add3A_855] : memref<128x128xf32, #tpu.memory_space<vmem>>[vector<16xi32>, vector<16xi32>], vector<16xf32>,
      %add3A_857 = arith.constant 17 : i32
      %add3A_858 = vector.broadcast %add3A_857 : i32 to vector<16xi32>
      %add3A_859 = arith.addi %shift_left3A_785, %add3A_858 : vector<16xi32>
      %gather3A_860 = tpu.vector_load_idx %arg8[%add3A_789, %add3A_859] : memref<128x128xf32, #tpu.memory_space<vmem>>[vector<16xi32>, vector<16xi32>], vector<16xf32>,
      %add3A_861 = arith.constant 18 : i32
      %add3A_862 = vector.broadcast %add3A_861 : i32 to vector<16xi32>
      %add3A_863 = arith.addi %shift_left3A_785, %add3A_862 : vector<16xi32>
      %gather3A_864 = tpu.vector_load_idx %arg8[%add3A_789, %add3A_863] : memref<128x128xf32, #tpu.memory_space<vmem>>[vector<16xi32>, vector<16xi32>], vector<16xf32>,
      %add3A_865 = arith.constant 19 : i32
      %add3A_866 = vector.broadcast %add3A_865 : i32 to vector<16xi32>
      %add3A_867 = arith.addi %shift_left3A_785, %add3A_866 : vector<16xi32>
      %gather3A_868 = tpu.vector_load_idx %arg8[%add3A_789, %add3A_867] : memref<128x128xf32, #tpu.memory_space<vmem>>[vector<16xi32>, vector<16xi32>], vector<16xf32>,
      %add3A_869 = arith.constant 20 : i32
      %add3A_870 = vector.broadcast %add3A_869 : i32 to vector<16xi32>
      %add3A_871 = arith.addi %shift_left3A_785, %add3A_870 : vector<16xi32>
      %gather3A_872 = tpu.vector_load_idx %arg8[%add3A_789, %add3A_871] : memref<128x128xf32, #tpu.memory_space<vmem>>[vector<16xi32>, vector<16xi32>], vector<16xf32>,
      %add3A_873 = arith.constant 21 : i32
      %add3A_874 = vector.broadcast %add3A_873 : i32 to vector<16xi32>
      %add3A_875 = arith.addi %shift_left3A_785, %add3A_874 : vector<16xi32>
      %gather3A_876 = tpu.vector_load_idx %arg8[%add3A_789, %add3A_875] : memref<128x128xf32, #tpu.memory_space<vmem>>[vector<16xi32>, vector<16xi32>], vector<16xf32>,
      %add3A_877 = arith.constant 22 : i32
      %add3A_878 = vector.broadcast %add3A_877 : i32 to vector<16xi32>
      %add3A_879 = arith.addi %shift_left3A_785, %add3A_878 : vector<16xi32>
      %gather3A_880 = tpu.vector_load_idx %arg8[%add3A_789, %add3A_879] : memref<128x128xf32, #tpu.memory_space<vmem>>[vector<16xi32>, vector<16xi32>], vector<16xf32>,
      %add3A_881 = arith.constant 23 : i32
      %add3A_882 = vector.broadcast %add3A_881 : i32 to vector<16xi32>
      %add3A_883 = arith.addi %shift_left3A_785, %add3A_882 : vector<16xi32>
      %gather3A_884 = tpu.vector_load_idx %arg8[%add3A_789, %add3A_883] : memref<128x128xf32, #tpu.memory_space<vmem>>[vector<16xi32>, vector<16xi32>], vector<16xf32>,
      %add3A_885 = arith.constant 24 : i32
      %add3A_886 = vector.broadcast %add3A_885 : i32 to vector<16xi32>
      %add3A_887 = arith.addi %shift_left3A_785, %add3A_886 : vector<16xi32>
      %gather3A_888 = tpu.vector_load_idx %arg8[%add3A_789, %add3A_887] : memref<128x128xf32, #tpu.memory_space<vmem>>[vector<16xi32>, vector<16xi32>], vector<16xf32>,
      %add3A_889 = arith.constant 25 : i32
      %add3A_890 = vector.broadcast %add3A_889 : i32 to vector<16xi32>
      %add3A_891 = arith.addi %shift_left3A_785, %add3A_890 : vector<16xi32>
      %gather3A_892 = tpu.vector_load_idx %arg8[%add3A_789, %add3A_891] : memref<128x128xf32, #tpu.memory_space<vmem>>[vector<16xi32>, vector<16xi32>], vector<16xf32>,
      %add3A_893 = arith.constant 26 : i32
      %add3A_894 = vector.broadcast %add3A_893 : i32 to vector<16xi32>
      %add3A_895 = arith.addi %shift_left3A_785, %add3A_894 : vector<16xi32>
      %gather3A_896 = tpu.vector_load_idx %arg8[%add3A_789, %add3A_895] : memref<128x128xf32, #tpu.memory_space<vmem>>[vector<16xi32>, vector<16xi32>], vector<16xf32>,
      %add3A_897 = arith.constant 27 : i32
      %add3A_898 = vector.broadcast %add3A_897 : i32 to vector<16xi32>
      %add3A_899 = arith.addi %shift_left3A_785, %add3A_898 : vector<16xi32>
      %gather3A_900 = tpu.vector_load_idx %arg8[%add3A_789, %add3A_899] : memref<128x128xf32, #tpu.memory_space<vmem>>[vector<16xi32>, vector<16xi32>], vector<16xf32>,
      %add3A_901 = arith.constant 28 : i32
      %add3A_902 = vector.broadcast %add3A_901 : i32 to vector<16xi32>
      %add3A_903 = arith.addi %shift_left3A_785, %add3A_902 : vector<16xi32>
      %gather3A_904 = tpu.vector_load_idx %arg8[%add3A_789, %add3A_903] : memref<128x128xf32, #tpu.memory_space<vmem>>[vector<16xi32>, vector<16xi32>], vector<16xf32>,
      %add3A_905 = arith.constant 29 : i32
      %add3A_906 = vector.broadcast %add3A_905 : i32 to vector<16xi32>
      %add3A_907 = arith.addi %shift_left3A_785, %add3A_906 : vector<16xi32>
      %gather3A_908 = tpu.vector_load_idx %arg8[%add3A_789, %add3A_907] : memref<128x128xf32, #tpu.memory_space<vmem>>[vector<16xi32>, vector<16xi32>], vector<16xf32>,
      %add3A_909 = arith.constant 30 : i32
      %add3A_910 = vector.broadcast %add3A_909 : i32 to vector<16xi32>
      %add3A_911 = arith.addi %shift_left3A_785, %add3A_910 : vector<16xi32>
      %gather3A_912 = tpu.vector_load_idx %arg8[%add3A_789, %add3A_911] : memref<128x128xf32, #tpu.memory_space<vmem>>[vector<16xi32>, vector<16xi32>], vector<16xf32>,
      %add3A_913 = arith.constant 31 : i32
      %add3A_914 = vector.broadcast %add3A_913 : i32 to vector<16xi32>
      %add3A_915 = arith.addi %shift_left3A_785, %add3A_914 : vector<16xi32>
      %gather3A_916 = tpu.vector_load_idx %arg8[%add3A_789, %add3A_915] : memref<128x128xf32, #tpu.memory_space<vmem>>[vector<16xi32>, vector<16xi32>], vector<16xf32>,
      %swap3A_917 = arith.constant 0 : i32
      %swap3A_918 = arith.index_cast %swap3A_917 : i32 to index
      %swap3A_919 = arith.index_cast %add3A_767 : i32 to index
      %swap3A_920 = tpu.vector_load %arg9[%swap3A_918, %swap3A_919] {strides = array<i32>} : memref<32x512xf32, #tpu.memory_space<vmem>>, vector<16xf32>,
      tpu.vector_store %arg9[%swap3A_918, %swap3A_919], %gather3A {strides = array<i32>} : memref<32x512xf32, #tpu.memory_space<vmem>>, vector<16xf32>,
      %swap3A_921 = arith.constant 1 : i32
      %swap3A_922 = arith.index_cast %swap3A_921 : i32 to index
      %swap3A_923 = arith.index_cast %add3A_767 : i32 to index
      %swap3A_924 = tpu.vector_load %arg9[%swap3A_922, %swap3A_923] {strides = array<i32>} : memref<32x512xf32, #tpu.memory_space<vmem>>, vector<16xf32>,
      tpu.vector_store %arg9[%swap3A_922, %swap3A_923], %gather3A_796 {strides = array<i32>} : memref<32x512xf32, #tpu.memory_space<vmem>>, vector<16xf32>,
      %swap3A_925 = arith.constant 2 : i32
      %swap3A_926 = arith.index_cast %swap3A_925 : i32 to index
      %swap3A_927 = arith.index_cast %add3A_767 : i32 to index
      %swap3A_928 = tpu.vector_load %arg9[%swap3A_926, %swap3A_927] {strides = array<i32>} : memref<32x512xf32, #tpu.memory_space<vmem>>, vector<16xf32>,
      tpu.vector_store %arg9[%swap3A_926, %swap3A_927], %gather3A_800 {strides = array<i32>} : memref<32x512xf32, #tpu.memory_space<vmem>>, vector<16xf32>,
      %swap3A_929 = arith.constant 3 : i32
      %swap3A_930 = arith.index_cast %swap3A_929 : i32 to index
      %swap3A_931 = arith.index_cast %add3A_767 : i32 to index
      %swap3A_932 = tpu.vector_load %arg9[%swap3A_930, %swap3A_931] {strides = array<i32>} : memref<32x512xf32, #tpu.memory_space<vmem>>, vector<16xf32>,
      tpu.vector_store %arg9[%swap3A_930, %swap3A_931], %gather3A_804 {strides = array<i32>} : memref<32x512xf32, #tpu.memory_space<vmem>>, vector<16xf32>,
      %swap3A_933 = arith.constant 4 : i32
      %swap3A_934 = arith.index_cast %swap3A_933 : i32 to index
      %swap3A_935 = arith.index_cast %add3A_767 : i32 to index
      %swap3A_936 = tpu.vector_load %arg9[%swap3A_934, %swap3A_935] {strides = array<i32>} : memref<32x512xf32, #tpu.memory_space<vmem>>, vector<16xf32>,
      tpu.vector_store %arg9[%swap3A_934, %swap3A_935], %gather3A_808 {strides = array<i32>} : memref<32x512xf32, #tpu.memory_space<vmem>>, vector<16xf32>,
      %swap3A_937 = arith.constant 5 : i32
      %swap3A_938 = arith.index_cast %swap3A_937 : i32 to index
      %swap3A_939 = arith.index_cast %add3A_767 : i32 to index
      %swap3A_940 = tpu.vector_load %arg9[%swap3A_938, %swap3A_939] {strides = array<i32>} : memref<32x512xf32, #tpu.memory_space<vmem>>, vector<16xf32>,
      tpu.vector_store %arg9[%swap3A_938, %swap3A_939], %gather3A_812 {strides = array<i32>} : memref<32x512xf32, #tpu.memory_space<vmem>>, vector<16xf32>,
      %swap3A_941 = arith.constant 6 : i32
      %swap3A_942 = arith.index_cast %swap3A_941 : i32 to index
      %swap3A_943 = arith.index_cast %add3A_767 : i32 to index
      %swap3A_944 = tpu.vector_load %arg9[%swap3A_942, %swap3A_943] {strides = array<i32>} : memref<32x512xf32, #tpu.memory_space<vmem>>, vector<16xf32>,
      tpu.vector_store %arg9[%swap3A_942, %swap3A_943], %gather3A_816 {strides = array<i32>} : memref<32x512xf32, #tpu.memory_space<vmem>>, vector<16xf32>,
      %swap3A_945 = arith.constant 7 : i32
      %swap3A_946 = arith.index_cast %swap3A_945 : i32 to index
      %swap3A_947 = arith.index_cast %add3A_767 : i32 to index
      %swap3A_948 = tpu.vector_load %arg9[%swap3A_946, %swap3A_947] {strides = array<i32>} : memref<32x512xf32, #tpu.memory_space<vmem>>, vector<16xf32>,
      tpu.vector_store %arg9[%swap3A_946, %swap3A_947], %gather3A_820 {strides = array<i32>} : memref<32x512xf32, #tpu.memory_space<vmem>>, vector<16xf32>,
      %swap3A_949 = arith.constant 8 : i32
      %swap3A_950 = arith.index_cast %swap3A_949 : i32 to index
      %swap3A_951 = arith.index_cast %add3A_767 : i32 to index
      %swap3A_952 = tpu.vector_load %arg9[%swap3A_950, %swap3A_951] {strides = array<i32>} : memref<32x512xf32, #tpu.memory_space<vmem>>, vector<16xf32>,
      tpu.vector_store %arg9[%swap3A_950, %swap3A_951], %gather3A_824 {strides = array<i32>} : memref<32x512xf32, #tpu.memory_space<vmem>>, vector<16xf32>,
      %swap3A_953 = arith.constant 9 : i32
      %swap3A_954 = arith.index_cast %swap3A_953 : i32 to index
      %swap3A_955 = arith.index_cast %add3A_767 : i32 to index
      %swap3A_956 = tpu.vector_load %arg9[%swap3A_954, %swap3A_955] {strides = array<i32>} : memref<32x512xf32, #tpu.memory_space<vmem>>, vector<16xf32>,
      tpu.vector_store %arg9[%swap3A_954, %swap3A_955], %gather3A_828 {strides = array<i32>} : memref<32x512xf32, #tpu.memory_space<vmem>>, vector<16xf32>,
      %swap3A_957 = arith.constant 10 : i32
      %swap3A_958 = arith.index_cast %swap3A_957 : i32 to index
      %swap3A_959 = arith.index_cast %add3A_767 : i32 to index
      %swap3A_960 = tpu.vector_load %arg9[%swap3A_958, %swap3A_959] {strides = array<i32>} : memref<32x512xf32, #tpu.memory_space<vmem>>, vector<16xf32>,
      tpu.vector_store %arg9[%swap3A_958, %swap3A_959], %gather3A_832 {strides = array<i32>} : memref<32x512xf32, #tpu.memory_space<vmem>>, vector<16xf32>,
      %swap3A_961 = arith.constant 11 : i32
      %swap3A_962 = arith.index_cast %swap3A_961 : i32 to index
      %swap3A_963 = arith.index_cast %add3A_767 : i32 to index
      %swap3A_964 = tpu.vector_load %arg9[%swap3A_962, %swap3A_963] {strides = array<i32>} : memref<32x512xf32, #tpu.memory_space<vmem>>, vector<16xf32>,
      tpu.vector_store %arg9[%swap3A_962, %swap3A_963], %gather3A_836 {strides = array<i32>} : memref<32x512xf32, #tpu.memory_space<vmem>>, vector<16xf32>,
      %swap3A_965 = arith.constant 12 : i32
      %swap3A_966 = arith.index_cast %swap3A_965 : i32 to index
      %swap3A_967 = arith.index_cast %add3A_767 : i32 to index
      %swap3A_968 = tpu.vector_load %arg9[%swap3A_966, %swap3A_967] {strides = array<i32>} : memref<32x512xf32, #tpu.memory_space<vmem>>, vector<16xf32>,
      tpu.vector_store %arg9[%swap3A_966, %swap3A_967], %gather3A_840 {strides = array<i32>} : memref<32x512xf32, #tpu.memory_space<vmem>>, vector<16xf32>,
      %swap3A_969 = arith.constant 13 : i32
      %swap3A_970 = arith.index_cast %swap3A_969 : i32 to index
      %swap3A_971 = arith.index_cast %add3A_767 : i32 to index
      %swap3A_972 = tpu.vector_load %arg9[%swap3A_970, %swap3A_971] {strides = array<i32>} : memref<32x512xf32, #tpu.memory_space<vmem>>, vector<16xf32>,
      tpu.vector_store %arg9[%swap3A_970, %swap3A_971], %gather3A_844 {strides = array<i32>} : memref<32x512xf32, #tpu.memory_space<vmem>>, vector<16xf32>,
      %swap3A_973 = arith.constant 14 : i32
      %swap3A_974 = arith.index_cast %swap3A_973 : i32 to index
      %swap3A_975 = arith.index_cast %add3A_767 : i32 to index
      %swap3A_976 = tpu.vector_load %arg9[%swap3A_974, %swap3A_975] {strides = array<i32>} : memref<32x512xf32, #tpu.memory_space<vmem>>, vector<16xf32>,
      tpu.vector_store %arg9[%swap3A_974, %swap3A_975], %gather3A_848 {strides = array<i32>} : memref<32x512xf32, #tpu.memory_space<vmem>>, vector<16xf32>,
      %swap3A_977 = arith.constant 15 : i32
      %swap3A_978 = arith.index_cast %swap3A_977 : i32 to index
      %swap3A_979 = arith.index_cast %add3A_767 : i32 to index
      %swap3A_980 = tpu.vector_load %arg9[%swap3A_978, %swap3A_979] {strides = array<i32>} : memref<32x512xf32, #tpu.memory_space<vmem>>, vector<16xf32>,
      tpu.vector_store %arg9[%swap3A_978, %swap3A_979], %gather3A_852 {strides = array<i32>} : memref<32x512xf32, #tpu.memory_space<vmem>>, vector<16xf32>,
      %swap3A_981 = arith.constant 16 : i32
      %swap3A_982 = arith.index_cast %swap3A_981 : i32 to index
      %swap3A_983 = arith.index_cast %add3A_767 : i32 to index
      %swap3A_984 = tpu.vector_load %arg9[%swap3A_982, %swap3A_983] {strides = array<i32>} : memref<32x512xf32, #tpu.memory_space<vmem>>, vector<16xf32>,
      tpu.vector_store %arg9[%swap3A_982, %swap3A_983], %gather3A_856 {strides = array<i32>} : memref<32x512xf32, #tpu.memory_space<vmem>>, vector<16xf32>,
      %swap3A_985 = arith.constant 17 : i32
      %swap3A_986 = arith.index_cast %swap3A_985 : i32 to index
      %swap3A_987 = arith.index_cast %add3A_767 : i32 to index
      %swap3A_988 = tpu.vector_load %arg9[%swap3A_986, %swap3A_987] {strides = array<i32>} : memref<32x512xf32, #tpu.memory_space<vmem>>, vector<16xf32>,
      tpu.vector_store %arg9[%swap3A_986, %swap3A_987], %gather3A_860 {strides = array<i32>} : memref<32x512xf32, #tpu.memory_space<vmem>>, vector<16xf32>,
      %swap3A_989 = arith.constant 18 : i32
      %swap3A_990 = arith.index_cast %swap3A_989 : i32 to index
      %swap3A_991 = arith.index_cast %add3A_767 : i32 to index
      %swap3A_992 = tpu.vector_load %arg9[%swap3A_990, %swap3A_991] {strides = array<i32>} : memref<32x512xf32, #tpu.memory_space<vmem>>, vector<16xf32>,
      tpu.vector_store %arg9[%swap3A_990, %swap3A_991], %gather3A_864 {strides = array<i32>} : memref<32x512xf32, #tpu.memory_space<vmem>>, vector<16xf32>,
      %swap3A_993 = arith.constant 19 : i32
      %swap3A_994 = arith.index_cast %swap3A_993 : i32 to index
      %swap3A_995 = arith.index_cast %add3A_767 : i32 to index
      %swap3A_996 = tpu.vector_load %arg9[%swap3A_994, %swap3A_995] {strides = array<i32>} : memref<32x512xf32, #tpu.memory_space<vmem>>, vector<16xf32>,
      tpu.vector_store %arg9[%swap3A_994, %swap3A_995], %gather3A_868 {strides = array<i32>} : memref<32x512xf32, #tpu.memory_space<vmem>>, vector<16xf32>,
      %swap3A_997 = arith.constant 20 : i32
      %swap3A_998 = arith.index_cast %swap3A_997 : i32 to index
      %swap3A_999 = arith.index_cast %add3A_767 : i32 to index
      %swap3A_1000 = tpu.vector_load %arg9[%swap3A_998, %swap3A_999] {strides = array<i32>} : memref<32x512xf32, #tpu.memory_space<vmem>>, vector<16xf32>,
      tpu.vector_store %arg9[%swap3A_998, %swap3A_999], %gather3A_872 {strides = array<i32>} : memref<32x512xf32, #tpu.memory_space<vmem>>, vector<16xf32>,
      %swap3A_1001 = arith.constant 21 : i32
      %swap3A_1002 = arith.index_cast %swap3A_1001 : i32 to index
      %swap3A_1003 = arith.index_cast %add3A_767 : i32 to index
      %swap3A_1004 = tpu.vector_load %arg9[%swap3A_1002, %swap3A_1003] {strides = array<i32>} : memref<32x512xf32, #tpu.memory_space<vmem>>, vector<16xf32>,
      tpu.vector_store %arg9[%swap3A_1002, %swap3A_1003], %gather3A_876 {strides = array<i32>} : memref<32x512xf32, #tpu.memory_space<vmem>>, vector<16xf32>,
      %swap3A_1005 = arith.constant 22 : i32
      %swap3A_1006 = arith.index_cast %swap3A_1005 : i32 to index
      %swap3A_1007 = arith.index_cast %add3A_767 : i32 to index
      %swap3A_1008 = tpu.vector_load %arg9[%swap3A_1006, %swap3A_1007] {strides = array<i32>} : memref<32x512xf32, #tpu.memory_space<vmem>>, vector<16xf32>,
      tpu.vector_store %arg9[%swap3A_1006, %swap3A_1007], %gather3A_880 {strides = array<i32>} : memref<32x512xf32, #tpu.memory_space<vmem>>, vector<16xf32>,
      %swap3A_1009 = arith.constant 23 : i32
      %swap3A_1010 = arith.index_cast %swap3A_1009 : i32 to index
      %swap3A_1011 = arith.index_cast %add3A_767 : i32 to index
      %swap3A_1012 = tpu.vector_load %arg9[%swap3A_1010, %swap3A_1011] {strides = array<i32>} : memref<32x512xf32, #tpu.memory_space<vmem>>, vector<16xf32>,
      tpu.vector_store %arg9[%swap3A_1010, %swap3A_1011], %gather3A_884 {strides = array<i32>} : memref<32x512xf32, #tpu.memory_space<vmem>>, vector<16xf32>,
      %swap3A_1013 = arith.constant 24 : i32
      %swap3A_1014 = arith.index_cast %swap3A_1013 : i32 to index
      %swap3A_1015 = arith.index_cast %add3A_767 : i32 to index
      %swap3A_1016 = tpu.vector_load %arg9[%swap3A_1014, %swap3A_1015] {strides = array<i32>} : memref<32x512xf32, #tpu.memory_space<vmem>>, vector<16xf32>,
      tpu.vector_store %arg9[%swap3A_1014, %swap3A_1015], %gather3A_888 {strides = array<i32>} : memref<32x512xf32, #tpu.memory_space<vmem>>, vector<16xf32>,
      %swap3A_1017 = arith.constant 25 : i32
      %swap3A_1018 = arith.index_cast %swap3A_1017 : i32 to index
      %swap3A_1019 = arith.index_cast %add3A_767 : i32 to index
      %swap3A_1020 = tpu.vector_load %arg9[%swap3A_1018, %swap3A_1019] {strides = array<i32>} : memref<32x512xf32, #tpu.memory_space<vmem>>, vector<16xf32>,
      tpu.vector_store %arg9[%swap3A_1018, %swap3A_1019], %gather3A_892 {strides = array<i32>} : memref<32x512xf32, #tpu.memory_space<vmem>>, vector<16xf32>,
      %swap3A_1021 = arith.constant 26 : i32
      %swap3A_1022 = arith.index_cast %swap3A_1021 : i32 to index
      %swap3A_1023 = arith.index_cast %add3A_767 : i32 to index
      %swap3A_1024 = tpu.vector_load %arg9[%swap3A_1022, %swap3A_1023] {strides = array<i32>} : memref<32x512xf32, #tpu.memory_space<vmem>>, vector<16xf32>,
      tpu.vector_store %arg9[%swap3A_1022, %swap3A_1023], %gather3A_896 {strides = array<i32>} : memref<32x512xf32, #tpu.memory_space<vmem>>, vector<16xf32>,
      %swap3A_1025 = arith.constant 27 : i32
      %swap3A_1026 = arith.index_cast %swap3A_1025 : i32 to index
      %swap3A_1027 = arith.index_cast %add3A_767 : i32 to index
      %swap3A_1028 = tpu.vector_load %arg9[%swap3A_1026, %swap3A_1027] {strides = array<i32>} : memref<32x512xf32, #tpu.memory_space<vmem>>, vector<16xf32>,
      tpu.vector_store %arg9[%swap3A_1026, %swap3A_1027], %gather3A_900 {strides = array<i32>} : memref<32x512xf32, #tpu.memory_space<vmem>>, vector<16xf32>,
      %swap3A_1029 = arith.constant 28 : i32
      %swap3A_1030 = arith.index_cast %swap3A_1029 : i32 to index
      %swap3A_1031 = arith.index_cast %add3A_767 : i32 to index
      %swap3A_1032 = tpu.vector_load %arg9[%swap3A_1030, %swap3A_1031] {strides = array<i32>} : memref<32x512xf32, #tpu.memory_space<vmem>>, vector<16xf32>,
      tpu.vector_store %arg9[%swap3A_1030, %swap3A_1031], %gather3A_904 {strides = array<i32>} : memref<32x512xf32, #tpu.memory_space<vmem>>, vector<16xf32>,
      %swap3A_1033 = arith.constant 29 : i32
      %swap3A_1034 = arith.index_cast %swap3A_1033 : i32 to index
      %swap3A_1035 = arith.index_cast %add3A_767 : i32 to index
      %swap3A_1036 = tpu.vector_load %arg9[%swap3A_1034, %swap3A_1035] {strides = array<i32>} : memref<32x512xf32, #tpu.memory_space<vmem>>, vector<16xf32>,
      tpu.vector_store %arg9[%swap3A_1034, %swap3A_1035], %gather3A_908 {strides = array<i32>} : memref<32x512xf32, #tpu.memory_space<vmem>>, vector<16xf32>,
      %swap3A_1037 = arith.constant 30 : i32
      %swap3A_1038 = arith.index_cast %swap3A_1037 : i32 to index
      %swap3A_1039 = arith.index_cast %add3A_767 : i32 to index
      %swap3A_1040 = tpu.vector_load %arg9[%swap3A_1038, %swap3A_1039] {strides = array<i32>} : memref<32x512xf32, #tpu.memory_space<vmem>>, vector<16xf32>,
      tpu.vector_store %arg9[%swap3A_1038, %swap3A_1039], %gather3A_912 {strides = array<i32>} : memref<32x512xf32, #tpu.memory_space<vmem>>, vector<16xf32>,
      %swap3A_1041 = arith.constant 31 : i32
      %swap3A_1042 = arith.index_cast %swap3A_1041 : i32 to index
      %swap3A_1043 = arith.index_cast %add3A_767 : i32 to index
      %swap3A_1044 = tpu.vector_load %arg9[%swap3A_1042, %swap3A_1043] {strides = array<i32>} : memref<32x512xf32, #tpu.memory_space<vmem>>, vector<16xf32>,
      tpu.vector_store %arg9[%swap3A_1042, %swap3A_1043], %gather3A_916 {strides = array<i32>} : memref<32x512xf32, #tpu.memory_space<vmem>>, vector<16xf32>,
    }
    %scan3A_735 = arith.constant 8 : i32
    %dma_start3A_736 = arith.constant 384 : i32
    %dma_start3A_737 = tpu.memref_slice %arg6[%dma_start3A_736] : memref<512xi32, #tpu.memory_space<vmem>> -> memref<128xi32, #tpu.memory_space<vmem>>
    %dma_start3A_738 = arith.constant 0 : i32
    %dma_start3A_739 = arith.constant 0 : i32
    %dma_start3A_740 = tpu.memref_slice %arg2[%dma_start3A_738, %dma_start3A_739] : memref<25088x128xf32, #tpu.memory_space<hbm>> -> memref<25088x128xf32, #tpu.memory_space<hbm>>
    tpu.enqueue_indirect_dma source(%dma_start3A_740 : memref<25088x128xf32, #tpu.memory_space<hbm>>) target(%arg8 : memref<128x128xf32, #tpu.memory_space<vmem>>) offsets(%dma_start3A_737 : memref<128xi32, #tpu.memory_space<vmem>>) semaphore(%arg11 : memref<!tpu.dma_semaphore, #tpu.memory_space<semaphore_mem>>)
    %dma_wait3A_741 = arith.constant 256 : i32
    %dma_wait3A_742 = tpu.memref_slice %arg6[%dma_wait3A_741] : memref<512xi32, #tpu.memory_space<vmem>> -> memref<128xi32, #tpu.memory_space<vmem>>
    %dma_wait3A_743 = arith.constant 0 : i32
    %dma_wait3A_744 = arith.constant 0 : i32
    %dma_wait3A_745 = tpu.memref_slice %arg2[%dma_wait3A_743, %dma_wait3A_744] : memref<25088x128xf32, #tpu.memory_space<hbm>> -> memref<25088x128xf32, #tpu.memory_space<hbm>>
    tpu.wait_indirect_dma semaphore(%arg10 : memref<!tpu.dma_semaphore, #tpu.memory_space<semaphore_mem>>) src(%dma_wait3A_745 : memref<25088x128xf32, #tpu.memory_space<hbm>>) dst(%arg7 : memref<128x128xf32, #tpu.memory_space<vmem>>)
    %scan3A_746 = arith.constant 0 : i32
    %scan3A_747 = arith.constant 0 : i32
    %scan3A_748 = arith.constant 8 : i32
    %scan3A_749 = arith.addi %scan3A_747, %scan3A_748 : i32
    %scan3A_750 = arith.constant 1 : i32
    scf.for %scan3A_763 = %scan3A_747 to %scan3A_749 step %scan3A_750  : i32 {
      %mul3A_764 = arith.constant 16 : i32
      %mul3A_765 = arith.muli %scan3A_763, %mul3A_764 : i32
      %add3A_766 = arith.constant 256 : i32
      %add3A_767 = arith.addi %add3A_766, %mul3A_765 : i32
      %get3A_768 = arith.index_cast %add3A_767 : i32 to index
      %get3A_769 = tpu.vector_load %arg5[%get3A_768] {strides = array<i32>} : memref<512xi32, #tpu.memory_space<vmem>>, vector<16xi32>,
      %ge3A_770 = arith.constant 25088 : i32
      %ge3A_771 = vector.broadcast %ge3A_770 : i32 to vector<16xi32>
      %ge3A_772 = arith.cmpi sge, %get3A_769, %ge3A_771 : vector<16xi32>
      %convert_element_type3A_773 = arith.extui %ge3A_772 : vector<16xi1> to vector<16xi32>
      %ge3A_774 = arith.constant 50176 : i32
      %ge3A_775 = vector.broadcast %ge3A_774 : i32 to vector<16xi32>
      %ge3A_776 = arith.cmpi sge, %get3A_769, %ge3A_775 : vector<16xi32>
      %convert_element_type3A_777 = arith.extui %ge3A_776 : vector<16xi1> to vector<16xi32>
      %add3A_778 = arith.addi %convert_element_type3A_773, %convert_element_type3A_777 : vector<16xi32>
      %ge3A_779 = arith.constant 75264 : i32
      %ge3A_780 = vector.broadcast %ge3A_779 : i32 to vector<16xi32>
      %ge3A_781 = arith.cmpi sge, %get3A_769, %ge3A_780 : vector<16xi32>
      %convert_element_type3A_782 = arith.extui %ge3A_781 : vector<16xi1> to vector<16xi32>
      %add3A_783 = arith.addi %add3A_778, %convert_element_type3A_782 : vector<16xi32>
      %shift_left3A = arith.constant 5 : i32
      %shift_left3A_784 = vector.broadcast %shift_left3A : i32 to vector<16xi32>
      %shift_left3A_785 = arith.shli %add3A_783, %shift_left3A_784 : vector<16xi32>
      %mul3A_786 = arith.constant 16 : i32
      %mul3A_787 = arith.muli %scan3A_763, %mul3A_786 : i32
      %add3A_788 = vector.broadcast %mul3A_787 : i32 to vector<16xi32>
      %add3A_789 = arith.addi %add3A_788, %iota3A : vector<16xi32>
      %add3A_790 = arith.constant 0 : i32
      %add3A_791 = vector.broadcast %add3A_790 : i32 to vector<16xi32>
      %add3A_792 = arith.addi %shift_left3A_785, %add3A_791 : vector<16xi32>
      %gather3A = tpu.vector_load_idx %arg7[%add3A_789, %add3A_792] : memref<128x128xf32, #tpu.memory_space<vmem>>[vector<16xi32>, vector<16xi32>], vector<16xf32>,
      %add3A_793 = arith.constant 1 : i32
      %add3A_794 = vector.broadcast %add3A_793 : i32 to vector<16xi32>
      %add3A_795 = arith.addi %shift_left3A_785, %add3A_794 : vector<16xi32>
      %gather3A_796 = tpu.vector_load_idx %arg7[%add3A_789, %add3A_795] : memref<128x128xf32, #tpu.memory_space<vmem>>[vector<16xi32>, vector<16xi32>], vector<16xf32>,
      %add3A_797 = arith.constant 2 : i32
      %add3A_798 = vector.broadcast %add3A_797 : i32 to vector<16xi32>
      %add3A_799 = arith.addi %shift_left3A_785, %add3A_798 : vector<16xi32>
      %gather3A_800 = tpu.vector_load_idx %arg7[%add3A_789, %add3A_799] : memref<128x128xf32, #tpu.memory_space<vmem>>[vector<16xi32>, vector<16xi32>], vector<16xf32>,
      %add3A_801 = arith.constant 3 : i32
      %add3A_802 = vector.broadcast %add3A_801 : i32 to vector<16xi32>
      %add3A_803 = arith.addi %shift_left3A_785, %add3A_802 : vector<16xi32>
      %gather3A_804 = tpu.vector_load_idx %arg7[%add3A_789, %add3A_803] : memref<128x128xf32, #tpu.memory_space<vmem>>[vector<16xi32>, vector<16xi32>], vector<16xf32>,
      %add3A_805 = arith.constant 4 : i32
      %add3A_806 = vector.broadcast %add3A_805 : i32 to vector<16xi32>
      %add3A_807 = arith.addi %shift_left3A_785, %add3A_806 : vector<16xi32>
      %gather3A_808 = tpu.vector_load_idx %arg7[%add3A_789, %add3A_807] : memref<128x128xf32, #tpu.memory_space<vmem>>[vector<16xi32>, vector<16xi32>], vector<16xf32>,
      %add3A_809 = arith.constant 5 : i32
      %add3A_810 = vector.broadcast %add3A_809 : i32 to vector<16xi32>
      %add3A_811 = arith.addi %shift_left3A_785, %add3A_810 : vector<16xi32>
      %gather3A_812 = tpu.vector_load_idx %arg7[%add3A_789, %add3A_811] : memref<128x128xf32, #tpu.memory_space<vmem>>[vector<16xi32>, vector<16xi32>], vector<16xf32>,
      %add3A_813 = arith.constant 6 : i32
      %add3A_814 = vector.broadcast %add3A_813 : i32 to vector<16xi32>
      %add3A_815 = arith.addi %shift_left3A_785, %add3A_814 : vector<16xi32>
      %gather3A_816 = tpu.vector_load_idx %arg7[%add3A_789, %add3A_815] : memref<128x128xf32, #tpu.memory_space<vmem>>[vector<16xi32>, vector<16xi32>], vector<16xf32>,
      %add3A_817 = arith.constant 7 : i32
      %add3A_818 = vector.broadcast %add3A_817 : i32 to vector<16xi32>
      %add3A_819 = arith.addi %shift_left3A_785, %add3A_818 : vector<16xi32>
      %gather3A_820 = tpu.vector_load_idx %arg7[%add3A_789, %add3A_819] : memref<128x128xf32, #tpu.memory_space<vmem>>[vector<16xi32>, vector<16xi32>], vector<16xf32>,
      %add3A_821 = arith.constant 8 : i32
      %add3A_822 = vector.broadcast %add3A_821 : i32 to vector<16xi32>
      %add3A_823 = arith.addi %shift_left3A_785, %add3A_822 : vector<16xi32>
      %gather3A_824 = tpu.vector_load_idx %arg7[%add3A_789, %add3A_823] : memref<128x128xf32, #tpu.memory_space<vmem>>[vector<16xi32>, vector<16xi32>], vector<16xf32>,
      %add3A_825 = arith.constant 9 : i32
      %add3A_826 = vector.broadcast %add3A_825 : i32 to vector<16xi32>
      %add3A_827 = arith.addi %shift_left3A_785, %add3A_826 : vector<16xi32>
      %gather3A_828 = tpu.vector_load_idx %arg7[%add3A_789, %add3A_827] : memref<128x128xf32, #tpu.memory_space<vmem>>[vector<16xi32>, vector<16xi32>], vector<16xf32>,
      %add3A_829 = arith.constant 10 : i32
      %add3A_830 = vector.broadcast %add3A_829 : i32 to vector<16xi32>
      %add3A_831 = arith.addi %shift_left3A_785, %add3A_830 : vector<16xi32>
      %gather3A_832 = tpu.vector_load_idx %arg7[%add3A_789, %add3A_831] : memref<128x128xf32, #tpu.memory_space<vmem>>[vector<16xi32>, vector<16xi32>], vector<16xf32>,
      %add3A_833 = arith.constant 11 : i32
      %add3A_834 = vector.broadcast %add3A_833 : i32 to vector<16xi32>
      %add3A_835 = arith.addi %shift_left3A_785, %add3A_834 : vector<16xi32>
      %gather3A_836 = tpu.vector_load_idx %arg7[%add3A_789, %add3A_835] : memref<128x128xf32, #tpu.memory_space<vmem>>[vector<16xi32>, vector<16xi32>], vector<16xf32>,
      %add3A_837 = arith.constant 12 : i32
      %add3A_838 = vector.broadcast %add3A_837 : i32 to vector<16xi32>
      %add3A_839 = arith.addi %shift_left3A_785, %add3A_838 : vector<16xi32>
      %gather3A_840 = tpu.vector_load_idx %arg7[%add3A_789, %add3A_839] : memref<128x128xf32, #tpu.memory_space<vmem>>[vector<16xi32>, vector<16xi32>], vector<16xf32>,
      %add3A_841 = arith.constant 13 : i32
      %add3A_842 = vector.broadcast %add3A_841 : i32 to vector<16xi32>
      %add3A_843 = arith.addi %shift_left3A_785, %add3A_842 : vector<16xi32>
      %gather3A_844 = tpu.vector_load_idx %arg7[%add3A_789, %add3A_843] : memref<128x128xf32, #tpu.memory_space<vmem>>[vector<16xi32>, vector<16xi32>], vector<16xf32>,
      %add3A_845 = arith.constant 14 : i32
      %add3A_846 = vector.broadcast %add3A_845 : i32 to vector<16xi32>
      %add3A_847 = arith.addi %shift_left3A_785, %add3A_846 : vector<16xi32>
      %gather3A_848 = tpu.vector_load_idx %arg7[%add3A_789, %add3A_847] : memref<128x128xf32, #tpu.memory_space<vmem>>[vector<16xi32>, vector<16xi32>], vector<16xf32>,
      %add3A_849 = arith.constant 15 : i32
      %add3A_850 = vector.broadcast %add3A_849 : i32 to vector<16xi32>
      %add3A_851 = arith.addi %shift_left3A_785, %add3A_850 : vector<16xi32>
      %gather3A_852 = tpu.vector_load_idx %arg7[%add3A_789, %add3A_851] : memref<128x128xf32, #tpu.memory_space<vmem>>[vector<16xi32>, vector<16xi32>], vector<16xf32>,
      %add3A_853 = arith.constant 16 : i32
      %add3A_854 = vector.broadcast %add3A_853 : i32 to vector<16xi32>
      %add3A_855 = arith.addi %shift_left3A_785, %add3A_854 : vector<16xi32>
      %gather3A_856 = tpu.vector_load_idx %arg7[%add3A_789, %add3A_855] : memref<128x128xf32, #tpu.memory_space<vmem>>[vector<16xi32>, vector<16xi32>], vector<16xf32>,
      %add3A_857 = arith.constant 17 : i32
      %add3A_858 = vector.broadcast %add3A_857 : i32 to vector<16xi32>
      %add3A_859 = arith.addi %shift_left3A_785, %add3A_858 : vector<16xi32>
      %gather3A_860 = tpu.vector_load_idx %arg7[%add3A_789, %add3A_859] : memref<128x128xf32, #tpu.memory_space<vmem>>[vector<16xi32>, vector<16xi32>], vector<16xf32>,
      %add3A_861 = arith.constant 18 : i32
      %add3A_862 = vector.broadcast %add3A_861 : i32 to vector<16xi32>
      %add3A_863 = arith.addi %shift_left3A_785, %add3A_862 : vector<16xi32>
      %gather3A_864 = tpu.vector_load_idx %arg7[%add3A_789, %add3A_863] : memref<128x128xf32, #tpu.memory_space<vmem>>[vector<16xi32>, vector<16xi32>], vector<16xf32>,
      %add3A_865 = arith.constant 19 : i32
      %add3A_866 = vector.broadcast %add3A_865 : i32 to vector<16xi32>
      %add3A_867 = arith.addi %shift_left3A_785, %add3A_866 : vector<16xi32>
      %gather3A_868 = tpu.vector_load_idx %arg7[%add3A_789, %add3A_867] : memref<128x128xf32, #tpu.memory_space<vmem>>[vector<16xi32>, vector<16xi32>], vector<16xf32>,
      %add3A_869 = arith.constant 20 : i32
      %add3A_870 = vector.broadcast %add3A_869 : i32 to vector<16xi32>
      %add3A_871 = arith.addi %shift_left3A_785, %add3A_870 : vector<16xi32>
      %gather3A_872 = tpu.vector_load_idx %arg7[%add3A_789, %add3A_871] : memref<128x128xf32, #tpu.memory_space<vmem>>[vector<16xi32>, vector<16xi32>], vector<16xf32>,
      %add3A_873 = arith.constant 21 : i32
      %add3A_874 = vector.broadcast %add3A_873 : i32 to vector<16xi32>
      %add3A_875 = arith.addi %shift_left3A_785, %add3A_874 : vector<16xi32>
      %gather3A_876 = tpu.vector_load_idx %arg7[%add3A_789, %add3A_875] : memref<128x128xf32, #tpu.memory_space<vmem>>[vector<16xi32>, vector<16xi32>], vector<16xf32>,
      %add3A_877 = arith.constant 22 : i32
      %add3A_878 = vector.broadcast %add3A_877 : i32 to vector<16xi32>
      %add3A_879 = arith.addi %shift_left3A_785, %add3A_878 : vector<16xi32>
      %gather3A_880 = tpu.vector_load_idx %arg7[%add3A_789, %add3A_879] : memref<128x128xf32, #tpu.memory_space<vmem>>[vector<16xi32>, vector<16xi32>], vector<16xf32>,
      %add3A_881 = arith.constant 23 : i32
      %add3A_882 = vector.broadcast %add3A_881 : i32 to vector<16xi32>
      %add3A_883 = arith.addi %shift_left3A_785, %add3A_882 : vector<16xi32>
      %gather3A_884 = tpu.vector_load_idx %arg7[%add3A_789, %add3A_883] : memref<128x128xf32, #tpu.memory_space<vmem>>[vector<16xi32>, vector<16xi32>], vector<16xf32>,
      %add3A_885 = arith.constant 24 : i32
      %add3A_886 = vector.broadcast %add3A_885 : i32 to vector<16xi32>
      %add3A_887 = arith.addi %shift_left3A_785, %add3A_886 : vector<16xi32>
      %gather3A_888 = tpu.vector_load_idx %arg7[%add3A_789, %add3A_887] : memref<128x128xf32, #tpu.memory_space<vmem>>[vector<16xi32>, vector<16xi32>], vector<16xf32>,
      %add3A_889 = arith.constant 25 : i32
      %add3A_890 = vector.broadcast %add3A_889 : i32 to vector<16xi32>
      %add3A_891 = arith.addi %shift_left3A_785, %add3A_890 : vector<16xi32>
      %gather3A_892 = tpu.vector_load_idx %arg7[%add3A_789, %add3A_891] : memref<128x128xf32, #tpu.memory_space<vmem>>[vector<16xi32>, vector<16xi32>], vector<16xf32>,
      %add3A_893 = arith.constant 26 : i32
      %add3A_894 = vector.broadcast %add3A_893 : i32 to vector<16xi32>
      %add3A_895 = arith.addi %shift_left3A_785, %add3A_894 : vector<16xi32>
      %gather3A_896 = tpu.vector_load_idx %arg7[%add3A_789, %add3A_895] : memref<128x128xf32, #tpu.memory_space<vmem>>[vector<16xi32>, vector<16xi32>], vector<16xf32>,
      %add3A_897 = arith.constant 27 : i32
      %add3A_898 = vector.broadcast %add3A_897 : i32 to vector<16xi32>
      %add3A_899 = arith.addi %shift_left3A_785, %add3A_898 : vector<16xi32>
      %gather3A_900 = tpu.vector_load_idx %arg7[%add3A_789, %add3A_899] : memref<128x128xf32, #tpu.memory_space<vmem>>[vector<16xi32>, vector<16xi32>], vector<16xf32>,
      %add3A_901 = arith.constant 28 : i32
      %add3A_902 = vector.broadcast %add3A_901 : i32 to vector<16xi32>
      %add3A_903 = arith.addi %shift_left3A_785, %add3A_902 : vector<16xi32>
      %gather3A_904 = tpu.vector_load_idx %arg7[%add3A_789, %add3A_903] : memref<128x128xf32, #tpu.memory_space<vmem>>[vector<16xi32>, vector<16xi32>], vector<16xf32>,
      %add3A_905 = arith.constant 29 : i32
      %add3A_906 = vector.broadcast %add3A_905 : i32 to vector<16xi32>
      %add3A_907 = arith.addi %shift_left3A_785, %add3A_906 : vector<16xi32>
      %gather3A_908 = tpu.vector_load_idx %arg7[%add3A_789, %add3A_907] : memref<128x128xf32, #tpu.memory_space<vmem>>[vector<16xi32>, vector<16xi32>], vector<16xf32>,
      %add3A_909 = arith.constant 30 : i32
      %add3A_910 = vector.broadcast %add3A_909 : i32 to vector<16xi32>
      %add3A_911 = arith.addi %shift_left3A_785, %add3A_910 : vector<16xi32>
      %gather3A_912 = tpu.vector_load_idx %arg7[%add3A_789, %add3A_911] : memref<128x128xf32, #tpu.memory_space<vmem>>[vector<16xi32>, vector<16xi32>], vector<16xf32>,
      %add3A_913 = arith.constant 31 : i32
      %add3A_914 = vector.broadcast %add3A_913 : i32 to vector<16xi32>
      %add3A_915 = arith.addi %shift_left3A_785, %add3A_914 : vector<16xi32>
      %gather3A_916 = tpu.vector_load_idx %arg7[%add3A_789, %add3A_915] : memref<128x128xf32, #tpu.memory_space<vmem>>[vector<16xi32>, vector<16xi32>], vector<16xf32>,
      %swap3A_917 = arith.constant 0 : i32
      %swap3A_918 = arith.index_cast %swap3A_917 : i32 to index
      %swap3A_919 = arith.index_cast %add3A_767 : i32 to index
      %swap3A_920 = tpu.vector_load %arg9[%swap3A_918, %swap3A_919] {strides = array<i32>} : memref<32x512xf32, #tpu.memory_space<vmem>>, vector<16xf32>,
      tpu.vector_store %arg9[%swap3A_918, %swap3A_919], %gather3A {strides = array<i32>} : memref<32x512xf32, #tpu.memory_space<vmem>>, vector<16xf32>,
      %swap3A_921 = arith.constant 1 : i32
      %swap3A_922 = arith.index_cast %swap3A_921 : i32 to index
      %swap3A_923 = arith.index_cast %add3A_767 : i32 to index
      %swap3A_924 = tpu.vector_load %arg9[%swap3A_922, %swap3A_923] {strides = array<i32>} : memref<32x512xf32, #tpu.memory_space<vmem>>, vector<16xf32>,
      tpu.vector_store %arg9[%swap3A_922, %swap3A_923], %gather3A_796 {strides = array<i32>} : memref<32x512xf32, #tpu.memory_space<vmem>>, vector<16xf32>,
      %swap3A_925 = arith.constant 2 : i32
      %swap3A_926 = arith.index_cast %swap3A_925 : i32 to index
      %swap3A_927 = arith.index_cast %add3A_767 : i32 to index
      %swap3A_928 = tpu.vector_load %arg9[%swap3A_926, %swap3A_927] {strides = array<i32>} : memref<32x512xf32, #tpu.memory_space<vmem>>, vector<16xf32>,
      tpu.vector_store %arg9[%swap3A_926, %swap3A_927], %gather3A_800 {strides = array<i32>} : memref<32x512xf32, #tpu.memory_space<vmem>>, vector<16xf32>,
      %swap3A_929 = arith.constant 3 : i32
      %swap3A_930 = arith.index_cast %swap3A_929 : i32 to index
      %swap3A_931 = arith.index_cast %add3A_767 : i32 to index
      %swap3A_932 = tpu.vector_load %arg9[%swap3A_930, %swap3A_931] {strides = array<i32>} : memref<32x512xf32, #tpu.memory_space<vmem>>, vector<16xf32>,
      tpu.vector_store %arg9[%swap3A_930, %swap3A_931], %gather3A_804 {strides = array<i32>} : memref<32x512xf32, #tpu.memory_space<vmem>>, vector<16xf32>,
      %swap3A_933 = arith.constant 4 : i32
      %swap3A_934 = arith.index_cast %swap3A_933 : i32 to index
      %swap3A_935 = arith.index_cast %add3A_767 : i32 to index
      %swap3A_936 = tpu.vector_load %arg9[%swap3A_934, %swap3A_935] {strides = array<i32>} : memref<32x512xf32, #tpu.memory_space<vmem>>, vector<16xf32>,
      tpu.vector_store %arg9[%swap3A_934, %swap3A_935], %gather3A_808 {strides = array<i32>} : memref<32x512xf32, #tpu.memory_space<vmem>>, vector<16xf32>,
      %swap3A_937 = arith.constant 5 : i32
      %swap3A_938 = arith.index_cast %swap3A_937 : i32 to index
      %swap3A_939 = arith.index_cast %add3A_767 : i32 to index
      %swap3A_940 = tpu.vector_load %arg9[%swap3A_938, %swap3A_939] {strides = array<i32>} : memref<32x512xf32, #tpu.memory_space<vmem>>, vector<16xf32>,
      tpu.vector_store %arg9[%swap3A_938, %swap3A_939], %gather3A_812 {strides = array<i32>} : memref<32x512xf32, #tpu.memory_space<vmem>>, vector<16xf32>,
      %swap3A_941 = arith.constant 6 : i32
      %swap3A_942 = arith.index_cast %swap3A_941 : i32 to index
      %swap3A_943 = arith.index_cast %add3A_767 : i32 to index
      %swap3A_944 = tpu.vector_load %arg9[%swap3A_942, %swap3A_943] {strides = array<i32>} : memref<32x512xf32, #tpu.memory_space<vmem>>, vector<16xf32>,
      tpu.vector_store %arg9[%swap3A_942, %swap3A_943], %gather3A_816 {strides = array<i32>} : memref<32x512xf32, #tpu.memory_space<vmem>>, vector<16xf32>,
      %swap3A_945 = arith.constant 7 : i32
      %swap3A_946 = arith.index_cast %swap3A_945 : i32 to index
      %swap3A_947 = arith.index_cast %add3A_767 : i32 to index
      %swap3A_948 = tpu.vector_load %arg9[%swap3A_946, %swap3A_947] {strides = array<i32>} : memref<32x512xf32, #tpu.memory_space<vmem>>, vector<16xf32>,
      tpu.vector_store %arg9[%swap3A_946, %swap3A_947], %gather3A_820 {strides = array<i32>} : memref<32x512xf32, #tpu.memory_space<vmem>>, vector<16xf32>,
      %swap3A_949 = arith.constant 8 : i32
      %swap3A_950 = arith.index_cast %swap3A_949 : i32 to index
      %swap3A_951 = arith.index_cast %add3A_767 : i32 to index
      %swap3A_952 = tpu.vector_load %arg9[%swap3A_950, %swap3A_951] {strides = array<i32>} : memref<32x512xf32, #tpu.memory_space<vmem>>, vector<16xf32>,
      tpu.vector_store %arg9[%swap3A_950, %swap3A_951], %gather3A_824 {strides = array<i32>} : memref<32x512xf32, #tpu.memory_space<vmem>>, vector<16xf32>,
      %swap3A_953 = arith.constant 9 : i32
      %swap3A_954 = arith.index_cast %swap3A_953 : i32 to index
      %swap3A_955 = arith.index_cast %add3A_767 : i32 to index
      %swap3A_956 = tpu.vector_load %arg9[%swap3A_954, %swap3A_955] {strides = array<i32>} : memref<32x512xf32, #tpu.memory_space<vmem>>, vector<16xf32>,
      tpu.vector_store %arg9[%swap3A_954, %swap3A_955], %gather3A_828 {strides = array<i32>} : memref<32x512xf32, #tpu.memory_space<vmem>>, vector<16xf32>,
      %swap3A_957 = arith.constant 10 : i32
      %swap3A_958 = arith.index_cast %swap3A_957 : i32 to index
      %swap3A_959 = arith.index_cast %add3A_767 : i32 to index
      %swap3A_960 = tpu.vector_load %arg9[%swap3A_958, %swap3A_959] {strides = array<i32>} : memref<32x512xf32, #tpu.memory_space<vmem>>, vector<16xf32>,
      tpu.vector_store %arg9[%swap3A_958, %swap3A_959], %gather3A_832 {strides = array<i32>} : memref<32x512xf32, #tpu.memory_space<vmem>>, vector<16xf32>,
      %swap3A_961 = arith.constant 11 : i32
      %swap3A_962 = arith.index_cast %swap3A_961 : i32 to index
      %swap3A_963 = arith.index_cast %add3A_767 : i32 to index
      %swap3A_964 = tpu.vector_load %arg9[%swap3A_962, %swap3A_963] {strides = array<i32>} : memref<32x512xf32, #tpu.memory_space<vmem>>, vector<16xf32>,
      tpu.vector_store %arg9[%swap3A_962, %swap3A_963], %gather3A_836 {strides = array<i32>} : memref<32x512xf32, #tpu.memory_space<vmem>>, vector<16xf32>,
      %swap3A_965 = arith.constant 12 : i32
      %swap3A_966 = arith.index_cast %swap3A_965 : i32 to index
      %swap3A_967 = arith.index_cast %add3A_767 : i32 to index
      %swap3A_968 = tpu.vector_load %arg9[%swap3A_966, %swap3A_967] {strides = array<i32>} : memref<32x512xf32, #tpu.memory_space<vmem>>, vector<16xf32>,
      tpu.vector_store %arg9[%swap3A_966, %swap3A_967], %gather3A_840 {strides = array<i32>} : memref<32x512xf32, #tpu.memory_space<vmem>>, vector<16xf32>,
      %swap3A_969 = arith.constant 13 : i32
      %swap3A_970 = arith.index_cast %swap3A_969 : i32 to index
      %swap3A_971 = arith.index_cast %add3A_767 : i32 to index
      %swap3A_972 = tpu.vector_load %arg9[%swap3A_970, %swap3A_971] {strides = array<i32>} : memref<32x512xf32, #tpu.memory_space<vmem>>, vector<16xf32>,
      tpu.vector_store %arg9[%swap3A_970, %swap3A_971], %gather3A_844 {strides = array<i32>} : memref<32x512xf32, #tpu.memory_space<vmem>>, vector<16xf32>,
      %swap3A_973 = arith.constant 14 : i32
      %swap3A_974 = arith.index_cast %swap3A_973 : i32 to index
      %swap3A_975 = arith.index_cast %add3A_767 : i32 to index
      %swap3A_976 = tpu.vector_load %arg9[%swap3A_974, %swap3A_975] {strides = array<i32>} : memref<32x512xf32, #tpu.memory_space<vmem>>, vector<16xf32>,
      tpu.vector_store %arg9[%swap3A_974, %swap3A_975], %gather3A_848 {strides = array<i32>} : memref<32x512xf32, #tpu.memory_space<vmem>>, vector<16xf32>,
      %swap3A_977 = arith.constant 15 : i32
      %swap3A_978 = arith.index_cast %swap3A_977 : i32 to index
      %swap3A_979 = arith.index_cast %add3A_767 : i32 to index
      %swap3A_980 = tpu.vector_load %arg9[%swap3A_978, %swap3A_979] {strides = array<i32>} : memref<32x512xf32, #tpu.memory_space<vmem>>, vector<16xf32>,
      tpu.vector_store %arg9[%swap3A_978, %swap3A_979], %gather3A_852 {strides = array<i32>} : memref<32x512xf32, #tpu.memory_space<vmem>>, vector<16xf32>,
      %swap3A_981 = arith.constant 16 : i32
      %swap3A_982 = arith.index_cast %swap3A_981 : i32 to index
      %swap3A_983 = arith.index_cast %add3A_767 : i32 to index
      %swap3A_984 = tpu.vector_load %arg9[%swap3A_982, %swap3A_983] {strides = array<i32>} : memref<32x512xf32, #tpu.memory_space<vmem>>, vector<16xf32>,
      tpu.vector_store %arg9[%swap3A_982, %swap3A_983], %gather3A_856 {strides = array<i32>} : memref<32x512xf32, #tpu.memory_space<vmem>>, vector<16xf32>,
      %swap3A_985 = arith.constant 17 : i32
      %swap3A_986 = arith.index_cast %swap3A_985 : i32 to index
      %swap3A_987 = arith.index_cast %add3A_767 : i32 to index
      %swap3A_988 = tpu.vector_load %arg9[%swap3A_986, %swap3A_987] {strides = array<i32>} : memref<32x512xf32, #tpu.memory_space<vmem>>, vector<16xf32>,
      tpu.vector_store %arg9[%swap3A_986, %swap3A_987], %gather3A_860 {strides = array<i32>} : memref<32x512xf32, #tpu.memory_space<vmem>>, vector<16xf32>,
      %swap3A_989 = arith.constant 18 : i32
      %swap3A_990 = arith.index_cast %swap3A_989 : i32 to index
      %swap3A_991 = arith.index_cast %add3A_767 : i32 to index
      %swap3A_992 = tpu.vector_load %arg9[%swap3A_990, %swap3A_991] {strides = array<i32>} : memref<32x512xf32, #tpu.memory_space<vmem>>, vector<16xf32>,
      tpu.vector_store %arg9[%swap3A_990, %swap3A_991], %gather3A_864 {strides = array<i32>} : memref<32x512xf32, #tpu.memory_space<vmem>>, vector<16xf32>,
      %swap3A_993 = arith.constant 19 : i32
      %swap3A_994 = arith.index_cast %swap3A_993 : i32 to index
      %swap3A_995 = arith.index_cast %add3A_767 : i32 to index
      %swap3A_996 = tpu.vector_load %arg9[%swap3A_994, %swap3A_995] {strides = array<i32>} : memref<32x512xf32, #tpu.memory_space<vmem>>, vector<16xf32>,
      tpu.vector_store %arg9[%swap3A_994, %swap3A_995], %gather3A_868 {strides = array<i32>} : memref<32x512xf32, #tpu.memory_space<vmem>>, vector<16xf32>,
      %swap3A_997 = arith.constant 20 : i32
      %swap3A_998 = arith.index_cast %swap3A_997 : i32 to index
      %swap3A_999 = arith.index_cast %add3A_767 : i32 to index
      %swap3A_1000 = tpu.vector_load %arg9[%swap3A_998, %swap3A_999] {strides = array<i32>} : memref<32x512xf32, #tpu.memory_space<vmem>>, vector<16xf32>,
      tpu.vector_store %arg9[%swap3A_998, %swap3A_999], %gather3A_872 {strides = array<i32>} : memref<32x512xf32, #tpu.memory_space<vmem>>, vector<16xf32>,
      %swap3A_1001 = arith.constant 21 : i32
      %swap3A_1002 = arith.index_cast %swap3A_1001 : i32 to index
      %swap3A_1003 = arith.index_cast %add3A_767 : i32 to index
      %swap3A_1004 = tpu.vector_load %arg9[%swap3A_1002, %swap3A_1003] {strides = array<i32>} : memref<32x512xf32, #tpu.memory_space<vmem>>, vector<16xf32>,
      tpu.vector_store %arg9[%swap3A_1002, %swap3A_1003], %gather3A_876 {strides = array<i32>} : memref<32x512xf32, #tpu.memory_space<vmem>>, vector<16xf32>,
      %swap3A_1005 = arith.constant 22 : i32
      %swap3A_1006 = arith.index_cast %swap3A_1005 : i32 to index
      %swap3A_1007 = arith.index_cast %add3A_767 : i32 to index
      %swap3A_1008 = tpu.vector_load %arg9[%swap3A_1006, %swap3A_1007] {strides = array<i32>} : memref<32x512xf32, #tpu.memory_space<vmem>>, vector<16xf32>,
      tpu.vector_store %arg9[%swap3A_1006, %swap3A_1007], %gather3A_880 {strides = array<i32>} : memref<32x512xf32, #tpu.memory_space<vmem>>, vector<16xf32>,
      %swap3A_1009 = arith.constant 23 : i32
      %swap3A_1010 = arith.index_cast %swap3A_1009 : i32 to index
      %swap3A_1011 = arith.index_cast %add3A_767 : i32 to index
      %swap3A_1012 = tpu.vector_load %arg9[%swap3A_1010, %swap3A_1011] {strides = array<i32>} : memref<32x512xf32, #tpu.memory_space<vmem>>, vector<16xf32>,
      tpu.vector_store %arg9[%swap3A_1010, %swap3A_1011], %gather3A_884 {strides = array<i32>} : memref<32x512xf32, #tpu.memory_space<vmem>>, vector<16xf32>,
      %swap3A_1013 = arith.constant 24 : i32
      %swap3A_1014 = arith.index_cast %swap3A_1013 : i32 to index
      %swap3A_1015 = arith.index_cast %add3A_767 : i32 to index
      %swap3A_1016 = tpu.vector_load %arg9[%swap3A_1014, %swap3A_1015] {strides = array<i32>} : memref<32x512xf32, #tpu.memory_space<vmem>>, vector<16xf32>,
      tpu.vector_store %arg9[%swap3A_1014, %swap3A_1015], %gather3A_888 {strides = array<i32>} : memref<32x512xf32, #tpu.memory_space<vmem>>, vector<16xf32>,
      %swap3A_1017 = arith.constant 25 : i32
      %swap3A_1018 = arith.index_cast %swap3A_1017 : i32 to index
      %swap3A_1019 = arith.index_cast %add3A_767 : i32 to index
      %swap3A_1020 = tpu.vector_load %arg9[%swap3A_1018, %swap3A_1019] {strides = array<i32>} : memref<32x512xf32, #tpu.memory_space<vmem>>, vector<16xf32>,
      tpu.vector_store %arg9[%swap3A_1018, %swap3A_1019], %gather3A_892 {strides = array<i32>} : memref<32x512xf32, #tpu.memory_space<vmem>>, vector<16xf32>,
      %swap3A_1021 = arith.constant 26 : i32
      %swap3A_1022 = arith.index_cast %swap3A_1021 : i32 to index
      %swap3A_1023 = arith.index_cast %add3A_767 : i32 to index
      %swap3A_1024 = tpu.vector_load %arg9[%swap3A_1022, %swap3A_1023] {strides = array<i32>} : memref<32x512xf32, #tpu.memory_space<vmem>>, vector<16xf32>,
      tpu.vector_store %arg9[%swap3A_1022, %swap3A_1023], %gather3A_896 {strides = array<i32>} : memref<32x512xf32, #tpu.memory_space<vmem>>, vector<16xf32>,
      %swap3A_1025 = arith.constant 27 : i32
      %swap3A_1026 = arith.index_cast %swap3A_1025 : i32 to index
      %swap3A_1027 = arith.index_cast %add3A_767 : i32 to index
      %swap3A_1028 = tpu.vector_load %arg9[%swap3A_1026, %swap3A_1027] {strides = array<i32>} : memref<32x512xf32, #tpu.memory_space<vmem>>, vector<16xf32>,
      tpu.vector_store %arg9[%swap3A_1026, %swap3A_1027], %gather3A_900 {strides = array<i32>} : memref<32x512xf32, #tpu.memory_space<vmem>>, vector<16xf32>,
      %swap3A_1029 = arith.constant 28 : i32
      %swap3A_1030 = arith.index_cast %swap3A_1029 : i32 to index
      %swap3A_1031 = arith.index_cast %add3A_767 : i32 to index
      %swap3A_1032 = tpu.vector_load %arg9[%swap3A_1030, %swap3A_1031] {strides = array<i32>} : memref<32x512xf32, #tpu.memory_space<vmem>>, vector<16xf32>,
      tpu.vector_store %arg9[%swap3A_1030, %swap3A_1031], %gather3A_904 {strides = array<i32>} : memref<32x512xf32, #tpu.memory_space<vmem>>, vector<16xf32>,
      %swap3A_1033 = arith.constant 29 : i32
      %swap3A_1034 = arith.index_cast %swap3A_1033 : i32 to index
      %swap3A_1035 = arith.index_cast %add3A_767 : i32 to index
      %swap3A_1036 = tpu.vector_load %arg9[%swap3A_1034, %swap3A_1035] {strides = array<i32>} : memref<32x512xf32, #tpu.memory_space<vmem>>, vector<16xf32>,
      tpu.vector_store %arg9[%swap3A_1034, %swap3A_1035], %gather3A_908 {strides = array<i32>} : memref<32x512xf32, #tpu.memory_space<vmem>>, vector<16xf32>,
      %swap3A_1037 = arith.constant 30 : i32
      %swap3A_1038 = arith.index_cast %swap3A_1037 : i32 to index
      %swap3A_1039 = arith.index_cast %add3A_767 : i32 to index
      %swap3A_1040 = tpu.vector_load %arg9[%swap3A_1038, %swap3A_1039] {strides = array<i32>} : memref<32x512xf32, #tpu.memory_space<vmem>>, vector<16xf32>,
      tpu.vector_store %arg9[%swap3A_1038, %swap3A_1039], %gather3A_912 {strides = array<i32>} : memref<32x512xf32, #tpu.memory_space<vmem>>, vector<16xf32>,
      %swap3A_1041 = arith.constant 31 : i32
      %swap3A_1042 = arith.index_cast %swap3A_1041 : i32 to index
      %swap3A_1043 = arith.index_cast %add3A_767 : i32 to index
      %swap3A_1044 = tpu.vector_load %arg9[%swap3A_1042, %swap3A_1043] {strides = array<i32>} : memref<32x512xf32, #tpu.memory_space<vmem>>, vector<16xf32>,
      tpu.vector_store %arg9[%swap3A_1042, %swap3A_1043], %gather3A_916 {strides = array<i32>} : memref<32x512xf32, #tpu.memory_space<vmem>>, vector<16xf32>,
    }
    %scan3A_751 = arith.constant 8 : i32
    %dma_wait3A_752 = arith.constant 384 : i32
    %dma_wait3A_753 = tpu.memref_slice %arg6[%dma_wait3A_752] : memref<512xi32, #tpu.memory_space<vmem>> -> memref<128xi32, #tpu.memory_space<vmem>>
    %dma_wait3A_754 = arith.constant 0 : i32
    %dma_wait3A_755 = arith.constant 0 : i32
    %dma_wait3A_756 = tpu.memref_slice %arg2[%dma_wait3A_754, %dma_wait3A_755] : memref<25088x128xf32, #tpu.memory_space<hbm>> -> memref<25088x128xf32, #tpu.memory_space<hbm>>
    tpu.wait_indirect_dma semaphore(%arg11 : memref<!tpu.dma_semaphore, #tpu.memory_space<semaphore_mem>>) src(%dma_wait3A_756 : memref<25088x128xf32, #tpu.memory_space<hbm>>) dst(%arg8 : memref<128x128xf32, #tpu.memory_space<vmem>>)
    %scan3A_757 = arith.constant 0 : i32
    %scan3A_758 = arith.constant 0 : i32
    %scan3A_759 = arith.constant 8 : i32
    %scan3A_760 = arith.addi %scan3A_758, %scan3A_759 : i32
    %scan3A_761 = arith.constant 1 : i32
    scf.for %scan3A_763 = %scan3A_758 to %scan3A_760 step %scan3A_761  : i32 {
      %mul3A_764 = arith.constant 16 : i32
      %mul3A_765 = arith.muli %scan3A_763, %mul3A_764 : i32
      %add3A_766 = arith.constant 384 : i32
      %add3A_767 = arith.addi %add3A_766, %mul3A_765 : i32
      %get3A_768 = arith.index_cast %add3A_767 : i32 to index
      %get3A_769 = tpu.vector_load %arg5[%get3A_768] {strides = array<i32>} : memref<512xi32, #tpu.memory_space<vmem>>, vector<16xi32>,
      %ge3A_770 = arith.constant 25088 : i32
      %ge3A_771 = vector.broadcast %ge3A_770 : i32 to vector<16xi32>
      %ge3A_772 = arith.cmpi sge, %get3A_769, %ge3A_771 : vector<16xi32>
      %convert_element_type3A_773 = arith.extui %ge3A_772 : vector<16xi1> to vector<16xi32>
      %ge3A_774 = arith.constant 50176 : i32
      %ge3A_775 = vector.broadcast %ge3A_774 : i32 to vector<16xi32>
      %ge3A_776 = arith.cmpi sge, %get3A_769, %ge3A_775 : vector<16xi32>
      %convert_element_type3A_777 = arith.extui %ge3A_776 : vector<16xi1> to vector<16xi32>
      %add3A_778 = arith.addi %convert_element_type3A_773, %convert_element_type3A_777 : vector<16xi32>
      %ge3A_779 = arith.constant 75264 : i32
      %ge3A_780 = vector.broadcast %ge3A_779 : i32 to vector<16xi32>
      %ge3A_781 = arith.cmpi sge, %get3A_769, %ge3A_780 : vector<16xi32>
      %convert_element_type3A_782 = arith.extui %ge3A_781 : vector<16xi1> to vector<16xi32>
      %add3A_783 = arith.addi %add3A_778, %convert_element_type3A_782 : vector<16xi32>
      %shift_left3A = arith.constant 5 : i32
      %shift_left3A_784 = vector.broadcast %shift_left3A : i32 to vector<16xi32>
      %shift_left3A_785 = arith.shli %add3A_783, %shift_left3A_784 : vector<16xi32>
      %mul3A_786 = arith.constant 16 : i32
      %mul3A_787 = arith.muli %scan3A_763, %mul3A_786 : i32
      %add3A_788 = vector.broadcast %mul3A_787 : i32 to vector<16xi32>
      %add3A_789 = arith.addi %add3A_788, %iota3A : vector<16xi32>
      %add3A_790 = arith.constant 0 : i32
      %add3A_791 = vector.broadcast %add3A_790 : i32 to vector<16xi32>
      %add3A_792 = arith.addi %shift_left3A_785, %add3A_791 : vector<16xi32>
      %gather3A = tpu.vector_load_idx %arg8[%add3A_789, %add3A_792] : memref<128x128xf32, #tpu.memory_space<vmem>>[vector<16xi32>, vector<16xi32>], vector<16xf32>,
      %add3A_793 = arith.constant 1 : i32
      %add3A_794 = vector.broadcast %add3A_793 : i32 to vector<16xi32>
      %add3A_795 = arith.addi %shift_left3A_785, %add3A_794 : vector<16xi32>
      %gather3A_796 = tpu.vector_load_idx %arg8[%add3A_789, %add3A_795] : memref<128x128xf32, #tpu.memory_space<vmem>>[vector<16xi32>, vector<16xi32>], vector<16xf32>,
      %add3A_797 = arith.constant 2 : i32
      %add3A_798 = vector.broadcast %add3A_797 : i32 to vector<16xi32>
      %add3A_799 = arith.addi %shift_left3A_785, %add3A_798 : vector<16xi32>
      %gather3A_800 = tpu.vector_load_idx %arg8[%add3A_789, %add3A_799] : memref<128x128xf32, #tpu.memory_space<vmem>>[vector<16xi32>, vector<16xi32>], vector<16xf32>,
      %add3A_801 = arith.constant 3 : i32
      %add3A_802 = vector.broadcast %add3A_801 : i32 to vector<16xi32>
      %add3A_803 = arith.addi %shift_left3A_785, %add3A_802 : vector<16xi32>
      %gather3A_804 = tpu.vector_load_idx %arg8[%add3A_789, %add3A_803] : memref<128x128xf32, #tpu.memory_space<vmem>>[vector<16xi32>, vector<16xi32>], vector<16xf32>,
      %add3A_805 = arith.constant 4 : i32
      %add3A_806 = vector.broadcast %add3A_805 : i32 to vector<16xi32>
      %add3A_807 = arith.addi %shift_left3A_785, %add3A_806 : vector<16xi32>
      %gather3A_808 = tpu.vector_load_idx %arg8[%add3A_789, %add3A_807] : memref<128x128xf32, #tpu.memory_space<vmem>>[vector<16xi32>, vector<16xi32>], vector<16xf32>,
      %add3A_809 = arith.constant 5 : i32
      %add3A_810 = vector.broadcast %add3A_809 : i32 to vector<16xi32>
      %add3A_811 = arith.addi %shift_left3A_785, %add3A_810 : vector<16xi32>
      %gather3A_812 = tpu.vector_load_idx %arg8[%add3A_789, %add3A_811] : memref<128x128xf32, #tpu.memory_space<vmem>>[vector<16xi32>, vector<16xi32>], vector<16xf32>,
      %add3A_813 = arith.constant 6 : i32
      %add3A_814 = vector.broadcast %add3A_813 : i32 to vector<16xi32>
      %add3A_815 = arith.addi %shift_left3A_785, %add3A_814 : vector<16xi32>
      %gather3A_816 = tpu.vector_load_idx %arg8[%add3A_789, %add3A_815] : memref<128x128xf32, #tpu.memory_space<vmem>>[vector<16xi32>, vector<16xi32>], vector<16xf32>,
      %add3A_817 = arith.constant 7 : i32
      %add3A_818 = vector.broadcast %add3A_817 : i32 to vector<16xi32>
      %add3A_819 = arith.addi %shift_left3A_785, %add3A_818 : vector<16xi32>
      %gather3A_820 = tpu.vector_load_idx %arg8[%add3A_789, %add3A_819] : memref<128x128xf32, #tpu.memory_space<vmem>>[vector<16xi32>, vector<16xi32>], vector<16xf32>,
      %add3A_821 = arith.constant 8 : i32
      %add3A_822 = vector.broadcast %add3A_821 : i32 to vector<16xi32>
      %add3A_823 = arith.addi %shift_left3A_785, %add3A_822 : vector<16xi32>
      %gather3A_824 = tpu.vector_load_idx %arg8[%add3A_789, %add3A_823] : memref<128x128xf32, #tpu.memory_space<vmem>>[vector<16xi32>, vector<16xi32>], vector<16xf32>,
      %add3A_825 = arith.constant 9 : i32
      %add3A_826 = vector.broadcast %add3A_825 : i32 to vector<16xi32>
      %add3A_827 = arith.addi %shift_left3A_785, %add3A_826 : vector<16xi32>
      %gather3A_828 = tpu.vector_load_idx %arg8[%add3A_789, %add3A_827] : memref<128x128xf32, #tpu.memory_space<vmem>>[vector<16xi32>, vector<16xi32>], vector<16xf32>,
      %add3A_829 = arith.constant 10 : i32
      %add3A_830 = vector.broadcast %add3A_829 : i32 to vector<16xi32>
      %add3A_831 = arith.addi %shift_left3A_785, %add3A_830 : vector<16xi32>
      %gather3A_832 = tpu.vector_load_idx %arg8[%add3A_789, %add3A_831] : memref<128x128xf32, #tpu.memory_space<vmem>>[vector<16xi32>, vector<16xi32>], vector<16xf32>,
      %add3A_833 = arith.constant 11 : i32
      %add3A_834 = vector.broadcast %add3A_833 : i32 to vector<16xi32>
      %add3A_835 = arith.addi %shift_left3A_785, %add3A_834 : vector<16xi32>
      %gather3A_836 = tpu.vector_load_idx %arg8[%add3A_789, %add3A_835] : memref<128x128xf32, #tpu.memory_space<vmem>>[vector<16xi32>, vector<16xi32>], vector<16xf32>,
      %add3A_837 = arith.constant 12 : i32
      %add3A_838 = vector.broadcast %add3A_837 : i32 to vector<16xi32>
      %add3A_839 = arith.addi %shift_left3A_785, %add3A_838 : vector<16xi32>
      %gather3A_840 = tpu.vector_load_idx %arg8[%add3A_789, %add3A_839] : memref<128x128xf32, #tpu.memory_space<vmem>>[vector<16xi32>, vector<16xi32>], vector<16xf32>,
      %add3A_841 = arith.constant 13 : i32
      %add3A_842 = vector.broadcast %add3A_841 : i32 to vector<16xi32>
      %add3A_843 = arith.addi %shift_left3A_785, %add3A_842 : vector<16xi32>
      %gather3A_844 = tpu.vector_load_idx %arg8[%add3A_789, %add3A_843] : memref<128x128xf32, #tpu.memory_space<vmem>>[vector<16xi32>, vector<16xi32>], vector<16xf32>,
      %add3A_845 = arith.constant 14 : i32
      %add3A_846 = vector.broadcast %add3A_845 : i32 to vector<16xi32>
      %add3A_847 = arith.addi %shift_left3A_785, %add3A_846 : vector<16xi32>
      %gather3A_848 = tpu.vector_load_idx %arg8[%add3A_789, %add3A_847] : memref<128x128xf32, #tpu.memory_space<vmem>>[vector<16xi32>, vector<16xi32>], vector<16xf32>,
      %add3A_849 = arith.constant 15 : i32
      %add3A_850 = vector.broadcast %add3A_849 : i32 to vector<16xi32>
      %add3A_851 = arith.addi %shift_left3A_785, %add3A_850 : vector<16xi32>
      %gather3A_852 = tpu.vector_load_idx %arg8[%add3A_789, %add3A_851] : memref<128x128xf32, #tpu.memory_space<vmem>>[vector<16xi32>, vector<16xi32>], vector<16xf32>,
      %add3A_853 = arith.constant 16 : i32
      %add3A_854 = vector.broadcast %add3A_853 : i32 to vector<16xi32>
      %add3A_855 = arith.addi %shift_left3A_785, %add3A_854 : vector<16xi32>
      %gather3A_856 = tpu.vector_load_idx %arg8[%add3A_789, %add3A_855] : memref<128x128xf32, #tpu.memory_space<vmem>>[vector<16xi32>, vector<16xi32>], vector<16xf32>,
      %add3A_857 = arith.constant 17 : i32
      %add3A_858 = vector.broadcast %add3A_857 : i32 to vector<16xi32>
      %add3A_859 = arith.addi %shift_left3A_785, %add3A_858 : vector<16xi32>
      %gather3A_860 = tpu.vector_load_idx %arg8[%add3A_789, %add3A_859] : memref<128x128xf32, #tpu.memory_space<vmem>>[vector<16xi32>, vector<16xi32>], vector<16xf32>,
      %add3A_861 = arith.constant 18 : i32
      %add3A_862 = vector.broadcast %add3A_861 : i32 to vector<16xi32>
      %add3A_863 = arith.addi %shift_left3A_785, %add3A_862 : vector<16xi32>
      %gather3A_864 = tpu.vector_load_idx %arg8[%add3A_789, %add3A_863] : memref<128x128xf32, #tpu.memory_space<vmem>>[vector<16xi32>, vector<16xi32>], vector<16xf32>,
      %add3A_865 = arith.constant 19 : i32
      %add3A_866 = vector.broadcast %add3A_865 : i32 to vector<16xi32>
      %add3A_867 = arith.addi %shift_left3A_785, %add3A_866 : vector<16xi32>
      %gather3A_868 = tpu.vector_load_idx %arg8[%add3A_789, %add3A_867] : memref<128x128xf32, #tpu.memory_space<vmem>>[vector<16xi32>, vector<16xi32>], vector<16xf32>,
      %add3A_869 = arith.constant 20 : i32
      %add3A_870 = vector.broadcast %add3A_869 : i32 to vector<16xi32>
      %add3A_871 = arith.addi %shift_left3A_785, %add3A_870 : vector<16xi32>
      %gather3A_872 = tpu.vector_load_idx %arg8[%add3A_789, %add3A_871] : memref<128x128xf32, #tpu.memory_space<vmem>>[vector<16xi32>, vector<16xi32>], vector<16xf32>,
      %add3A_873 = arith.constant 21 : i32
      %add3A_874 = vector.broadcast %add3A_873 : i32 to vector<16xi32>
      %add3A_875 = arith.addi %shift_left3A_785, %add3A_874 : vector<16xi32>
      %gather3A_876 = tpu.vector_load_idx %arg8[%add3A_789, %add3A_875] : memref<128x128xf32, #tpu.memory_space<vmem>>[vector<16xi32>, vector<16xi32>], vector<16xf32>,
      %add3A_877 = arith.constant 22 : i32
      %add3A_878 = vector.broadcast %add3A_877 : i32 to vector<16xi32>
      %add3A_879 = arith.addi %shift_left3A_785, %add3A_878 : vector<16xi32>
      %gather3A_880 = tpu.vector_load_idx %arg8[%add3A_789, %add3A_879] : memref<128x128xf32, #tpu.memory_space<vmem>>[vector<16xi32>, vector<16xi32>], vector<16xf32>,
      %add3A_881 = arith.constant 23 : i32
      %add3A_882 = vector.broadcast %add3A_881 : i32 to vector<16xi32>
      %add3A_883 = arith.addi %shift_left3A_785, %add3A_882 : vector<16xi32>
      %gather3A_884 = tpu.vector_load_idx %arg8[%add3A_789, %add3A_883] : memref<128x128xf32, #tpu.memory_space<vmem>>[vector<16xi32>, vector<16xi32>], vector<16xf32>,
      %add3A_885 = arith.constant 24 : i32
      %add3A_886 = vector.broadcast %add3A_885 : i32 to vector<16xi32>
      %add3A_887 = arith.addi %shift_left3A_785, %add3A_886 : vector<16xi32>
      %gather3A_888 = tpu.vector_load_idx %arg8[%add3A_789, %add3A_887] : memref<128x128xf32, #tpu.memory_space<vmem>>[vector<16xi32>, vector<16xi32>], vector<16xf32>,
      %add3A_889 = arith.constant 25 : i32
      %add3A_890 = vector.broadcast %add3A_889 : i32 to vector<16xi32>
      %add3A_891 = arith.addi %shift_left3A_785, %add3A_890 : vector<16xi32>
      %gather3A_892 = tpu.vector_load_idx %arg8[%add3A_789, %add3A_891] : memref<128x128xf32, #tpu.memory_space<vmem>>[vector<16xi32>, vector<16xi32>], vector<16xf32>,
      %add3A_893 = arith.constant 26 : i32
      %add3A_894 = vector.broadcast %add3A_893 : i32 to vector<16xi32>
      %add3A_895 = arith.addi %shift_left3A_785, %add3A_894 : vector<16xi32>
      %gather3A_896 = tpu.vector_load_idx %arg8[%add3A_789, %add3A_895] : memref<128x128xf32, #tpu.memory_space<vmem>>[vector<16xi32>, vector<16xi32>], vector<16xf32>,
      %add3A_897 = arith.constant 27 : i32
      %add3A_898 = vector.broadcast %add3A_897 : i32 to vector<16xi32>
      %add3A_899 = arith.addi %shift_left3A_785, %add3A_898 : vector<16xi32>
      %gather3A_900 = tpu.vector_load_idx %arg8[%add3A_789, %add3A_899] : memref<128x128xf32, #tpu.memory_space<vmem>>[vector<16xi32>, vector<16xi32>], vector<16xf32>,
      %add3A_901 = arith.constant 28 : i32
      %add3A_902 = vector.broadcast %add3A_901 : i32 to vector<16xi32>
      %add3A_903 = arith.addi %shift_left3A_785, %add3A_902 : vector<16xi32>
      %gather3A_904 = tpu.vector_load_idx %arg8[%add3A_789, %add3A_903] : memref<128x128xf32, #tpu.memory_space<vmem>>[vector<16xi32>, vector<16xi32>], vector<16xf32>,
      %add3A_905 = arith.constant 29 : i32
      %add3A_906 = vector.broadcast %add3A_905 : i32 to vector<16xi32>
      %add3A_907 = arith.addi %shift_left3A_785, %add3A_906 : vector<16xi32>
      %gather3A_908 = tpu.vector_load_idx %arg8[%add3A_789, %add3A_907] : memref<128x128xf32, #tpu.memory_space<vmem>>[vector<16xi32>, vector<16xi32>], vector<16xf32>,
      %add3A_909 = arith.constant 30 : i32
      %add3A_910 = vector.broadcast %add3A_909 : i32 to vector<16xi32>
      %add3A_911 = arith.addi %shift_left3A_785, %add3A_910 : vector<16xi32>
      %gather3A_912 = tpu.vector_load_idx %arg8[%add3A_789, %add3A_911] : memref<128x128xf32, #tpu.memory_space<vmem>>[vector<16xi32>, vector<16xi32>], vector<16xf32>,
      %add3A_913 = arith.constant 31 : i32
      %add3A_914 = vector.broadcast %add3A_913 : i32 to vector<16xi32>
      %add3A_915 = arith.addi %shift_left3A_785, %add3A_914 : vector<16xi32>
      %gather3A_916 = tpu.vector_load_idx %arg8[%add3A_789, %add3A_915] : memref<128x128xf32, #tpu.memory_space<vmem>>[vector<16xi32>, vector<16xi32>], vector<16xf32>,
      %swap3A_917 = arith.constant 0 : i32
      %swap3A_918 = arith.index_cast %swap3A_917 : i32 to index
      %swap3A_919 = arith.index_cast %add3A_767 : i32 to index
      %swap3A_920 = tpu.vector_load %arg9[%swap3A_918, %swap3A_919] {strides = array<i32>} : memref<32x512xf32, #tpu.memory_space<vmem>>, vector<16xf32>,
      tpu.vector_store %arg9[%swap3A_918, %swap3A_919], %gather3A {strides = array<i32>} : memref<32x512xf32, #tpu.memory_space<vmem>>, vector<16xf32>,
      %swap3A_921 = arith.constant 1 : i32
      %swap3A_922 = arith.index_cast %swap3A_921 : i32 to index
      %swap3A_923 = arith.index_cast %add3A_767 : i32 to index
      %swap3A_924 = tpu.vector_load %arg9[%swap3A_922, %swap3A_923] {strides = array<i32>} : memref<32x512xf32, #tpu.memory_space<vmem>>, vector<16xf32>,
      tpu.vector_store %arg9[%swap3A_922, %swap3A_923], %gather3A_796 {strides = array<i32>} : memref<32x512xf32, #tpu.memory_space<vmem>>, vector<16xf32>,
      %swap3A_925 = arith.constant 2 : i32
      %swap3A_926 = arith.index_cast %swap3A_925 : i32 to index
      %swap3A_927 = arith.index_cast %add3A_767 : i32 to index
      %swap3A_928 = tpu.vector_load %arg9[%swap3A_926, %swap3A_927] {strides = array<i32>} : memref<32x512xf32, #tpu.memory_space<vmem>>, vector<16xf32>,
      tpu.vector_store %arg9[%swap3A_926, %swap3A_927], %gather3A_800 {strides = array<i32>} : memref<32x512xf32, #tpu.memory_space<vmem>>, vector<16xf32>,
      %swap3A_929 = arith.constant 3 : i32
      %swap3A_930 = arith.index_cast %swap3A_929 : i32 to index
      %swap3A_931 = arith.index_cast %add3A_767 : i32 to index
      %swap3A_932 = tpu.vector_load %arg9[%swap3A_930, %swap3A_931] {strides = array<i32>} : memref<32x512xf32, #tpu.memory_space<vmem>>, vector<16xf32>,
      tpu.vector_store %arg9[%swap3A_930, %swap3A_931], %gather3A_804 {strides = array<i32>} : memref<32x512xf32, #tpu.memory_space<vmem>>, vector<16xf32>,
      %swap3A_933 = arith.constant 4 : i32
      %swap3A_934 = arith.index_cast %swap3A_933 : i32 to index
      %swap3A_935 = arith.index_cast %add3A_767 : i32 to index
      %swap3A_936 = tpu.vector_load %arg9[%swap3A_934, %swap3A_935] {strides = array<i32>} : memref<32x512xf32, #tpu.memory_space<vmem>>, vector<16xf32>,
      tpu.vector_store %arg9[%swap3A_934, %swap3A_935], %gather3A_808 {strides = array<i32>} : memref<32x512xf32, #tpu.memory_space<vmem>>, vector<16xf32>,
      %swap3A_937 = arith.constant 5 : i32
      %swap3A_938 = arith.index_cast %swap3A_937 : i32 to index
      %swap3A_939 = arith.index_cast %add3A_767 : i32 to index
      %swap3A_940 = tpu.vector_load %arg9[%swap3A_938, %swap3A_939] {strides = array<i32>} : memref<32x512xf32, #tpu.memory_space<vmem>>, vector<16xf32>,
      tpu.vector_store %arg9[%swap3A_938, %swap3A_939], %gather3A_812 {strides = array<i32>} : memref<32x512xf32, #tpu.memory_space<vmem>>, vector<16xf32>,
      %swap3A_941 = arith.constant 6 : i32
      %swap3A_942 = arith.index_cast %swap3A_941 : i32 to index
      %swap3A_943 = arith.index_cast %add3A_767 : i32 to index
      %swap3A_944 = tpu.vector_load %arg9[%swap3A_942, %swap3A_943] {strides = array<i32>} : memref<32x512xf32, #tpu.memory_space<vmem>>, vector<16xf32>,
      tpu.vector_store %arg9[%swap3A_942, %swap3A_943], %gather3A_816 {strides = array<i32>} : memref<32x512xf32, #tpu.memory_space<vmem>>, vector<16xf32>,
      %swap3A_945 = arith.constant 7 : i32
      %swap3A_946 = arith.index_cast %swap3A_945 : i32 to index
      %swap3A_947 = arith.index_cast %add3A_767 : i32 to index
      %swap3A_948 = tpu.vector_load %arg9[%swap3A_946, %swap3A_947] {strides = array<i32>} : memref<32x512xf32, #tpu.memory_space<vmem>>, vector<16xf32>,
      tpu.vector_store %arg9[%swap3A_946, %swap3A_947], %gather3A_820 {strides = array<i32>} : memref<32x512xf32, #tpu.memory_space<vmem>>, vector<16xf32>,
      %swap3A_949 = arith.constant 8 : i32
      %swap3A_950 = arith.index_cast %swap3A_949 : i32 to index
      %swap3A_951 = arith.index_cast %add3A_767 : i32 to index
      %swap3A_952 = tpu.vector_load %arg9[%swap3A_950, %swap3A_951] {strides = array<i32>} : memref<32x512xf32, #tpu.memory_space<vmem>>, vector<16xf32>,
      tpu.vector_store %arg9[%swap3A_950, %swap3A_951], %gather3A_824 {strides = array<i32>} : memref<32x512xf32, #tpu.memory_space<vmem>>, vector<16xf32>,
      %swap3A_953 = arith.constant 9 : i32
      %swap3A_954 = arith.index_cast %swap3A_953 : i32 to index
      %swap3A_955 = arith.index_cast %add3A_767 : i32 to index
      %swap3A_956 = tpu.vector_load %arg9[%swap3A_954, %swap3A_955] {strides = array<i32>} : memref<32x512xf32, #tpu.memory_space<vmem>>, vector<16xf32>,
      tpu.vector_store %arg9[%swap3A_954, %swap3A_955], %gather3A_828 {strides = array<i32>} : memref<32x512xf32, #tpu.memory_space<vmem>>, vector<16xf32>,
      %swap3A_957 = arith.constant 10 : i32
      %swap3A_958 = arith.index_cast %swap3A_957 : i32 to index
      %swap3A_959 = arith.index_cast %add3A_767 : i32 to index
      %swap3A_960 = tpu.vector_load %arg9[%swap3A_958, %swap3A_959] {strides = array<i32>} : memref<32x512xf32, #tpu.memory_space<vmem>>, vector<16xf32>,
      tpu.vector_store %arg9[%swap3A_958, %swap3A_959], %gather3A_832 {strides = array<i32>} : memref<32x512xf32, #tpu.memory_space<vmem>>, vector<16xf32>,
      %swap3A_961 = arith.constant 11 : i32
      %swap3A_962 = arith.index_cast %swap3A_961 : i32 to index
      %swap3A_963 = arith.index_cast %add3A_767 : i32 to index
      %swap3A_964 = tpu.vector_load %arg9[%swap3A_962, %swap3A_963] {strides = array<i32>} : memref<32x512xf32, #tpu.memory_space<vmem>>, vector<16xf32>,
      tpu.vector_store %arg9[%swap3A_962, %swap3A_963], %gather3A_836 {strides = array<i32>} : memref<32x512xf32, #tpu.memory_space<vmem>>, vector<16xf32>,
      %swap3A_965 = arith.constant 12 : i32
      %swap3A_966 = arith.index_cast %swap3A_965 : i32 to index
      %swap3A_967 = arith.index_cast %add3A_767 : i32 to index
      %swap3A_968 = tpu.vector_load %arg9[%swap3A_966, %swap3A_967] {strides = array<i32>} : memref<32x512xf32, #tpu.memory_space<vmem>>, vector<16xf32>,
      tpu.vector_store %arg9[%swap3A_966, %swap3A_967], %gather3A_840 {strides = array<i32>} : memref<32x512xf32, #tpu.memory_space<vmem>>, vector<16xf32>,
      %swap3A_969 = arith.constant 13 : i32
      %swap3A_970 = arith.index_cast %swap3A_969 : i32 to index
      %swap3A_971 = arith.index_cast %add3A_767 : i32 to index
      %swap3A_972 = tpu.vector_load %arg9[%swap3A_970, %swap3A_971] {strides = array<i32>} : memref<32x512xf32, #tpu.memory_space<vmem>>, vector<16xf32>,
      tpu.vector_store %arg9[%swap3A_970, %swap3A_971], %gather3A_844 {strides = array<i32>} : memref<32x512xf32, #tpu.memory_space<vmem>>, vector<16xf32>,
      %swap3A_973 = arith.constant 14 : i32
      %swap3A_974 = arith.index_cast %swap3A_973 : i32 to index
      %swap3A_975 = arith.index_cast %add3A_767 : i32 to index
      %swap3A_976 = tpu.vector_load %arg9[%swap3A_974, %swap3A_975] {strides = array<i32>} : memref<32x512xf32, #tpu.memory_space<vmem>>, vector<16xf32>,
      tpu.vector_store %arg9[%swap3A_974, %swap3A_975], %gather3A_848 {strides = array<i32>} : memref<32x512xf32, #tpu.memory_space<vmem>>, vector<16xf32>,
      %swap3A_977 = arith.constant 15 : i32
      %swap3A_978 = arith.index_cast %swap3A_977 : i32 to index
      %swap3A_979 = arith.index_cast %add3A_767 : i32 to index
      %swap3A_980 = tpu.vector_load %arg9[%swap3A_978, %swap3A_979] {strides = array<i32>} : memref<32x512xf32, #tpu.memory_space<vmem>>, vector<16xf32>,
      tpu.vector_store %arg9[%swap3A_978, %swap3A_979], %gather3A_852 {strides = array<i32>} : memref<32x512xf32, #tpu.memory_space<vmem>>, vector<16xf32>,
      %swap3A_981 = arith.constant 16 : i32
      %swap3A_982 = arith.index_cast %swap3A_981 : i32 to index
      %swap3A_983 = arith.index_cast %add3A_767 : i32 to index
      %swap3A_984 = tpu.vector_load %arg9[%swap3A_982, %swap3A_983] {strides = array<i32>} : memref<32x512xf32, #tpu.memory_space<vmem>>, vector<16xf32>,
      tpu.vector_store %arg9[%swap3A_982, %swap3A_983], %gather3A_856 {strides = array<i32>} : memref<32x512xf32, #tpu.memory_space<vmem>>, vector<16xf32>,
      %swap3A_985 = arith.constant 17 : i32
      %swap3A_986 = arith.index_cast %swap3A_985 : i32 to index
      %swap3A_987 = arith.index_cast %add3A_767 : i32 to index
      %swap3A_988 = tpu.vector_load %arg9[%swap3A_986, %swap3A_987] {strides = array<i32>} : memref<32x512xf32, #tpu.memory_space<vmem>>, vector<16xf32>,
      tpu.vector_store %arg9[%swap3A_986, %swap3A_987], %gather3A_860 {strides = array<i32>} : memref<32x512xf32, #tpu.memory_space<vmem>>, vector<16xf32>,
      %swap3A_989 = arith.constant 18 : i32
      %swap3A_990 = arith.index_cast %swap3A_989 : i32 to index
      %swap3A_991 = arith.index_cast %add3A_767 : i32 to index
      %swap3A_992 = tpu.vector_load %arg9[%swap3A_990, %swap3A_991] {strides = array<i32>} : memref<32x512xf32, #tpu.memory_space<vmem>>, vector<16xf32>,
      tpu.vector_store %arg9[%swap3A_990, %swap3A_991], %gather3A_864 {strides = array<i32>} : memref<32x512xf32, #tpu.memory_space<vmem>>, vector<16xf32>,
      %swap3A_993 = arith.constant 19 : i32
      %swap3A_994 = arith.index_cast %swap3A_993 : i32 to index
      %swap3A_995 = arith.index_cast %add3A_767 : i32 to index
      %swap3A_996 = tpu.vector_load %arg9[%swap3A_994, %swap3A_995] {strides = array<i32>} : memref<32x512xf32, #tpu.memory_space<vmem>>, vector<16xf32>,
      tpu.vector_store %arg9[%swap3A_994, %swap3A_995], %gather3A_868 {strides = array<i32>} : memref<32x512xf32, #tpu.memory_space<vmem>>, vector<16xf32>,
      %swap3A_997 = arith.constant 20 : i32
      %swap3A_998 = arith.index_cast %swap3A_997 : i32 to index
      %swap3A_999 = arith.index_cast %add3A_767 : i32 to index
      %swap3A_1000 = tpu.vector_load %arg9[%swap3A_998, %swap3A_999] {strides = array<i32>} : memref<32x512xf32, #tpu.memory_space<vmem>>, vector<16xf32>,
      tpu.vector_store %arg9[%swap3A_998, %swap3A_999], %gather3A_872 {strides = array<i32>} : memref<32x512xf32, #tpu.memory_space<vmem>>, vector<16xf32>,
      %swap3A_1001 = arith.constant 21 : i32
      %swap3A_1002 = arith.index_cast %swap3A_1001 : i32 to index
      %swap3A_1003 = arith.index_cast %add3A_767 : i32 to index
      %swap3A_1004 = tpu.vector_load %arg9[%swap3A_1002, %swap3A_1003] {strides = array<i32>} : memref<32x512xf32, #tpu.memory_space<vmem>>, vector<16xf32>,
      tpu.vector_store %arg9[%swap3A_1002, %swap3A_1003], %gather3A_876 {strides = array<i32>} : memref<32x512xf32, #tpu.memory_space<vmem>>, vector<16xf32>,
      %swap3A_1005 = arith.constant 22 : i32
      %swap3A_1006 = arith.index_cast %swap3A_1005 : i32 to index
      %swap3A_1007 = arith.index_cast %add3A_767 : i32 to index
      %swap3A_1008 = tpu.vector_load %arg9[%swap3A_1006, %swap3A_1007] {strides = array<i32>} : memref<32x512xf32, #tpu.memory_space<vmem>>, vector<16xf32>,
      tpu.vector_store %arg9[%swap3A_1006, %swap3A_1007], %gather3A_880 {strides = array<i32>} : memref<32x512xf32, #tpu.memory_space<vmem>>, vector<16xf32>,
      %swap3A_1009 = arith.constant 23 : i32
      %swap3A_1010 = arith.index_cast %swap3A_1009 : i32 to index
      %swap3A_1011 = arith.index_cast %add3A_767 : i32 to index
      %swap3A_1012 = tpu.vector_load %arg9[%swap3A_1010, %swap3A_1011] {strides = array<i32>} : memref<32x512xf32, #tpu.memory_space<vmem>>, vector<16xf32>,
      tpu.vector_store %arg9[%swap3A_1010, %swap3A_1011], %gather3A_884 {strides = array<i32>} : memref<32x512xf32, #tpu.memory_space<vmem>>, vector<16xf32>,
      %swap3A_1013 = arith.constant 24 : i32
      %swap3A_1014 = arith.index_cast %swap3A_1013 : i32 to index
      %swap3A_1015 = arith.index_cast %add3A_767 : i32 to index
      %swap3A_1016 = tpu.vector_load %arg9[%swap3A_1014, %swap3A_1015] {strides = array<i32>} : memref<32x512xf32, #tpu.memory_space<vmem>>, vector<16xf32>,
      tpu.vector_store %arg9[%swap3A_1014, %swap3A_1015], %gather3A_888 {strides = array<i32>} : memref<32x512xf32, #tpu.memory_space<vmem>>, vector<16xf32>,
      %swap3A_1017 = arith.constant 25 : i32
      %swap3A_1018 = arith.index_cast %swap3A_1017 : i32 to index
      %swap3A_1019 = arith.index_cast %add3A_767 : i32 to index
      %swap3A_1020 = tpu.vector_load %arg9[%swap3A_1018, %swap3A_1019] {strides = array<i32>} : memref<32x512xf32, #tpu.memory_space<vmem>>, vector<16xf32>,
      tpu.vector_store %arg9[%swap3A_1018, %swap3A_1019], %gather3A_892 {strides = array<i32>} : memref<32x512xf32, #tpu.memory_space<vmem>>, vector<16xf32>,
      %swap3A_1021 = arith.constant 26 : i32
      %swap3A_1022 = arith.index_cast %swap3A_1021 : i32 to index
      %swap3A_1023 = arith.index_cast %add3A_767 : i32 to index
      %swap3A_1024 = tpu.vector_load %arg9[%swap3A_1022, %swap3A_1023] {strides = array<i32>} : memref<32x512xf32, #tpu.memory_space<vmem>>, vector<16xf32>,
      tpu.vector_store %arg9[%swap3A_1022, %swap3A_1023], %gather3A_896 {strides = array<i32>} : memref<32x512xf32, #tpu.memory_space<vmem>>, vector<16xf32>,
      %swap3A_1025 = arith.constant 27 : i32
      %swap3A_1026 = arith.index_cast %swap3A_1025 : i32 to index
      %swap3A_1027 = arith.index_cast %add3A_767 : i32 to index
      %swap3A_1028 = tpu.vector_load %arg9[%swap3A_1026, %swap3A_1027] {strides = array<i32>} : memref<32x512xf32, #tpu.memory_space<vmem>>, vector<16xf32>,
      tpu.vector_store %arg9[%swap3A_1026, %swap3A_1027], %gather3A_900 {strides = array<i32>} : memref<32x512xf32, #tpu.memory_space<vmem>>, vector<16xf32>,
      %swap3A_1029 = arith.constant 28 : i32
      %swap3A_1030 = arith.index_cast %swap3A_1029 : i32 to index
      %swap3A_1031 = arith.index_cast %add3A_767 : i32 to index
      %swap3A_1032 = tpu.vector_load %arg9[%swap3A_1030, %swap3A_1031] {strides = array<i32>} : memref<32x512xf32, #tpu.memory_space<vmem>>, vector<16xf32>,
      tpu.vector_store %arg9[%swap3A_1030, %swap3A_1031], %gather3A_904 {strides = array<i32>} : memref<32x512xf32, #tpu.memory_space<vmem>>, vector<16xf32>,
      %swap3A_1033 = arith.constant 29 : i32
      %swap3A_1034 = arith.index_cast %swap3A_1033 : i32 to index
      %swap3A_1035 = arith.index_cast %add3A_767 : i32 to index
      %swap3A_1036 = tpu.vector_load %arg9[%swap3A_1034, %swap3A_1035] {strides = array<i32>} : memref<32x512xf32, #tpu.memory_space<vmem>>, vector<16xf32>,
      tpu.vector_store %arg9[%swap3A_1034, %swap3A_1035], %gather3A_908 {strides = array<i32>} : memref<32x512xf32, #tpu.memory_space<vmem>>, vector<16xf32>,
      %swap3A_1037 = arith.constant 30 : i32
      %swap3A_1038 = arith.index_cast %swap3A_1037 : i32 to index
      %swap3A_1039 = arith.index_cast %add3A_767 : i32 to index
      %swap3A_1040 = tpu.vector_load %arg9[%swap3A_1038, %swap3A_1039] {strides = array<i32>} : memref<32x512xf32, #tpu.memory_space<vmem>>, vector<16xf32>,
      tpu.vector_store %arg9[%swap3A_1038, %swap3A_1039], %gather3A_912 {strides = array<i32>} : memref<32x512xf32, #tpu.memory_space<vmem>>, vector<16xf32>,
      %swap3A_1041 = arith.constant 31 : i32
      %swap3A_1042 = arith.index_cast %swap3A_1041 : i32 to index
      %swap3A_1043 = arith.index_cast %add3A_767 : i32 to index
      %swap3A_1044 = tpu.vector_load %arg9[%swap3A_1042, %swap3A_1043] {strides = array<i32>} : memref<32x512xf32, #tpu.memory_space<vmem>>, vector<16xf32>,
      tpu.vector_store %arg9[%swap3A_1042, %swap3A_1043], %gather3A_916 {strides = array<i32>} : memref<32x512xf32, #tpu.memory_space<vmem>>, vector<16xf32>,
    }
    %scan3A_762 = arith.constant 8 : i32
    "tpu.region"() ({
      %run_scoped3A = tpu.sem_alloc : memref<!tpu.dma_semaphore, #tpu.memory_space<semaphore_mem>>
      %dma_start3A_763 = arith.constant 0 : i32
      %dma_start3A_764 = tpu.memref_slice %arg4[%dma_start3A_763, %mul3A_2] : memref<32x16384xf32, #tpu.memory_space<hbm>> -> memref<32x512xf32, #tpu.memory_space<hbm>>
      %dma_start3A_765 = arith.constant 0 : i32
      %dma_start3A_766 = tpu.memref_slice %arg4[%dma_start3A_765, %mul3A_2] : memref<32x16384xf32, #tpu.memory_space<hbm>> -> memref<32x512xf32, #tpu.memory_space<hbm>>
      tpu.enqueue_dma source(%arg9 : memref<32x512xf32, #tpu.memory_space<vmem>>) target(%dma_start3A_766 : memref<32x512xf32, #tpu.memory_space<hbm>>) target_semaphore(%run_scoped3A : memref<!tpu.dma_semaphore, #tpu.memory_space<semaphore_mem>>)
      %dma_wait3A_767 = arith.constant 0 : i32
      %dma_wait3A_768 = tpu.memref_slice %arg4[%dma_wait3A_767, %mul3A_2] : memref<32x16384xf32, #tpu.memory_space<hbm>> -> memref<32x512xf32, #tpu.memory_space<hbm>>
      %dma_wait3A_769 = arith.constant 0 : i32
      %dma_wait3A_770 = tpu.memref_slice %arg4[%dma_wait3A_769, %mul3A_2] : memref<32x16384xf32, #tpu.memory_space<hbm>> -> memref<32x512xf32, #tpu.memory_space<hbm>>
      tpu.wait_dma2 semaphore(%run_scoped3A : memref<!tpu.dma_semaphore, #tpu.memory_space<semaphore_mem>>) src(%arg9 : memref<32x512xf32, #tpu.memory_space<vmem>>) dst(%dma_wait3A_770 : memref<32x512xf32, #tpu.memory_space<hbm>>)
      tpu.yield
    }) : () -> ()
    return
  }
}

module attributes {stable_mosaic.version = 14 : i64} {
  func.func @_mlp_body(%arg0: i32, %arg1: memref<32x4096xf32, #tpu.memory_space<vmem>>, %arg2: memref<19x4096xf32, #tpu.memory_space<vmem>>, %arg3: memref<19x64xf32, #tpu.memory_space<vmem>>, %arg4: memref<64x1xf32, #tpu.memory_space<vmem>>, %arg5: memref<32x64xf32, #tpu.memory_space<vmem>>, %arg6: memref<32x1xf32, #tpu.memory_space<vmem>>, %arg7: memref<32x64xf32, #tpu.memory_space<vmem>>, %arg8: memref<32x1xf32, #tpu.memory_space<vmem>>, %arg9: memref<16x32xf32, #tpu.memory_space<vmem>>, %arg10: memref<16x1xf32, #tpu.memory_space<vmem>>, %arg11: memref<1x16xf32, #tpu.memory_space<vmem>>, %arg12: memref<1x1xf32, #tpu.memory_space<vmem>>, %arg13: memref<1x4096xf32, #tpu.memory_space<vmem>>) attributes {dimension_semantics = [#tpu.dimension_semantics<arbitrary>], iteration_bounds = array<i64: 4>, scalar_prefetch = 0 : i64, scratch_operands = 0 : i64, tpu.core_type = #tpu.core_type<tc>, window_params = [{transform_indices = @transform_0, window_bounds = array<i64: 32, 4096>}, {transform_indices = @transform_1, window_bounds = array<i64: 19, 4096>}, {pipeline_mode = #tpu.pipeline_mode<synchronous>, transform_indices = @transform_2, window_bounds = array<i64: 19, 64>}, {pipeline_mode = #tpu.pipeline_mode<synchronous>, transform_indices = @transform_3, window_bounds = array<i64: 64, 1>}, {pipeline_mode = #tpu.pipeline_mode<synchronous>, transform_indices = @transform_4, window_bounds = array<i64: 32, 64>}, {pipeline_mode = #tpu.pipeline_mode<synchronous>, transform_indices = @transform_5, window_bounds = array<i64: 32, 1>}, {pipeline_mode = #tpu.pipeline_mode<synchronous>, transform_indices = @transform_6, window_bounds = array<i64: 32, 64>}, {pipeline_mode = #tpu.pipeline_mode<synchronous>, transform_indices = @transform_7, window_bounds = array<i64: 32, 1>}, {pipeline_mode = #tpu.pipeline_mode<synchronous>, transform_indices = @transform_8, window_bounds = array<i64: 16, 32>}, {pipeline_mode = #tpu.pipeline_mode<synchronous>, transform_indices = @transform_9, window_bounds = array<i64: 16, 1>}, {pipeline_mode = #tpu.pipeline_mode<synchronous>, transform_indices = @transform_10, window_bounds = array<i64: 1, 16>}, {pipeline_mode = #tpu.pipeline_mode<synchronous>, transform_indices = @transform_11, window_bounds = array<i64: 1, 1>}, {transform_indices = @transform_12, window_bounds = array<i64: 1, 4096>}]} {
    %get3A = arith.constant 0 : index
    %get3A_0 = arith.constant 0 : index
    %get3A_1 = vector.load %arg2[%get3A, %get3A_0] : memref<19x4096xf32, #tpu.memory_space<vmem>>, vector<19x4096xf32>
    %get3A_2 = arith.constant 0 : index
    %get3A_3 = arith.constant 0 : index
    %get3A_4 = vector.load %arg3[%get3A_2, %get3A_3] : memref<19x64xf32, #tpu.memory_space<vmem>>, vector<19x64xf32>
    %dot_general3A = arith.constant dense<0.000000e+00> : vector<64x4096xf32>
    %dot_general3A_5 = tpu.matmul %get3A_4, %get3A_1, %dot_general3A {dimension_numbers = #tpu.dot_dimension_numbers<[0], [0], [1], [1], [0, 1, 1, 1], [], []>, transpose_lhs_hint = false} : vector<19x64xf32>, vector<19x4096xf32>, vector<64x4096xf32> -> vector<64x4096xf32>
    %get3A_6 = arith.constant 0 : index
    %get3A_7 = arith.constant 0 : index
    %get3A_8 = vector.load %arg4[%get3A_6, %get3A_7] : memref<64x1xf32, #tpu.memory_space<vmem>>, vector<64x1xf32>
    %add3A = vector.broadcast %get3A_8 : vector<64x1xf32> to vector<64x4096xf32>
    %add3A_9 = arith.addf %dot_general3A_5, %add3A : vector<64x4096xf32>
    %max3A = arith.constant 0.000000e+00 : f32
    %max3A_10 = vector.broadcast %max3A : f32 to vector<64x4096xf32>
    %max3A_11 = arith.maximumf %add3A_9, %max3A_10 : vector<64x4096xf32>
    %get3A_12 = arith.constant 0 : index
    %get3A_13 = arith.constant 0 : index
    %get3A_14 = vector.load %arg5[%get3A_12, %get3A_13] : memref<32x64xf32, #tpu.memory_space<vmem>>, vector<32x64xf32>
    %dot_general3A_15 = arith.constant dense<0.000000e+00> : vector<32x4096xf32>
    %dot_general3A_16 = tpu.matmul %get3A_14, %max3A_11, %dot_general3A_15 {dimension_numbers = #tpu.dot_dimension_numbers<[1], [0], [0], [1], [0, 0, 1, 1], [], []>, transpose_lhs_hint = false} : vector<32x64xf32>, vector<64x4096xf32>, vector<32x4096xf32> -> vector<32x4096xf32>
    %get3A_17 = arith.constant 0 : index
    %get3A_18 = arith.constant 0 : index
    %get3A_19 = vector.load %arg6[%get3A_17, %get3A_18] : memref<32x1xf32, #tpu.memory_space<vmem>>, vector<32x1xf32>
    %add3A_20 = vector.broadcast %get3A_19 : vector<32x1xf32> to vector<32x4096xf32>
    %add3A_21 = arith.addf %dot_general3A_16, %add3A_20 : vector<32x4096xf32>
    %get3A_22 = arith.constant 0 : index
    %get3A_23 = arith.constant 0 : index
    %get3A_24 = vector.load %arg1[%get3A_22, %get3A_23] : memref<32x4096xf32, #tpu.memory_space<vmem>>, vector<32x4096xf32>
    %concatenate3A = tpu.concatenate %get3A_24, %add3A_21 in 0 : vector<32x4096xf32>, vector<32x4096xf32> -> vector<64x4096xf32>
    %get3A_25 = arith.constant 0 : index
    %get3A_26 = arith.constant 0 : index
    %get3A_27 = vector.load %arg7[%get3A_25, %get3A_26] : memref<32x64xf32, #tpu.memory_space<vmem>>, vector<32x64xf32>
    %dot_general3A_28 = arith.constant dense<0.000000e+00> : vector<32x4096xf32>
    %dot_general3A_29 = tpu.matmul %get3A_27, %concatenate3A, %dot_general3A_28 {dimension_numbers = #tpu.dot_dimension_numbers<[1], [0], [0], [1], [0, 0, 1, 1], [], []>, transpose_lhs_hint = false} : vector<32x64xf32>, vector<64x4096xf32>, vector<32x4096xf32> -> vector<32x4096xf32>
    %get3A_30 = arith.constant 0 : index
    %get3A_31 = arith.constant 0 : index
    %get3A_32 = vector.load %arg8[%get3A_30, %get3A_31] : memref<32x1xf32, #tpu.memory_space<vmem>>, vector<32x1xf32>
    %add3A_33 = vector.broadcast %get3A_32 : vector<32x1xf32> to vector<32x4096xf32>
    %add3A_34 = arith.addf %dot_general3A_29, %add3A_33 : vector<32x4096xf32>
    %max3A_35 = arith.constant 0.000000e+00 : f32
    %max3A_36 = vector.broadcast %max3A_35 : f32 to vector<32x4096xf32>
    %max3A_37 = arith.maximumf %add3A_34, %max3A_36 : vector<32x4096xf32>
    %get3A_38 = arith.constant 0 : index
    %get3A_39 = arith.constant 0 : index
    %get3A_40 = vector.load %arg9[%get3A_38, %get3A_39] : memref<16x32xf32, #tpu.memory_space<vmem>>, vector<16x32xf32>
    %dot_general3A_41 = arith.constant dense<0.000000e+00> : vector<16x4096xf32>
    %dot_general3A_42 = tpu.matmul %get3A_40, %max3A_37, %dot_general3A_41 {dimension_numbers = #tpu.dot_dimension_numbers<[1], [0], [0], [1], [0, 0, 1, 1], [], []>, transpose_lhs_hint = false} : vector<16x32xf32>, vector<32x4096xf32>, vector<16x4096xf32> -> vector<16x4096xf32>
    %get3A_43 = arith.constant 0 : index
    %get3A_44 = arith.constant 0 : index
    %get3A_45 = vector.load %arg10[%get3A_43, %get3A_44] : memref<16x1xf32, #tpu.memory_space<vmem>>, vector<16x1xf32>
    %add3A_46 = vector.broadcast %get3A_45 : vector<16x1xf32> to vector<16x4096xf32>
    %add3A_47 = arith.addf %dot_general3A_42, %add3A_46 : vector<16x4096xf32>
    %max3A_48 = arith.constant 0.000000e+00 : f32
    %max3A_49 = vector.broadcast %max3A_48 : f32 to vector<16x4096xf32>
    %max3A_50 = arith.maximumf %add3A_47, %max3A_49 : vector<16x4096xf32>
    %get3A_51 = arith.constant 0 : index
    %get3A_52 = arith.constant 0 : index
    %get3A_53 = vector.load %arg11[%get3A_51, %get3A_52] : memref<1x16xf32, #tpu.memory_space<vmem>>, vector<1x16xf32>
    %dot_general3A_54 = arith.constant dense<0.000000e+00> : vector<1x4096xf32>
    %dot_general3A_55 = tpu.matmul %get3A_53, %max3A_50, %dot_general3A_54 {dimension_numbers = #tpu.dot_dimension_numbers<[1], [0], [0], [1], [0, 0, 1, 1], [], []>, transpose_lhs_hint = false} : vector<1x16xf32>, vector<16x4096xf32>, vector<1x4096xf32> -> vector<1x4096xf32>
    %get3A_56 = arith.constant 0 : index
    %get3A_57 = arith.constant 0 : index
    %get3A_58 = vector.load %arg12[%get3A_56, %get3A_57] : memref<1x1xf32, #tpu.memory_space<vmem>>, vector<1x1xf32>
    %add3A_59 = vector.broadcast %get3A_58 : vector<1x1xf32> to vector<1x4096xf32>
    %add3A_60 = arith.addf %dot_general3A_55, %add3A_59 : vector<1x4096xf32>
    %swap3A = arith.constant 0 : index
    %swap3A_61 = arith.constant 0 : index
    %swap3A_62 = vector.load %arg13[%swap3A, %swap3A_61] : memref<1x4096xf32, #tpu.memory_space<vmem>>, vector<1x4096xf32>
    tpu.vector_store %arg13[%swap3A, %swap3A_61], %add3A_60 {strides = array<i32>} : memref<1x4096xf32, #tpu.memory_space<vmem>>, vector<1x4096xf32>,
    return
  }
  func.func @transform_0(%arg0: i32) -> (i32, i32) {
    %c0_i32 = arith.constant 0 : i32
    %c0_i32_0 = arith.constant 0 : i32
    return %c0_i32, %arg0 : i32, i32
  }
  func.func @transform_1(%arg0: i32) -> (i32, i32) {
    %c0_i32 = arith.constant 0 : i32
    %c0_i32_0 = arith.constant 0 : i32
    return %c0_i32, %arg0 : i32, i32
  }
  func.func @transform_2(%arg0: i32) -> (i32, i32) {
    %c0_i32 = arith.constant 0 : i32
    %c0_i32_0 = arith.constant 0 : i32
    %c0_i32_1 = arith.constant 0 : i32
    return %c0_i32, %c0_i32_0 : i32, i32
  }
  func.func @transform_3(%arg0: i32) -> (i32, i32) {
    %c0_i32 = arith.constant 0 : i32
    %c0_i32_0 = arith.constant 0 : i32
    %c0_i32_1 = arith.constant 0 : i32
    return %c0_i32, %c0_i32_0 : i32, i32
  }
  func.func @transform_4(%arg0: i32) -> (i32, i32) {
    %c0_i32 = arith.constant 0 : i32
    %c0_i32_0 = arith.constant 0 : i32
    %c0_i32_1 = arith.constant 0 : i32
    return %c0_i32, %c0_i32_0 : i32, i32
  }
  func.func @transform_5(%arg0: i32) -> (i32, i32) {
    %c0_i32 = arith.constant 0 : i32
    %c0_i32_0 = arith.constant 0 : i32
    %c0_i32_1 = arith.constant 0 : i32
    return %c0_i32, %c0_i32_0 : i32, i32
  }
  func.func @transform_6(%arg0: i32) -> (i32, i32) {
    %c0_i32 = arith.constant 0 : i32
    %c0_i32_0 = arith.constant 0 : i32
    %c0_i32_1 = arith.constant 0 : i32
    return %c0_i32, %c0_i32_0 : i32, i32
  }
  func.func @transform_7(%arg0: i32) -> (i32, i32) {
    %c0_i32 = arith.constant 0 : i32
    %c0_i32_0 = arith.constant 0 : i32
    %c0_i32_1 = arith.constant 0 : i32
    return %c0_i32, %c0_i32_0 : i32, i32
  }
  func.func @transform_8(%arg0: i32) -> (i32, i32) {
    %c0_i32 = arith.constant 0 : i32
    %c0_i32_0 = arith.constant 0 : i32
    %c0_i32_1 = arith.constant 0 : i32
    return %c0_i32, %c0_i32_0 : i32, i32
  }
  func.func @transform_9(%arg0: i32) -> (i32, i32) {
    %c0_i32 = arith.constant 0 : i32
    %c0_i32_0 = arith.constant 0 : i32
    %c0_i32_1 = arith.constant 0 : i32
    return %c0_i32, %c0_i32_0 : i32, i32
  }
  func.func @transform_10(%arg0: i32) -> (i32, i32) {
    %c0_i32 = arith.constant 0 : i32
    %c0_i32_0 = arith.constant 0 : i32
    %c0_i32_1 = arith.constant 0 : i32
    return %c0_i32, %c0_i32_0 : i32, i32
  }
  func.func @transform_11(%arg0: i32) -> (i32, i32) {
    %c0_i32 = arith.constant 0 : i32
    %c0_i32_0 = arith.constant 0 : i32
    %c0_i32_1 = arith.constant 0 : i32
    return %c0_i32, %c0_i32_0 : i32, i32
  }
  func.func @transform_12(%arg0: i32) -> (i32, i32) {
    %c0_i32 = arith.constant 0 : i32
    %c0_i32_0 = arith.constant 0 : i32
    return %c0_i32, %arg0 : i32, i32
  }
}

module attributes {stable_mosaic.version = 14 : i64} {
  func.func @_pack_body(%arg0: i32, %arg1: memref<32x6272xf32, #tpu.memory_space<vmem>>, %arg2: memref<32x6272xf32, #tpu.memory_space<vmem>>, %arg3: memref<32x6272xf32, #tpu.memory_space<vmem>>, %arg4: memref<32x6272xf32, #tpu.memory_space<vmem>>, %arg5: memref<6272x128xf32, #tpu.memory_space<vmem>>) attributes {dimension_semantics = [#tpu.dimension_semantics<arbitrary>], iteration_bounds = array<i64: 4>, scalar_prefetch = 0 : i64, scratch_operands = 0 : i64, tpu.core_type = #tpu.core_type<tc>, window_params = [{transform_indices = @transform_0, window_bounds = array<i64: 32, 6272>}, {transform_indices = @transform_1, window_bounds = array<i64: 32, 6272>}, {transform_indices = @transform_2, window_bounds = array<i64: 32, 6272>}, {transform_indices = @transform_3, window_bounds = array<i64: 32, 6272>}, {transform_indices = @transform_4, window_bounds = array<i64: 6272, 128>}]} {
    %iota3A = tpu.iota {dimensions = array<i32: 0>} : vector<32x32xi32>
    %iota3A_0 = tpu.iota {dimensions = array<i32: 1>} : vector<32x32xi32>
    %eq3A = arith.cmpi eq, %iota3A, %iota3A_0 : vector<32x32xi32>
    %convert_element_type3A = arith.extui %eq3A : vector<32x32xi1> to vector<32x32xi32>
    %convert_element_type3A_1 = arith.sitofp %convert_element_type3A : vector<32x32xi32> to vector<32x32xf32>
    %get3A = arith.constant 0 : index
    %get3A_2 = arith.constant 0 : index
    %get3A_3 = vector.load %arg1[%get3A, %get3A_2] : memref<32x6272xf32, #tpu.memory_space<vmem>>, vector<32x6272xf32>
    %dot_general3A = arith.constant dense<0.000000e+00> : vector<6272x32xf32>
    %dot_general3A_4 = tpu.matmul %get3A_3, %convert_element_type3A_1, %dot_general3A {dimension_numbers = #tpu.dot_dimension_numbers<[0], [0], [1], [1], [0, 1, 1, 1], [], []>, transpose_lhs_hint = false} : vector<32x6272xf32>, vector<32x32xf32>, vector<6272x32xf32> -> vector<6272x32xf32>
    %get3A_5 = arith.constant 0 : index
    %get3A_6 = arith.constant 0 : index
    %get3A_7 = vector.load %arg2[%get3A_5, %get3A_6] : memref<32x6272xf32, #tpu.memory_space<vmem>>, vector<32x6272xf32>
    %dot_general3A_8 = arith.constant dense<0.000000e+00> : vector<6272x32xf32>
    %dot_general3A_9 = tpu.matmul %get3A_7, %convert_element_type3A_1, %dot_general3A_8 {dimension_numbers = #tpu.dot_dimension_numbers<[0], [0], [1], [1], [0, 1, 1, 1], [], []>, transpose_lhs_hint = false} : vector<32x6272xf32>, vector<32x32xf32>, vector<6272x32xf32> -> vector<6272x32xf32>
    %get3A_10 = arith.constant 0 : index
    %get3A_11 = arith.constant 0 : index
    %get3A_12 = vector.load %arg3[%get3A_10, %get3A_11] : memref<32x6272xf32, #tpu.memory_space<vmem>>, vector<32x6272xf32>
    %dot_general3A_13 = arith.constant dense<0.000000e+00> : vector<6272x32xf32>
    %dot_general3A_14 = tpu.matmul %get3A_12, %convert_element_type3A_1, %dot_general3A_13 {dimension_numbers = #tpu.dot_dimension_numbers<[0], [0], [1], [1], [0, 1, 1, 1], [], []>, transpose_lhs_hint = false} : vector<32x6272xf32>, vector<32x32xf32>, vector<6272x32xf32> -> vector<6272x32xf32>
    %get3A_15 = arith.constant 0 : index
    %get3A_16 = arith.constant 0 : index
    %get3A_17 = vector.load %arg4[%get3A_15, %get3A_16] : memref<32x6272xf32, #tpu.memory_space<vmem>>, vector<32x6272xf32>
    %dot_general3A_18 = arith.constant dense<0.000000e+00> : vector<6272x32xf32>
    %dot_general3A_19 = tpu.matmul %get3A_17, %convert_element_type3A_1, %dot_general3A_18 {dimension_numbers = #tpu.dot_dimension_numbers<[0], [0], [1], [1], [0, 1, 1, 1], [], []>, transpose_lhs_hint = false} : vector<32x6272xf32>, vector<32x32xf32>, vector<6272x32xf32> -> vector<6272x32xf32>
    %concatenate3A = tpu.concatenate %dot_general3A_4, %dot_general3A_9, %dot_general3A_14, %dot_general3A_19 in 1 : vector<6272x32xf32>, vector<6272x32xf32>, vector<6272x32xf32>, vector<6272x32xf32> -> vector<6272x128xf32>
    %swap3A = arith.constant 0 : index
    %swap3A_20 = arith.constant 0 : index
    %swap3A_21 = vector.load %arg5[%swap3A, %swap3A_20] : memref<6272x128xf32, #tpu.memory_space<vmem>>, vector<6272x128xf32>
    tpu.vector_store %arg5[%swap3A, %swap3A_20], %concatenate3A {strides = array<i32>} : memref<6272x128xf32, #tpu.memory_space<vmem>>, vector<6272x128xf32>,
    return
  }
  func.func @transform_0(%arg0: i32) -> (i32, i32) {
    %add3A = arith.constant 0 : i32
    %add3A_0 = arith.addi %add3A, %arg0 : i32
    %c0_i32 = arith.constant 0 : i32
    %c0_i32_1 = arith.constant 0 : i32
    return %c0_i32, %add3A_0 : i32, i32
  }
  func.func @transform_1(%arg0: i32) -> (i32, i32) {
    %add3A = arith.constant 4 : i32
    %add3A_0 = arith.addi %add3A, %arg0 : i32
    %c0_i32 = arith.constant 0 : i32
    %c0_i32_1 = arith.constant 0 : i32
    return %c0_i32, %add3A_0 : i32, i32
  }
  func.func @transform_2(%arg0: i32) -> (i32, i32) {
    %add3A = arith.constant 8 : i32
    %add3A_0 = arith.addi %add3A, %arg0 : i32
    %c0_i32 = arith.constant 0 : i32
    %c0_i32_1 = arith.constant 0 : i32
    return %c0_i32, %add3A_0 : i32, i32
  }
  func.func @transform_3(%arg0: i32) -> (i32, i32) {
    %add3A = arith.constant 12 : i32
    %add3A_0 = arith.addi %add3A, %arg0 : i32
    %c0_i32 = arith.constant 0 : i32
    %c0_i32_1 = arith.constant 0 : i32
    return %c0_i32, %add3A_0 : i32, i32
  }
  func.func @transform_4(%arg0: i32) -> (i32, i32) {
    %c0_i32 = arith.constant 0 : i32
    %c0_i32_0 = arith.constant 0 : i32
    return %arg0, %c0_i32 : i32, i32
  }
}

</mosaic_0001>

<sc_bundles>
// kernel: kernel.5.cloned.1.call-start
scs
__scs_entry_jumppad:
0x0: {  	(pc) =	sbr.rel $0x88, $3  }
0x1: {  	(tag) =	ssettag $0x0;
	lr =	simm.s32 $0x1  }
0x2: {  	[smem:$0x3F94] =	sst lr;
	_ =	strace $0xD0000000  }
0x3: {  	_ = 	snop  }
0x4: {  	_ = 	snop  }
0x5: {  	_ = 	snop  }
0x6: {  	_ = 	snop  }
0x7: {  	_ = 	snop  }
__scs_overlays_trampoline_lowered:
0x8: {  	[smem:$0x3FA3] =	sst s0  }
0x9: {  	[smem:$0x3FA4] =	sst s1  }
0xa: {  	[smem:$0x3FA5] =	sst s2  }
0xb: {  	[smem:$0x3FA6] =	sst s3  }
0xc: {  	[smem:$0x3FA7] =	sst s4  }
0xd: {  	[smem:$0x3FA8] =	sst s5  }
0xe: {  	[smem:$0x3FA9] =	sst s6  }
0xf: {  	[smem:$0x3FAA] =	sst s7  }
0x10: {  	[smem:$0x3FAB] =	sst s8  }
0x11: {  	[smem:$0x3FAC] =	sst s9;
	s0 =	simm.s32 @!p0 $0x0  }
0x12: {  	s1 =	sld [smem:$0x3F92];
	s0 =	simm.s32 @p0 $0x1  }
0x13: {  	[smem:$0x3FAD] =	sst s0;
	s0 =	simm.s32 @!p1 $0x0  }
0x14: {  	s2 =	sld [smem:$0x3F91];
	s0 =	simm.s32 @p1 $0x1  }
0x15: {  	[smem:$0x3FAE] =	sst s0;
	s0 =	simm.s32 @!p2 $0x0  }
0x16: {  	s3 =	sld [smem:$0x3FDB];
	s0 =	simm.s32 @p2 $0x1  }
0x17: {  	s4 =	simm.s32 $0x1BF5;
	[smem:$0x3FB0] =	sst s0  }
0x18: {  	s0 =	sld [smem:$0x3F93];
	_ =	swait.ge [sflag:s4], $0x0  }
0x19: {  	s7 =	sld [smem:$0x3F94]  }
0x1a: {  	s8 =	sadd.s32 $0xFFFFE003, lr  }
0x1b: {  	s9 =	sadd.s32 $0xFFFFFEF7, lr;
	s5 =	simm.s32 $0xFFFFFFFF;
	p2 =	slt.u32 s8, $0xFFFFF086  }
0x1c: {  	p1 =	slt.u32 s9, $0xF7A;
	s5 =	simm.s32 @!p2 $0x0  }
0x1d: {  	s5 =	simm.s32 @p1 $0x1;
	p0 =	seq.s32 s7, s2  }
0x1e: {  	s7 =	smul.u32 @!p0 $0xF7A, s2;
	p2 =	seq.s32 @!p0 s5, $0x0  }
0x1f: {  	s9 =	smul.u32 $0xF7A, s1;
	s8 =	simm.s32 @!p0 $0x1BF5;
	p2 =	por !p2, p0  }
0x20: {  	[sflag:s8] =	ssyncset.s32 @!p0 $0xFFFFF086;
	s6 =	sadd.s32 @!p0 s3, s7;
	s7 =	simm.s32 @!p0 $0x108  }
0x21: {  	s3 =	sadd.s32 s3, s9;
	s6 =	sadd.s32 @!p0 $0x88, s6;
	s7 =	simm.s32 @p2 $0x1082  }
0x22: {  	[simem:s7], [sflag:s8] =	dma.local @!p0 [hbm:s6], $0xF7A  }
0x23: {  	s9 =	sor.u32 $0xD0000000, s2;
	s6 =	simm.s32 $0x108;
	_ =	swait.ge @!p0 [sflag:s8], $0x0  }
0x24: {  	s3 =	sadd.s32 $0x88, s3;
	s6 =	simm.s32 @!p1 $0x1082;
	[sflag:s4] =	ssyncset.s32 $0xFFFFF086  }
0x25: {  	[simem:s6], [sflag:s4] =	dma.local [hbm:s3], $0xF7A  }
0x26: {  	[smem:$0x3F94] =	sst s1;
	(tag) =	ssettag s2;
	_ =	strace s9  }
0x27: {  	s1 =	sld [smem:$0x3FA4]  }
0x28: {  	s2 =	sld [smem:$0x3FA5]  }
0x29: {  	s4 =	sld [smem:$0x3FA7]  }
0x2a: {  	p0 =	seq.s32 s5, $0x0;
	s5 =	sld [smem:$0x3FA8]  }
0x2b: {  	s6 =	sld [smem:$0x3FA9]  }
0x2c: {  	s7 =	sld [smem:$0x3FAA]  }
0x2d: {  	s3 =	simm.s32 $0x108;
	s8 =	sld [smem:$0x3FAB]  }
0x2e: {  	s3 =	simm.s32 @!p0 $0x1082;
	s9 =	sld [smem:$0x3FAC]  }
0x2f: {  	lr =	sadd.s32 s0, s3;
	s0 =	sld [smem:$0x3FA3]  }
0x30: {  	s3 =	sld [smem:$0x3FA6]  }
0x31: {  	[smem:$0x3FAF] =	sst s10  }
0x32: {  	s10 =	sld [smem:$0x3FAD];
	_ =	sdelay $0x3  }
0x33: {  	p0 =	seq.s32 s10, $0x1;
	s10 =	sld [smem:$0x3FAF];
	_ =	sdelay $0x3  }
0x34: {  	[smem:$0x3FAF] =	sst s10  }
0x35: {  	s10 =	sld [smem:$0x3FAE];
	_ =	sdelay $0x3  }
0x36: {  	p1 =	seq.s32 s10, $0x1;
	s10 =	sld [smem:$0x3FAF];
	_ =	sdelay $0x3  }
0x37: {  	[smem:$0x3FAF] =	sst s10  }
0x38: {  	s10 =	sld [smem:$0x3FB0]  }
0x39: {  	_ = 	snop;
	(pc) =	sbr.ind lr, $3  }
0x3a: {  	_ = 	snop  }
0x3b: {  	_ = 	snop  }
0x3c: {  	p2 =	seq.s32 s10, $0x1;
	s10 =	sld [smem:$0x3FAF]  }
0x3d: {  	_ =	shalt  }
0x3e: {  	_ =	shalt  }
0x3f: {  	_ =	shalt  }
0x40: {  	_ =	shalt  }
0x41: {  	_ =	shalt  }
0x42: {  	_ =	shalt  }
0x43: {  	_ =	shalt  }
0x44: {  	_ =	shalt  }
0x45: {  	_ =	shalt  }
0x46: {  	_ =	shalt  }
0x47: {  	_ =	shalt  }
0x48: {  	_ =	shalt  }
0x49: {  	_ =	shalt  }
0x4a: {  	_ =	shalt  }
0x4b: {  	_ =	shalt  }
0x4c: {  	_ =	shalt  }
0x4d: {  	_ =	shalt  }
0x4e: {  	_ =	shalt  }
0x4f: {  	_ =	shalt  }
0x50: {  	_ =	shalt  }
0x51: {  	_ =	shalt  }
0x52: {  	_ =	shalt  }
0x53: {  	_ =	shalt  }
0x54: {  	_ =	shalt  }
0x55: {  	_ =	shalt  }
0x56: {  	_ =	shalt  }
0x57: {  	_ =	shalt  }
0x58: {  	_ =	shalt  }
0x59: {  	_ =	shalt  }
0x5a: {  	_ =	shalt  }
0x5b: {  	_ =	shalt  }
0x5c: {  	_ =	shalt  }
0x5d: {  	_ =	shalt  }
0x5e: {  	_ =	shalt  }
0x5f: {  	_ =	shalt  }
0x60: {  	_ =	shalt  }
0x61: {  	_ =	shalt  }
0x62: {  	_ =	shalt  }
0x63: {  	_ =	shalt  }
0x64: {  	_ =	shalt  }
0x65: {  	_ =	shalt  }
0x66: {  	_ =	shalt  }
0x67: {  	_ =	shalt  }
0x68: {  	_ =	shalt  }
0x69: {  	_ =	shalt  }
0x6a: {  	_ =	shalt  }
0x6b: {  	_ =	shalt  }
0x6c: {  	_ =	shalt  }
0x6d: {  	_ =	shalt  }
0x6e: {  	_ =	shalt  }
0x6f: {  	_ =	shalt  }
0x70: {  	_ =	shalt  }
0x71: {  	_ =	shalt  }
0x72: {  	_ =	shalt  }
0x73: {  	_ =	shalt  }
0x74: {  	_ =	shalt  }
0x75: {  	_ =	shalt  }
0x76: {  	_ =	shalt  }
0x77: {  	_ =	shalt  }
0x78: {  	_ =	shalt  }
0x79: {  	_ =	shalt  }
0x7a: {  	_ =	shalt  }
0x7b: {  	_ =	shalt  }
0x7c: {  	_ =	shalt  }
0x7d: {  	_ =	shalt  }
0x7e: {  	_ =	shalt  }
0x7f: {  	_ =	shalt  }
0x80: {  	_ =	shalt  }
0x81: {  	_ =	shalt  }
0x82: {  	_ =	shalt  }
0x83: {  	_ =	shalt  }
0x84: {  	_ =	shalt  }
0x85: {  	_ =	shalt  }
0x86: {  	_ =	shalt  }
0x87: {  	_ =	shalt  }
.Lfunc_end0:
.L_simem_size_0:
called_computation_lowered:
.L_overlay_start_0:
0x88: {  	s2 =	sld [smem:$0x3FD9]  }
0x89: {  	s3 =	sld [smem:$0x3FFE];
	_ =	sdelay $0x1  }
0x8a: {  	s1 =	srdreg.scid  }
0x8b: {  	s0 =	sand.u32 $0x1, s1  }
0x8c: {  	s17 =	sshll.u32 s0, $0xA;
	s2 =	sadd.s32 s3, s2  }
0x8d: {  	s2 =	sadd.s32 s2, s17  }
0x8e: {  	[smem:$0x3FBB] =	sst s2  }
0x8f: {  	_ = 	snop  }
0x90: {  	s2 =	sld [smem:$0x3FC9];
	(tm) =	ssettm $0x1  }
0x91: {  	s18 =	sld [smem:$0x3FFB];
	_ =	sdelay $0x3  }
0x92: {  	_ =	strace s18  }
0x93: {  	s3 =	sld [smem:$0x3FFC];
	_ =	sdelay $0x3  }
0x94: {  	_ =	strace s3  }
0x95: {  	s3 =	sld [smem:$0x3FFD];
	_ =	sdelay $0x3  }
0x96: {  	_ =	strace s3  }
0x97: {  	_ =	strace $0x8FFFFFFF  }
0x98: {  	s19 =	sld [smem:$0x3FDB];
	_ =	sdelay $0x1  }
0x99: {  	s4 =	simm.s32 $_scs_section_size  }
0x9a: {  	s5 =	simm.s32 $_size__tile_overlayer_lowered;
	s6 =	simm.s32 $_tile_overlayer_lowered  }
0x9b: {  	s22 =	simm.s32 $0x1BFF;
	s21 =	sshll.u32 s6, $0x1;
	s3 =	sadd.s32 s4, s19  }
0x9c: {  	s7 =	simm.s32 $0x0;
	s20 =	sshll.u32 s5, $0x1;
	s5 =	sadd.s32 s21, s3  }
0x9d: {  	[timem:s7], [sflag:s22] =	dma.local [hbm:s5], s20  }
0x9e: {  	_ =	swait.ge [sflag:s22], s20  }
0x9f: {  	s4 =	ssub.s32 $0x0, s20;
	[sflag:s22] =	ssyncset.done $0x0  }
0xa0: {  	[sflag:s22] =	ssyncadd.s32 s4;
	_ =	sdelay $0x1  }
0xa1: {  	s23 =	simm.s32 $0x1B8B  }
0xa2: {  	_ =	swait.ge [sflag:s23], $0x1  }
0xa3: {  	[sflag:s23] =	ssyncset.done $0x0  }
0xa4: {  	s25 =	simm.s32 $0x1B8E;
	s24 =	sld [smem:$0x3FFE];
	[sflag:s23] =	ssyncadd.s32 $0xFFFFFFFF  }
0xa5: {  	s26 =	simm.s32 $execute0_lowered;
	[smem:$0x3FD2] =	sst s25  }
0xa6: {  	s5 =	sshll.u32 s26, $0x1;
	_ =	strace $0x80000046;
	[dreg:$0x1] =	wrdreg $0xFFFFFFFF  }
0xa7: {  	s28 =	simm.s32 $_size_execute0_lowered;
	s3 =	sadd.s32 s3, s5;
	[dreg:$0x0] =	wrdreg $0x0  }
0xa8: {  	s5 =	sshll.u32 s28, $0x1;
	[dreg:$0x2] =	wrdreg s3  }
0xa9: {  	[dreg:$0x3] =	wrdreg s5  }
0xaa: {  	[dreg:$0x4] =	wrdreg $0xC0  }
0xab: {  	_ =	task [dreg:s7], $0x5FFFF  }
0xac: {  	[dreg:$0x1] =	wrdreg $0xFFFFFFFF  }
0xad: {  	[dreg:$0x0] =	wrdreg $0x60  }
0xae: {  	[dreg:$0x2] =	wrdreg s24  }
0xaf: {  	[dreg:$0x3] =	wrdreg s2  }
0xb0: {  	[dreg:$0x4] =	wrdreg $0x9  }
0xb1: {  	_ =	task.clear_ibuf [dreg:s7], $0x5FFFF;
	_ =	strace $0x90000046  }
0xb2: {  	s29 =	simm.s32 $0x9;
	_ =	strace $0x80000048  }
0xb3: {  	_ =	swait.ge [sflag:s29], $0x1  }
0xb4: {  	[sflag:s29] =	ssyncadd.s32 $0xFFFFFFFF  }
0xb5: {  	_ =	strace $0x90000048  }
0xb6: {  	_ =	sfence  }
0xb7: {  	s30 =	sld [smem:$0x0];
	_ =	sdelay $0x2  }
0xb8: {  	s31 =	sshll.u32 s1, $0xD;
	s1 =	sshrl.u32 s1, $0x2  }
0xb9: {  	s3 =	sand.u32 $0x4000, s31;
	s1 =	sadd.s32 s1, s30  }
0xba: {  	s0 =	sor.u32 s3, s0;
	s1 =	sshll.u32 s1, $0x11  }
0xbb: {  	s0 =	sor.u32 s1, s0  }
0xbc: {  	s0 =	sadd.s32 $0x8F2B, s0  }
0xbd: {  	[sflag:s0] =	ssyncadd.remote.s32 $0x1  }
0xbe: {  	_ =	sfence.sel $0xFFFF  }
0xbf: {  	[dreg:$0x0] =	wrdreg $0xFFFFFFFF;
	(pc) =	sbr.abs _section_cstart, $3  }
0xc0: {  	[dreg:$0x1] =	wrdreg $0xFFFFFFFF  }
0xc1: {  	_ =	task.clear_ibuf [dreg:s7], $0x2FFFF;
	_ =	strace $0x9FFFFFFF  }
0xc2: {  	(tm) =	ssettm $0x7FFFFFFF  }
0xc3: {  	_ =	shalt  }
tec
execute0_lowered:
.L_overlay_start_1:
0x0: {  	(tag) =	ssettag $0x1  }
0x1: {  	s4 =	rddreg [dreg:$0x0]  }
0x2: {  	s5 =	rddreg [dreg:$0x1]  }
0x3: {  	s0 =	rddreg [dreg:$0x2];
	s2 =	simm.s32 $0x0;
	s3 =	srdreg.scid  }
0x4: {  	s1 =	stileid.u32;
	s9 =	simm.s32 $0x200;
	s10 =	simm.s32 $0x400  }
0x5: {  	s11 =	simm.s32 $0x280;
	s12 =	simm.s32 $0x4400;
	s13 =	simm.s32 $0x1  }
0x6: {  	s14 =	simm.s32 $0x300;
	s15 =	simm.s32 $0x2;
	s16 =	simm.s32 $0x380  }
0x7: {  	s17 =	simm.s32 $0x1000;
	s18 =	simm.s32 $0x20000;
	s19 =	simm.s32 $0x8400  }
0x8: {  	s20 =	simm.s32 $0x0;
	[smem:$0x7FF] =	sst s2;
	s6 =	sand.u32 $0x1, s3  }
0x9: {  	s7 =	sshll.u32 s1, $0xA;
	s3 =	sadd.s32 $0x1C00, s4;
	s8 =	sshll.u32 s6, $0x9  }
0xa: {  	_ =	strace $0x80000047;
	s6 =	ssub.s32 $0x2, s6;
	s7 =	sor.u32 s8, s7  }
0xb: {  	s31 =	sshrl.u32 s6, $0x1;
	s8 =	sadd.s32 s7, s4;
	s7 =	sshrl.u32 s7, $0x3  }
0xc: {  	v1 =	vlaneseq.u32;
	s6 =	ssub.s32 s6, s31;
	s4 =	sadd.s32 s5, s7;
	s5 =	sadd.s32 $0x63C00, s8  }
0xd: {  	v0 =	vimm.s32 $0x0;
	v1 =	vmul.u32 $0x80, v1;
	s6 =	smax.u32 s6, $0x1;
	s7 =	simm.s32 $0x3;
	s8 =	simm.s32 $0x80  }
.LBB2_1:
0xe: {  	[tilespmem:s2], [sflag:$0x3] =	stream.linear.gather [hbm4b:s4+s2], $0x200, $0x38;
	[tilespmem:$0xC400] =	vst v63  }
0xf: {  	_ =	swait.ge [sflag:s7], $0x200  }
0x10: {  	[sflag:s7] =	ssyncset.done $0x0  }
0x11: {  	[sflag:s7] =	ssyncadd.s32 $0xFFFFFE00  }
0x12: {  	v2 =	vld [tilespmem:$0x0]  }
0x13: {  	v3 =	vld [tilespmem:$0x10];
	_ =	sdelay $0x2  }
0x14: {  	v6 =	vld [tilespmem:$0x20]  }
0x15: {  	v8 =	vld [tilespmem:$0x30];
	vm0 =	vgt.s32 v2, $0x61FF  }
0x16: {  	vm1 =	vgt.s32 v2, $0xC3FF;
	vm12 =	vgt.s32 v2, $0x125FF;
	vm13 =	vgt.s32 v3, $0x61FF  }
0x17: {  	vm14 =	vgt.s32 v3, $0xC3FF;
	v4 =	vsel vm0, $0x1, v0;
	v5 =	vsel vm1, $0x1, v0  }
0x18: {  	vm15 =	vgt.s32 v3, $0x125FF;
	v4 =	vadd.s32 v5, v4;
	v5 =	vsel vm12, $0x1, v0  }
0x19: {  	vm4 =	vgt.s32 v6, $0x61FF;
	vm5 =	vgt.s32 v6, $0xC3FF;
	v4 =	vadd.s32 v5, v4  }
0x1a: {  	vm6 =	vgt.s32 v6, $0x125FF;
	vm7 =	vgt.s32 v8, $0x61FF;
	v4 =	vmul.u32 $0xFFFF9E00, v4  }
0x1b: {  	vm8 =	vgt.s32 v8, $0xC3FF;
	v7 =	vsel vm14, $0x1, v0;
	v5 =	vsel vm13, $0x1, v0  }
0x1c: {  	v2 =	vadd.s32 v2, v4;
	v4 =	vadd.s32 v7, v5;
	v5 =	vsel vm15, $0x1, v0  }
0x1d: {  	v7 =	vsel vm5, $0x1, v0;
	v4 =	vadd.s32 v5, v4;
	v5 =	vsel vm4, $0x1, v0  }
0x1e: {  	vm9 =	vgt.s32 v8, $0x125FF;
	v9 =	vsel vm6, $0x1, v0;
	v5 =	vadd.s32 v7, v5;
	v7 =	vld [tilespmem:$0x40]  }
0x1f: {  	v10 =	vsel vm7, $0x1, v0;
	v11 =	vsel vm8, $0x1, v0;
	v4 =	vmul.u32 $0xFFFF9E00, v4  }
0x20: {  	v5 =	vadd.s32 v9, v5;
	v9 =	vadd.s32 v11, v10;
	v10 =	vsel vm9, $0x1, v0  }
0x21: {  	v11 =	vld [tilespmem:$0x50];
	v3 =	vadd.s32 v3, v4;
	v4 =	vmul.u32 $0xFFFF9E00, v5;
	v5 =	vadd.s32 v10, v9  }
0x22: {  	v5 =	vmul.u32 $0xFFFF9E00, v5  }
0x23: {  	v10 =	vld [tilespmem:$0x60];
	v4 =	vadd.s32 v6, v4;
	vm10 =	vgt.s32 v7, $0x61FF  }
0x24: {  	vm11 =	vgt.s32 v7, $0xC3FF;
	v5 =	vadd.s32 v8, v5;
	vm12 =	vgt.s32 v7, $0x125FF  }
0x25: {  	v6 =	vsel vm10, $0x1, v0;
	v9 =	vsel vm11, $0x1, v0;
	v8 =	vsel vm12, $0x1, v0  }
0x26: {  	vm13 =	vgt.s32 v11, $0x61FF;
	vm14 =	vgt.s32 v11, $0xC3FF;
	vm15 =	vgt.s32 v11, $0x125FF  }
0x27: {  	v6 =	vadd.s32 v9, v6;
	v9 =	vsel vm14, $0x1, v0;
	v12 =	vsel vm15, $0x1, v0  }
0x28: {  	vm4 =	vgt.s32 v10, $0x61FF;
	v6 =	vadd.s32 v8, v6;
	v8 =	vsel vm13, $0x1, v0  }
0x29: {  	vm5 =	vgt.s32 v10, $0xC3FF;
	vm6 =	vgt.s32 v10, $0x125FF;
	v8 =	vadd.s32 v9, v8;
	v9 =	vld [tilespmem:$0x70]  }
0x2a: {  	v13 =	vsel vm4, $0x1, v0;
	v14 =	vsel vm5, $0x1, v0;
	v6 =	vmul.u32 $0xFFFF9E00, v6  }
0x2b: {  	v8 =	vadd.s32 v12, v8;
	v12 =	vadd.s32 v14, v13;
	v13 =	vsel vm6, $0x1, v0;
	v14 =	vld [tilespmem:$0x80]  }
0x2c: {  	v6 =	vadd.s32 v7, v6;
	v7 =	vmul.u32 $0xFFFF9E00, v8;
	v8 =	vadd.s32 v13, v12  }
0x2d: {  	v8 =	vmul.u32 $0xFFFF9E00, v8  }
0x2e: {  	v13 =	vld [tilespmem:$0x90];
	v7 =	vadd.s32 v11, v7;
	vm7 =	vgt.s32 v9, $0x61FF  }
0x2f: {  	vm8 =	vgt.s32 v9, $0xC3FF;
	v8 =	vadd.s32 v10, v8;
	vm9 =	vgt.s32 v9, $0x125FF  }
0x30: {  	v11 =	vsel vm7, $0x1, v0;
	v12 =	vsel vm8, $0x1, v0;
	vm10 =	vgt.s32 v14, $0x61FF  }
0x31: {  	vm11 =	vgt.s32 v14, $0xC3FF;
	vm12 =	vgt.s32 v14, $0x125FF;
	v10 =	vadd.s32 v12, v11  }
0x32: {  	v11 =	vsel vm9, $0x1, v0;
	v12 =	vsel vm11, $0x1, v0;
	v15 =	vsel vm12, $0x1, v0  }
0x33: {  	vm13 =	vgt.s32 v13, $0x61FF;
	v10 =	vadd.s32 v11, v10;
	v11 =	vsel vm10, $0x1, v0  }
0x34: {  	vm14 =	vgt.s32 v13, $0xC3FF;
	vm15 =	vgt.s32 v13, $0x125FF;
	v11 =	vadd.s32 v12, v11;
	v12 =	vld [tilespmem:$0xA0]  }
0x35: {  	v16 =	vsel vm13, $0x1, v0;
	v17 =	vsel vm14, $0x1, v0;
	v10 =	vmul.u32 $0xFFFF9E00, v10  }
0x36: {  	v11 =	vadd.s32 v15, v11;
	v15 =	vadd.s32 v17, v16;
	v16 =	vsel vm15, $0x1, v0;
	v17 =	vld [tilespmem:$0xB0]  }
0x37: {  	v50 =	vld [tilespmem:$0xE0];
	v9 =	vadd.s32 v9, v10;
	v10 =	vmul.u32 $0xFFFF9E00, v11;
	v11 =	vadd.s32 v16, v15  }
0x38: {  	v11 =	vmul.u32 $0xFFFF9E00, v11  }
0x39: {  	v16 =	vld [tilespmem:$0xC0];
	v10 =	vadd.s32 v14, v10;
	vm4 =	vgt.s32 v12, $0x61FF  }
0x3a: {  	vm5 =	vgt.s32 v12, $0xC3FF;
	v11 =	vadd.s32 v13, v11;
	vm6 =	vgt.s32 v12, $0x125FF  }
0x3b: {  	v14 =	vsel vm4, $0x1, v0;
	v15 =	vsel vm5, $0x1, v0;
	vm7 =	vgt.s32 v17, $0x61FF  }
0x3c: {  	v56 =	vld [tilespmem:$0x120];
	vm8 =	vgt.s32 v17, $0xC3FF;
	vm9 =	vgt.s32 v17, $0x125FF;
	vm4 =	vgt.s32 v50, $0x61FF  }
0x3d: {  	v37 =	vld [tilespmem:$0x160];
	v13 =	vadd.s32 v15, v14;
	v14 =	vsel vm6, $0x1, v0;
	v15 =	vsel vm8, $0x1, v0  }
0x3e: {  	v18 =	vsel vm9, $0x1, v0;
	vm10 =	vgt.s32 v16, $0x61FF;
	vm11 =	vgt.s32 v16, $0xC3FF  }
0x3f: {  	vm12 =	vgt.s32 v16, $0x125FF;
	vm6 =	vgt.s32 v50, $0x125FF;
	v13 =	vadd.s32 v14, v13  }
0x40: {  	v14 =	vsel vm7, $0x1, v0;
	v19 =	vsel vm10, $0x1, v0;
	v20 =	vsel vm11, $0x1, v0  }
0x41: {  	v21 =	vsel vm6, $0x1, v0;
	vm6 =	vgt.s32 v56, $0x125FF;
	v14 =	vadd.s32 v15, v14;
	v15 =	vld [tilespmem:$0xD0]  }
0x42: {  	v13 =	vmul.u32 $0xFFFF9E00, v13;
	v62 =	vsel vm6, $0x1, v0;
	vm6 =	vgt.s32 v37, $0x125FF  }
0x43: {  	v53 =	vld [tilespmem:$0x110];
	v14 =	vadd.s32 v18, v14;
	v18 =	vadd.s32 v20, v19;
	v19 =	vsel vm12, $0x1, v0  }
0x44: {  	v12 =	vadd.s32 v12, v13;
	v13 =	vmul.u32 $0xFFFF9E00, v14;
	v14 =	vadd.s32 v19, v18  }
0x45: {  	vm5 =	vgt.s32 v50, $0xC3FF;
	v47 =	vsel vm6, $0x1, v0;
	v19 =	vld [tilespmem:$0xF0];
	v14 =	vmul.u32 $0xFFFF9E00, v14  }
0x46: {  	v13 =	vadd.s32 v17, v13;
	vm13 =	vgt.s32 v15, $0x61FF;
	vm14 =	vgt.s32 v15, $0xC3FF  }
0x47: {  	v32 =	vld [tilespmem:$0x150];
	v14 =	vadd.s32 v16, v14;
	vm15 =	vgt.s32 v15, $0x125FF;
	v17 =	vsel vm13, $0x1, v0  }
0x48: {  	v18 =	vsel vm14, $0x1, v0;
	vm13 =	vgt.s32 v53, $0x61FF;
	vm14 =	vgt.s32 v53, $0xC3FF  }
0x49: {  	v16 =	vadd.s32 v18, v17;
	v17 =	vsel vm15, $0x1, v0;
	v18 =	vsel vm5, $0x1, v0  }
0x4a: {  	vm7 =	vgt.s32 v19, $0x61FF;
	vm8 =	vgt.s32 v19, $0xC3FF;
	vm9 =	vgt.s32 v19, $0x125FF  }
0x4b: {  	v60 =	vld [tilespmem:$0x130];
	v58 =	vsel vm13, $0x1, v0;
	v59 =	vsel vm14, $0x1, v0;
	vm15 =	vgt.s32 v53, $0x125FF  }
0x4c: {  	vm5 =	vgt.s32 v56, $0xC3FF;
	vm13 =	vgt.s32 v32, $0x61FF;
	vm14 =	vgt.s32 v32, $0xC3FF  }
0x4d: {  	v16 =	vadd.s32 v17, v16;
	v17 =	vsel vm4, $0x1, v0;
	v22 =	vsel vm7, $0x1, v0  }
0x4e: {  	v23 =	vsel vm8, $0x1, v0;
	v52 =	vsel vm9, $0x1, v0;
	v20 =	vadd.s32 v59, v58  }
0x4f: {  	v24 =	vsel vm15, $0x1, v0;
	vm4 =	vgt.s32 v56, $0x61FF;
	v26 =	vsel vm5, $0x1, v0  }
0x50: {  	v40 =	vld [tilespmem:$0x170];
	vm7 =	vgt.s32 v60, $0x61FF;
	vm8 =	vgt.s32 v60, $0xC3FF;
	vm9 =	vgt.s32 v60, $0x125FF  }
0x51: {  	v28 =	vsel vm13, $0x1, v0;
	vm15 =	vgt.s32 v32, $0x125FF;
	vm5 =	vgt.s32 v37, $0xC3FF  }
0x52: {  	v16 =	vmul.u32 $0xFFFF9E00, v16;
	v17 =	vadd.s32 v18, v17;
	v51 =	vadd.s32 v23, v22  }
0x53: {  	v25 =	vsel vm4, $0x1, v0;
	v20 =	vadd.s32 v24, v20;
	v30 =	vsel vm7, $0x1, v0  }
0x54: {  	[tilespmem:$0x250] =	vst v7;
	v7 =	vld [tilespmem:$0x1B0];
	v31 =	vsel vm8, $0x1, v0;
	v34 =	vsel vm9, $0x1, v0;
	v39 =	vsel vm15, $0x1, v0  }
0x55: {  	vm4 =	vgt.s32 v37, $0x61FF;
	v44 =	vsel vm5, $0x1, v0;
	vm7 =	vgt.s32 v40, $0x61FF  }
0x56: {  	vm8 =	vgt.s32 v40, $0xC3FF;
	vm9 =	vgt.s32 v40, $0x125FF;
	v17 =	vadd.s32 v21, v17  }
0x57: {  	[tilespmem:$0x2C0] =	vst v14;
	v14 =	vld [tilespmem:$0x1F0];
	v61 =	vadd.s32 v26, v25;
	v33 =	vadd.s32 v31, v30;
	v43 =	vsel vm4, $0x1, v0  }
0x58: {  	[tilespmem:$0x210] =	vst v3;
	v48 =	vsel vm7, $0x1, v0;
	v49 =	vsel vm8, $0x1, v0;
	v3 =	vsel vm9, $0x1, v0  }
0x59: {  	vm7 =	vgt.s32 v7, $0x61FF;
	vm8 =	vgt.s32 v7, $0xC3FF;
	vm9 =	vgt.s32 v7, $0x125FF  }
0x5a: {  	v18 =	vld [tilespmem:$0x100];
	v15 =	vadd.s32 v15, v16;
	v16 =	vmul.u32 $0xFFFF9E00, v17;
	v17 =	vadd.s32 v52, v51  }
0x5b: {  	[tilespmem:$0x280] =	vst v10;
	v29 =	vadd.s32 v62, v61;
	v22 =	vadd.s32 v34, v33;
	v46 =	vadd.s32 v44, v43  }
0x5c: {  	[tilespmem:$0x290] =	vst v11;
	v10 =	vsel vm7, $0x1, v0;
	v11 =	vsel vm8, $0x1, v0;
	vm7 =	vgt.s32 v14, $0x61FF  }
0x5d: {  	v63 =	vld [tilespmem:$0x140];
	vm8 =	vgt.s32 v14, $0xC3FF;
	v17 =	vmul.u32 $0xFFFF9E00, v17;
	v25 =	vadd.s32 v47, v46  }
0x5e: {  	[tilespmem:$0x200] =	vst v2;
	v22 =	vmul.u32 $0xFFFF9E00, v22;
	v16 =	vadd.s32 v50, v16;
	v2 =	vmul.u32 $0xFFFF9E00, v25  }
0x5f: {  	v50 =	vadd.s32 v49, v48;
	vm10 =	vgt.s32 v18, $0x61FF;
	vm11 =	vgt.s32 v18, $0xC3FF  }
0x60: {  	v45 =	vld [tilespmem:$0x180];
	v17 =	vadd.s32 v19, v17;
	vm12 =	vgt.s32 v18, $0x125FF;
	v21 =	vadd.s32 v60, v22  }
0x61: {  	v51 =	vld [tilespmem:$0x190];
	v3 =	vadd.s32 v3, v50;
	v54 =	vsel vm10, $0x1, v0;
	v55 =	vsel vm11, $0x1, v0  }
0x62: {  	v57 =	vsel vm12, $0x1, v0;
	vm10 =	vgt.s32 v63, $0x61FF;
	vm11 =	vgt.s32 v63, $0xC3FF  }
0x63: {  	vm12 =	vgt.s32 v63, $0x125FF;
	v2 =	vadd.s32 v37, v2;
	v3 =	vmul.u32 $0xFFFF9E00, v3  }
0x64: {  	v19 =	vadd.s32 v55, v54;
	v35 =	vsel vm10, $0x1, v0;
	v36 =	vsel vm11, $0x1, v0  }
0x65: {  	v27 =	vsel vm12, $0x1, v0;
	vm10 =	vgt.s32 v45, $0x61FF;
	vm11 =	vgt.s32 v45, $0xC3FF  }
0x66: {  	vm12 =	vgt.s32 v45, $0x125FF;
	vm13 =	vgt.s32 v51, $0x61FF;
	vm15 =	vgt.s32 v51, $0x125FF  }
0x67: {  	[tilespmem:$0x220] =	vst v4;
	v19 =	vadd.s32 v57, v19;
	v23 =	vadd.s32 v36, v35;
	v4 =	vsel vm10, $0x1, v0  }
0x68: {  	[tilespmem:$0x230] =	vst v5;
	v52 =	vsel vm11, $0x1, v0;
	v5 =	vsel vm12, $0x1, v0;
	v19 =	vmul.u32 $0xFFFF9E00, v19  }
0x69: {  	v3 =	vadd.s32 v40, v3;
	v23 =	vadd.s32 v27, v23;
	v4 =	vadd.s32 v52, v4  }
0x6a: {  	v41 =	vmul.u32 $0xFFFF9E00, v23;
	v18 =	vadd.s32 v18, v19;
	v19 =	vmul.u32 $0xFFFF9E00, v20  }
0x6b: {  	v4 =	vadd.s32 v5, v4;
	v5 =	vsel vm13, $0x1, v0;
	v20 =	vmul.u32 $0xFFFF9E00, v29  }
0x6c: {  	v29 =	vsel vm14, $0x1, v0;
	vm14 =	vgt.s32 v51, $0xC3FF;
	v19 =	vadd.s32 v53, v19;
	v53 =	vld [tilespmem:$0x1A0]  }
0x6d: {  	[tilespmem:$0x240] =	vst v6;
	v4 =	vmul.u32 $0xFFFF9E00, v4;
	v38 =	vadd.s32 v29, v28;
	v6 =	vsel vm14, $0x1, v0  }
0x6e: {  	v42 =	vadd.s32 v39, v38;
	v5 =	vadd.s32 v6, v5;
	v6 =	vsel vm15, $0x1, v0  }
0x6f: {  	[tilespmem:$0x2B0] =	vst v13;
	v13 =	vld [tilespmem:$0x1E0];
	v22 =	vadd.s32 v63, v41;
	v23 =	vmul.u32 $0xFFFF9E00, v42;
	v5 =	vadd.s32 v6, v5  }
0x70: {  	[tilespmem:$0x260] =	vst v8;
	v20 =	vadd.s32 v56, v20;
	v4 =	vadd.s32 v45, v4;
	v5 =	vmul.u32 $0xFFFF9E00, v5  }
0x71: {  	[tilespmem:$0x270] =	vst v9;
	v23 =	vadd.s32 v32, v23;
	vm4 =	vgt.s32 v53, $0x61FF;
	vm5 =	vgt.s32 v53, $0xC3FF  }
0x72: {  	[tilespmem:$0x2A0] =	vst v12;
	v5 =	vadd.s32 v51, v5;
	v6 =	vsel vm4, $0x1, v0;
	v8 =	vsel vm5, $0x1, v0  }
0x73: {  	vm6 =	vgt.s32 v53, $0x125FF;
	[tilespmem:$0x390] =	vst v5;
	v5 =	vsel vm7, $0x1, v0;
	v6 =	vadd.s32 v8, v6;
	v8 =	vld [tilespmem:$0x1C0]  }
0x74: {  	[tilespmem:$0x2D0] =	vst v15;
	v9 =	vsel vm6, $0x1, v0;
	vm4 =	vgt.s32 v13, $0x61FF;
	vm5 =	vgt.s32 v13, $0xC3FF  }
0x75: {  	[tilespmem:$0x2E0] =	vst v16;
	v6 =	vadd.s32 v9, v6;
	v9 =	vadd.s32 v11, v10;
	v10 =	vsel vm9, $0x1, v0;
	v11 =	vld [tilespmem:$0x1D0]  }
0x76: {  	[tilespmem:$0x2F0] =	vst v17;
	vm6 =	vgt.s32 v13, $0x125FF;
	v6 =	vmul.u32 $0xFFFF9E00, v6;
	v9 =	vadd.s32 v10, v9  }
0x77: {  	[tilespmem:$0x380] =	vst v4;
	v4 =	vsel vm6, $0x1, v0;
	vm9 =	vgt.s32 v14, $0x125FF;
	v9 =	vmul.u32 $0xFFFF9E00, v9  }
0x78: {  	[tilespmem:$0x330] =	vst v21;
	v6 =	vadd.s32 v53, v6;
	vm10 =	vgt.s32 v8, $0x61FF;
	vm11 =	vgt.s32 v8, $0xC3FF  }
0x79: {  	[tilespmem:$0x360] =	vst v2;
	v7 =	vadd.s32 v7, v9;
	vm12 =	vgt.s32 v8, $0x125FF;
	v10 =	vsel vm10, $0x1, v0  }
0x7a: {  	[tilespmem:$0x370] =	vst v3;
	v12 =	vsel vm11, $0x1, v0;
	vm13 =	vgt.s32 v11, $0x61FF;
	vm14 =	vgt.s32 v11, $0xC3FF  }
0x7b: {  	[tilespmem:$0x300] =	vst v18;
	vm15 =	vgt.s32 v11, $0x125FF;
	v9 =	vadd.s32 v12, v10;
	v10 =	vsel vm12, $0x1, v0  }
0x7c: {  	[tilespmem:$0x340] =	vst v22;
	v12 =	vsel vm14, $0x1, v0;
	v9 =	vadd.s32 v10, v9;
	v10 =	vsel vm13, $0x1, v0  }
0x7d: {  	[tilespmem:$0x310] =	vst v19;
	v9 =	vmul.u32 $0xFFFF9E00, v9;
	v10 =	vadd.s32 v12, v10;
	v12 =	vsel vm15, $0x1, v0  }
0x7e: {  	[tilespmem:$0x320] =	vst v20;
	v2 =	vadd.s32 v12, v10;
	v10 =	vsel vm4, $0x1, v0;
	v12 =	vsel vm5, $0x1, v0  }
0x7f: {  	[tilespmem:$0x350] =	vst v23;
	v2 =	vmul.u32 $0xFFFF9E00, v2;
	v3 =	vadd.s32 v12, v10;
	v10 =	vsel vm8, $0x1, v0  }
0x80: {  	[tilespmem:$0x3A0] =	vst v6;
	v3 =	vadd.s32 v4, v3;
	v4 =	vadd.s32 v10, v5;
	v5 =	vsel vm9, $0x1, v0  }
0x81: {  	[tilespmem:$0x3B0] =	vst v7;
	v6 =	vadd.s32 v8, v9;
	v3 =	vmul.u32 $0xFFFF9E00, v3;
	v4 =	vadd.s32 v5, v4  }
0x82: {  	[tilespmem:$0x3C0] =	vst v6;
	v2 =	vadd.s32 v11, v2;
	v4 =	vmul.u32 $0xFFFF9E00, v4  }
0x83: {  	[tilespmem:$0x3D0] =	vst v2;
	v2 =	vadd.s32 v13, v3  }
0x84: {  	[tilespmem:$0x3E0] =	vst v2;
	v2 =	vadd.s32 v14, v4  }
0x85: {  	[tilespmem:$0x3F0] =	vst v2  }
0x86: {  	[tilespmem:s10], [sflag:$0x1] =	stream.indirect.gather [hbm4b:s3+s8], $0x80, s9, s8, $0xb8;
	[tilespmem:$0xC400] =	vst v63  }
0x87: {  	_ = 	snop  }
0x88: {  	[tilespmem:s12], [sflag:$0x2] =	stream.indirect.gather [hbm4b:s3+s8], $0x80, s11, s8, $0xb8;
	[tilespmem:$0xC400] =	vst v63  }
0x89: {  	_ =	swait.ge [sflag:s13], $0x4000  }
0x8a: {  	[sflag:s13] =	ssyncset.done $0x0  }
0x8b: {  	[sflag:s13] =	ssyncadd.s32 $0xFFFFC000  }
0x8c: {  	v2 =	vld [tilespmem:s2+$0x0];
	_ =	sdelay $0x4  }
0x8d: {  	vm10 =	vgt.s32 v2, $0x61FF;
	vm11 =	vgt.s32 v2, $0xC3FF  }
0x8e: {  	vm12 =	vgt.s32 v2, $0x125FF;
	v3 =	vsel vm10, $0x1, v0;
	v4 =	vsel vm11, $0x1, v0  }
0x8f: {  	v2 =	vadd.s32 v4, v3;
	v3 =	vsel vm12, $0x1, v0  }
0x90: {  	v2 =	vadd.s32 v3, v2;
	v3 =	vmov s2  }
0x91: {  	v2 =	vshll.u32 v2, $0x5;
	v3 =	vshll.u32 v3, $0x7  }
0x92: {  	v2 =	vand.u32 $0x60, v2;
	v3 =	vor.u32 v1, v3  }
0x93: {  	v2 =	vor.u32 v3, v2  }
0x94: {  	v3 =	vor.u32 $0x1, v2  }
0x95: {  	v4 =	vor.u32 $0x2, v2  }
0x96: {  	v5 =	vor.u32 $0x3, v2  }
0x97: {  	v6 =	vor.u32 $0x4, v2  }
0x98: {  	v8 =	vor.u32 $0x5, v2;
	v7 =	vld.idx.msk [tilespmem:v2+s10+$0x0], $0xffff  }
0x99: {  	v9 =	vor.u32 $0x6, v2;
	v3 =	vld.idx.msk [tilespmem:v3+s10+$0x0], $0xffff  }
0x9a: {  	v10 =	vor.u32 $0x7, v2;
	v4 =	vld.idx.msk [tilespmem:v4+s10+$0x0], $0xffff  }
0x9b: {  	v11 =	vor.u32 $0x8, v2;
	v5 =	vld.idx.msk [tilespmem:v5+s10+$0x0], $0xffff  }
0x9c: {  	v12 =	vor.u32 $0x9, v2;
	v6 =	vld.idx.msk [tilespmem:v6+s10+$0x0], $0xffff  }
0x9d: {  	v13 =	vor.u32 $0xA, v2;
	v8 =	vld.idx.msk [tilespmem:v8+s10+$0x0], $0xffff  }
0x9e: {  	v14 =	vor.u32 $0xB, v2;
	v9 =	vld.idx.msk [tilespmem:v9+s10+$0x0], $0xffff  }
0x9f: {  	v15 =	vor.u32 $0xC, v2;
	v10 =	vld.idx.msk [tilespmem:v10+s10+$0x0], $0xffff  }
0xa0: {  	v16 =	vor.u32 $0xD, v2;
	v11 =	vld.idx.msk [tilespmem:v11+s10+$0x0], $0xffff  }
0xa1: {  	v17 =	vor.u32 $0xE, v2;
	v12 =	vld.idx.msk [tilespmem:v12+s10+$0x0], $0xffff  }
0xa2: {  	v18 =	vor.u32 $0xF, v2;
	v13 =	vld.idx.msk [tilespmem:v13+s10+$0x0], $0xffff  }
0xa3: {  	v19 =	vor.u32 $0x10, v2;
	v14 =	vld.idx.msk [tilespmem:v14+s10+$0x0], $0xffff  }
0xa4: {  	v54 =	vor.u32 $0x11, v2;
	v15 =	vld.idx.msk [tilespmem:v15+s10+$0x0], $0xffff  }
0xa5: {  	v55 =	vor.u32 $0x12, v2;
	v16 =	vld.idx.msk [tilespmem:v16+s10+$0x0], $0xffff  }
0xa6: {  	v56 =	vor.u32 $0x13, v2;
	v17 =	vld.idx.msk [tilespmem:v17+s10+$0x0], $0xffff  }
0xa7: {  	v57 =	vor.u32 $0x14, v2;
	v18 =	vld.idx.msk [tilespmem:v18+s10+$0x0], $0xffff  }
0xa8: {  	v58 =	vor.u32 $0x15, v2;
	v19 =	vld.idx.msk [tilespmem:v19+s10+$0x0], $0xffff  }
0xa9: {  	v59 =	vor.u32 $0x16, v2;
	v20 =	vld.idx.msk [tilespmem:v54+s10+$0x0], $0xffff  }
0xaa: {  	v60 =	vor.u32 $0x17, v2;
	v21 =	vld.idx.msk [tilespmem:v55+s10+$0x0], $0xffff  }
0xab: {  	v61 =	vor.u32 $0x18, v2;
	v22 =	vld.idx.msk [tilespmem:v56+s10+$0x0], $0xffff  }
0xac: {  	v62 =	vor.u32 $0x1B, v2;
	v23 =	vld.idx.msk [tilespmem:v57+s10+$0x0], $0xffff  }
0xad: {  	v63 =	vor.u32 $0x19, v2;
	v24 =	vld.idx.msk [tilespmem:v58+s10+$0x0], $0xffff  }
0xae: {  	v30 =	vor.u32 $0x1A, v2;
	v25 =	vld.idx.msk [tilespmem:v59+s10+$0x0], $0xffff  }
0xaf: {  	v31 =	vor.u32 $0x1C, v2;
	v26 =	vld.idx.msk [tilespmem:v60+s10+$0x0], $0xffff  }
0xb0: {  	v32 =	vor.u32 $0x1D, v2;
	v27 =	vld.idx.msk [tilespmem:v61+s10+$0x0], $0xffff  }
0xb1: {  	v33 =	vor.u32 $0x1E, v2;
	v28 =	vld.idx.msk [tilespmem:v62+s10+$0x0], $0xffff  }
0xb2: {  	v2 =	vor.u32 $0x1F, v2;
	v29 =	vld.idx.msk [tilespmem:v63+s10+$0x0], $0xffff  }
0xb3: {  	v30 =	vld.idx.msk [tilespmem:v30+s10+$0x0], $0xffff  }
0xb4: {  	v31 =	vld.idx.msk [tilespmem:v31+s10+$0x0], $0xffff  }
0xb5: {  	v32 =	vld.idx.msk [tilespmem:v32+s10+$0x0], $0xffff  }
0xb6: {  	s21 =	simm.s32 $0xA400;
	v33 =	vld.idx.msk [tilespmem:v33+s10+$0x0], $0xffff  }
0xb7: {  	v2 =	vld.idx.msk [tilespmem:v2+s10+$0x0], $0xffff;
	[tilespmem:s21+$0xFFFFE000] =	vst v7  }
0xb8: {  	[tilespmem:s21+$0x1180] =	vst v28  }
0xb9: {  	[tilespmem:s21+$0xFFFFE080] =	vst v3  }
0xba: {  	[tilespmem:s21+$0x1100] =	vst v30  }
0xbb: {  	[tilespmem:s21+$0x1200] =	vst v31  }
0xbc: {  	[tilespmem:s21+$0x1280] =	vst v32  }
0xbd: {  	[tilespmem:s21+$0x1300] =	vst v33  }
0xbe: {  	[tilespmem:s21+$0xFFFFE100] =	vst v4  }
0xbf: {  	[tilespmem:s21+$0xFFFFE180] =	vst v5  }
0xc0: {  	[tilespmem:s21+$0xFFFFE200] =	vst v6  }
0xc1: {  	[tilespmem:s21+$0xFFFFE280] =	vst v8  }
0xc2: {  	[tilespmem:s21+$0xFFFFE300] =	vst v9  }
0xc3: {  	[tilespmem:s21+$0xFFFFE380] =	vst v10  }
0xc4: {  	[tilespmem:s21+$0xFFFFF000] =	vst v11  }
0xc5: {  	[tilespmem:s21+$0xFFFFF080] =	vst v12  }
0xc6: {  	[tilespmem:s21+$0xFFFFF100] =	vst v13  }
0xc7: {  	[tilespmem:s21+$0xFFFFF180] =	vst v14  }
0xc8: {  	[tilespmem:s21+$0xFFFFF200] =	vst v15  }
0xc9: {  	[tilespmem:s21+$0xFFFFF280] =	vst v16  }
0xca: {  	[tilespmem:s21+$0xFFFFF300] =	vst v17  }
0xcb: {  	[tilespmem:s21+$0xFFFFF380] =	vst v18  }
0xcc: {  	[tilespmem:s21+$0x0] =	vst v19  }
0xcd: {  	[tilespmem:s21+$0x80] =	vst v20  }
0xce: {  	[tilespmem:s21+$0x100] =	vst v21  }
0xcf: {  	[tilespmem:s21+$0x180] =	vst v22  }
0xd0: {  	[tilespmem:s21+$0x200] =	vst v23  }
0xd1: {  	[tilespmem:s21+$0x280] =	vst v24  }
0xd2: {  	[tilespmem:s21+$0x300] =	vst v25  }
0xd3: {  	[tilespmem:s21+$0x380] =	vst v26  }
0xd4: {  	[tilespmem:s21+$0x1000] =	vst v27  }
0xd5: {  	[tilespmem:s21+$0x1080] =	vst v29  }
0xd6: {  	s22 =	simm.s32 $0x10;
	[tilespmem:s21+$0x1380] =	vst v2  }
0xd7: {  	v2 =	vld [tilespmem:s22+$0x0];
	_ =	sdelay $0x4  }
0xd8: {  	vm13 =	vgt.s32 v2, $0x61FF;
	vm14 =	vgt.s32 v2, $0xC3FF  }
0xd9: {  	vm15 =	vgt.s32 v2, $0x125FF;
	v3 =	vsel vm13, $0x1, v0;
	v4 =	vsel vm14, $0x1, v0  }
0xda: {  	v2 =	vadd.s32 v4, v3;
	v3 =	vsel vm15, $0x1, v0  }
0xdb: {  	v2 =	vadd.s32 v3, v2;
	v3 =	vmov s22  }
0xdc: {  	v2 =	vshll.u32 v2, $0x5;
	v3 =	vshll.u32 v3, $0x7  }
0xdd: {  	v2 =	vand.u32 $0x60, v2;
	v3 =	vor.u32 v1, v3  }
0xde: {  	v11 =	vor.u32 v3, v2  }
0xdf: {  	v3 =	vor.u32 $0x1, v11  }
0xe0: {  	v4 =	vor.u32 $0x2, v11  }
0xe1: {  	v5 =	vor.u32 $0x3, v11  }
0xe2: {  	v6 =	vor.u32 $0x4, v11  }
0xe3: {  	v7 =	vor.u32 $0x5, v11;
	v2 =	vld.idx.msk [tilespmem:v11+s10+$0x0], $0xffff  }
0xe4: {  	v8 =	vor.u32 $0x6, v11;
	v10 =	vld.idx.msk [tilespmem:v3+s10+$0x0], $0xffff  }
0xe5: {  	v9 =	vor.u32 $0x7, v11;
	v3 =	vld.idx.msk [tilespmem:v4+s10+$0x0], $0xffff  }
0xe6: {  	v13 =	vor.u32 $0x8, v11;
	v4 =	vld.idx.msk [tilespmem:v5+s10+$0x0], $0xffff  }
0xe7: {  	v16 =	vor.u32 $0x9, v11;
	v5 =	vld.idx.msk [tilespmem:v6+s10+$0x0], $0xffff  }
0xe8: {  	v14 =	vor.u32 $0xA, v11;
	v6 =	vld.idx.msk [tilespmem:v7+s10+$0x0], $0xffff  }
0xe9: {  	v15 =	vor.u32 $0xB, v11;
	v7 =	vld.idx.msk [tilespmem:v8+s10+$0x0], $0xffff  }
0xea: {  	v12 =	vor.u32 $0xC, v11;
	v8 =	vld.idx.msk [tilespmem:v9+s10+$0x0], $0xffff  }
0xeb: {  	s23 =	simm.s32 $0x20;
	v9 =	vld.idx.msk [tilespmem:v13+s10+$0x0], $0xffff;
	v13 =	vor.u32 $0xD, v11  }
.LBB2_2:
0xec: {  	p0 =	sne.s32 s23, $0x70;
	v16 =	vld.idx.msk [tilespmem:v16+s10+$0x0], $0xffff;
	v17 =	vor.u32 $0xE, v11  }
0xed: {  	v18 =	vor.u32 $0xF, v11;
	v14 =	vld.idx.msk [tilespmem:v14+s10+$0x0], $0xffff  }
0xee: {  	v19 =	vor.u32 $0x10, v11;
	v15 =	vld.idx.msk [tilespmem:v15+s10+$0x0], $0xffff  }
0xef: {  	v20 =	vor.u32 $0x11, v11;
	v12 =	vld.idx.msk [tilespmem:v12+s10+$0x0], $0xffff  }
0xf0: {  	v21 =	vor.u32 $0x12, v11;
	v13 =	vld.idx.msk [tilespmem:v13+s10+$0x0], $0xffff  }
0xf1: {  	v22 =	vor.u32 $0x13, v11;
	v17 =	vld.idx.msk [tilespmem:v17+s10+$0x0], $0xffff  }
0xf2: {  	v23 =	vor.u32 $0x14, v11;
	v18 =	vld.idx.msk [tilespmem:v18+s10+$0x0], $0xffff  }
0xf3: {  	v24 =	vor.u32 $0x15, v11;
	v19 =	vld.idx.msk [tilespmem:v19+s10+$0x0], $0xffff  }
0xf4: {  	v25 =	vor.u32 $0x16, v11;
	v20 =	vld.idx.msk [tilespmem:v20+s10+$0x0], $0xffff  }
0xf5: {  	v26 =	vor.u32 $0x17, v11;
	v21 =	vld.idx.msk [tilespmem:v21+s10+$0x0], $0xffff  }
0xf6: {  	v27 =	vor.u32 $0x18, v11;
	v22 =	vld.idx.msk [tilespmem:v22+s10+$0x0], $0xffff  }
0xf7: {  	v28 =	vor.u32 $0x1B, v11;
	v23 =	vld.idx.msk [tilespmem:v23+s10+$0x0], $0xffff  }
0xf8: {  	v29 =	vor.u32 $0x19, v11;
	v24 =	vld.idx.msk [tilespmem:v24+s10+$0x0], $0xffff  }
0xf9: {  	v30 =	vor.u32 $0x1A, v11;
	v25 =	vld.idx.msk [tilespmem:v25+s10+$0x0], $0xffff  }
0xfa: {  	v31 =	vor.u32 $0x1C, v11;
	v26 =	vld.idx.msk [tilespmem:v26+s10+$0x0], $0xffff  }
0xfb: {  	v32 =	vor.u32 $0x1D, v11;
	v27 =	vld.idx.msk [tilespmem:v27+s10+$0x0], $0xffff  }
0xfc: {  	v33 =	vor.u32 $0x1E, v11;
	v28 =	vld.idx.msk [tilespmem:v28+s10+$0x0], $0xffff  }
0xfd: {  	v11 =	vor.u32 $0x1F, v11;
	v29 =	vld.idx.msk [tilespmem:v29+s10+$0x0], $0xffff  }
0xfe: {  	v30 =	vld.idx.msk [tilespmem:v30+s10+$0x0], $0xffff  }
0xff: {  	v31 =	vld.idx.msk [tilespmem:v31+s10+$0x0], $0xffff  }
0x100: {  	v32 =	vld.idx.msk [tilespmem:v32+s10+$0x0], $0xffff  }
0x101: {  	s21 =	sadd.s32 $0x10, s21;
	v33 =	vld.idx.msk [tilespmem:v33+s10+$0x0], $0xffff  }
0x102: {  	v11 =	vld.idx.msk [tilespmem:v11+s10+$0x0], $0xffff;
	[tilespmem:s21+$0x1180] =	vst v28  }
0x103: {  	[tilespmem:s21+$0xFFFFE080] =	vst v10  }
0x104: {  	[tilespmem:s21+$0x1100] =	vst v30  }
0x105: {  	[tilespmem:s21+$0x1200] =	vst v31  }
0x106: {  	[tilespmem:s21+$0x1280] =	vst v32  }
0x107: {  	[tilespmem:s21+$0x1300] =	vst v33  }
0x108: {  	[tilespmem:s21+$0x1380] =	vst v11  }
0x109: {  	[tilespmem:s21+$0xFFFFE100] =	vst v3  }
0x10a: {  	[tilespmem:s21+$0xFFFFE180] =	vst v4  }
0x10b: {  	[tilespmem:s21+$0xFFFFE200] =	vst v5  }
0x10c: {  	[tilespmem:s21+$0xFFFFE280] =	vst v6  }
0x10d: {  	[tilespmem:s21+$0xFFFFE300] =	vst v7  }
0x10e: {  	[tilespmem:s21+$0xFFFFE380] =	vst v8  }
0x10f: {  	[tilespmem:s21+$0xFFFFF000] =	vst v9  }
0x110: {  	[tilespmem:s21+$0xFFFFF080] =	vst v16  }
0x111: {  	[tilespmem:s21+$0xFFFFF100] =	vst v14  }
0x112: {  	[tilespmem:s21+$0xFFFFF180] =	vst v15  }
0x113: {  	[tilespmem:s21+$0xFFFFF200] =	vst v12  }
0x114: {  	[tilespmem:s21+$0xFFFFF280] =	vst v13  }
0x115: {  	[tilespmem:s21+$0xFFFFF300] =	vst v17  }
0x116: {  	[tilespmem:s21+$0xFFFFF380] =	vst v18  }
0x117: {  	[tilespmem:s21+$0x0] =	vst v19  }
0x118: {  	[tilespmem:s21+$0x80] =	vst v20  }
0x119: {  	[tilespmem:s21+$0x100] =	vst v21  }
0x11a: {  	[tilespmem:s21+$0x180] =	vst v22  }
0x11b: {  	[tilespmem:s21+$0x200] =	vst v23  }
0x11c: {  	[tilespmem:s21+$0x280] =	vst v24  }
0x11d: {  	[tilespmem:s21+$0x300] =	vst v25  }
0x11e: {  	[tilespmem:s21+$0x380] =	vst v26  }
0x11f: {  	[tilespmem:s21+$0x1000] =	vst v27  }
0x120: {  	[tilespmem:s21+$0x1080] =	vst v29  }
0x121: {  	s22 =	sadd.s32 $0x10, s22;
	[tilespmem:s21+$0xFFFFE000] =	vst v2  }
0x122: {  	v2 =	vld [tilespmem:s22+$0x0];
	_ =	sdelay $0x4  }
0x123: {  	vm0 =	vgt.s32 v2, $0x61FF;
	vm1 =	vgt.s32 v2, $0xC3FF  }
0x124: {  	v3 =	vsel vm0, $0x1, v0;
	v4 =	vsel vm1, $0x1, v0;
	vm0 =	vgt.s32 v2, $0x125FF  }
0x125: {  	v2 =	vadd.s32 v4, v3;
	v3 =	vsel vm0, $0x1, v0  }
0x126: {  	v2 =	vadd.s32 v3, v2;
	v3 =	vmov s23  }
0x127: {  	v2 =	vshll.u32 v2, $0x5;
	v3 =	vshll.u32 v3, $0x7  }
0x128: {  	v2 =	vand.u32 $0x60, v2;
	v3 =	vor.u32 v1, v3  }
0x129: {  	v11 =	vor.u32 v3, v2  }
0x12a: {  	v3 =	vor.u32 $0x1, v11  }
0x12b: {  	v4 =	vor.u32 $0x2, v11  }
0x12c: {  	v5 =	vor.u32 $0x3, v11  }
0x12d: {  	v6 =	vor.u32 $0x4, v11  }
0x12e: {  	v7 =	vor.u32 $0x5, v11;
	v2 =	vld.idx.msk [tilespmem:v11+s10+$0x0], $0xffff  }
0x12f: {  	v8 =	vor.u32 $0x6, v11;
	v10 =	vld.idx.msk [tilespmem:v3+s10+$0x0], $0xffff  }
0x130: {  	v9 =	vor.u32 $0x7, v11;
	v3 =	vld.idx.msk [tilespmem:v4+s10+$0x0], $0xffff  }
0x131: {  	v13 =	vor.u32 $0x8, v11;
	v4 =	vld.idx.msk [tilespmem:v5+s10+$0x0], $0xffff  }
.Ltmp0:
0x132: {  	v16 =	vor.u32 $0x9, v11;
	v5 =	vld.idx.msk [tilespmem:v6+s10+$0x0], $0xffff;
	(pc) =	sbr.rel @p0 .LBB2_2-.Ltmp0, $4  }
0x133: {  	v14 =	vor.u32 $0xA, v11;
	v6 =	vld.idx.msk [tilespmem:v7+s10+$0x0], $0xffff  }
0x134: {  	v15 =	vor.u32 $0xB, v11;
	v7 =	vld.idx.msk [tilespmem:v8+s10+$0x0], $0xffff  }
0x135: {  	v12 =	vor.u32 $0xC, v11;
	v8 =	vld.idx.msk [tilespmem:v9+s10+$0x0], $0xffff  }
0x136: {  	s23 =	sadd.s32 $0x10, s23;
	v9 =	vld.idx.msk [tilespmem:v13+s10+$0x0], $0xffff;
	v13 =	vor.u32 $0xD, v11  }
0x137: {  	_ =	sdelay $0x3  }
0x138: {  	v16 =	vld.idx.msk [tilespmem:v16+s10+$0x0], $0xffff;
	v17 =	vor.u32 $0xE, v11  }
0x139: {  	v14 =	vld.idx.msk [tilespmem:v14+s10+$0x0], $0xffff;
	v18 =	vor.u32 $0xF, v11  }
0x13a: {  	v15 =	vld.idx.msk [tilespmem:v15+s10+$0x0], $0xffff;
	v19 =	vor.u32 $0x10, v11  }
0x13b: {  	v12 =	vld.idx.msk [tilespmem:v12+s10+$0x0], $0xffff;
	v20 =	vor.u32 $0x11, v11  }
0x13c: {  	v13 =	vld.idx.msk [tilespmem:v13+s10+$0x0], $0xffff;
	v21 =	vor.u32 $0x12, v11  }
0x13d: {  	v22 =	vor.u32 $0x13, v11;
	v17 =	vld.idx.msk [tilespmem:v17+s10+$0x0], $0xffff  }
0x13e: {  	v23 =	vor.u32 $0x14, v11;
	v18 =	vld.idx.msk [tilespmem:v18+s10+$0x0], $0xffff  }
0x13f: {  	v24 =	vor.u32 $0x15, v11;
	v19 =	vld.idx.msk [tilespmem:v19+s10+$0x0], $0xffff  }
0x140: {  	v25 =	vor.u32 $0x16, v11;
	v20 =	vld.idx.msk [tilespmem:v20+s10+$0x0], $0xffff  }
0x141: {  	v26 =	vor.u32 $0x17, v11;
	v21 =	vld.idx.msk [tilespmem:v21+s10+$0x0], $0xffff  }
0x142: {  	v27 =	vor.u32 $0x18, v11;
	v22 =	vld.idx.msk [tilespmem:v22+s10+$0x0], $0xffff  }
0x143: {  	v28 =	vor.u32 $0x1B, v11;
	v23 =	vld.idx.msk [tilespmem:v23+s10+$0x0], $0xffff  }
0x144: {  	v29 =	vor.u32 $0x19, v11;
	v24 =	vld.idx.msk [tilespmem:v24+s10+$0x0], $0xffff  }
0x145: {  	v30 =	vor.u32 $0x1A, v11;
	v25 =	vld.idx.msk [tilespmem:v25+s10+$0x0], $0xffff  }
0x146: {  	v31 =	vor.u32 $0x1C, v11;
	v26 =	vld.idx.msk [tilespmem:v26+s10+$0x0], $0xffff  }
0x147: {  	v32 =	vor.u32 $0x1D, v11;
	v27 =	vld.idx.msk [tilespmem:v27+s10+$0x0], $0xffff  }
0x148: {  	v33 =	vor.u32 $0x1E, v11;
	v28 =	vld.idx.msk [tilespmem:v28+s10+$0x0], $0xffff  }
0x149: {  	v11 =	vor.u32 $0x1F, v11;
	v29 =	vld.idx.msk [tilespmem:v29+s10+$0x0], $0xffff  }
0x14a: {  	v30 =	vld.idx.msk [tilespmem:v30+s10+$0x0], $0xffff  }
0x14b: {  	v31 =	vld.idx.msk [tilespmem:v31+s10+$0x0], $0xffff  }
0x14c: {  	v32 =	vld.idx.msk [tilespmem:v32+s10+$0x0], $0xffff  }
0x14d: {  	s21 =	sadd.s32 $0x10, s21;
	v33 =	vld.idx.msk [tilespmem:v33+s10+$0x0], $0xffff  }
0x14e: {  	v11 =	vld.idx.msk [tilespmem:v11+s10+$0x0], $0xffff;
	[tilespmem:s21+$0xFFFFE080] =	vst v10  }
0x14f: {  	[tilespmem:s21+$0xFFFFE100] =	vst v3  }
0x150: {  	[tilespmem:s21+$0xFFFFE180] =	vst v4  }
0x151: {  	[tilespmem:s21+$0xFFFFE200] =	vst v5  }
0x152: {  	[tilespmem:s21+$0xFFFFE280] =	vst v6  }
0x153: {  	[tilespmem:s21+$0xFFFFE300] =	vst v7  }
0x154: {  	[tilespmem:s21+$0xFFFFE380] =	vst v8  }
0x155: {  	[tilespmem:s21+$0xFFFFF000] =	vst v9  }
0x156: {  	[tilespmem:s21+$0xFFFFF080] =	vst v16  }
0x157: {  	[tilespmem:s21+$0xFFFFF100] =	vst v14  }
0x158: {  	[tilespmem:s21+$0xFFFFF180] =	vst v15  }
0x159: {  	[tilespmem:s21+$0xFFFFF200] =	vst v12  }
0x15a: {  	[tilespmem:s21+$0xFFFFF280] =	vst v13  }
0x15b: {  	[tilespmem:s21+$0xFFFFE000] =	vst v2  }
0x15c: {  	[tilespmem:s21+$0x1180] =	vst v28  }
0x15d: {  	[tilespmem:s21+$0x1100] =	vst v30  }
0x15e: {  	[tilespmem:s21+$0x1200] =	vst v31  }
0x15f: {  	[tilespmem:s21+$0x1280] =	vst v32  }
0x160: {  	[tilespmem:s21+$0x1300] =	vst v33  }
0x161: {  	[tilespmem:s21+$0x1380] =	vst v11  }
0x162: {  	[tilespmem:s21+$0xFFFFF300] =	vst v17  }
0x163: {  	[tilespmem:s21+$0xFFFFF380] =	vst v18  }
0x164: {  	[tilespmem:s21+$0x0] =	vst v19  }
0x165: {  	[tilespmem:s21+$0x80] =	vst v20  }
0x166: {  	[tilespmem:s21+$0x100] =	vst v21  }
0x167: {  	[tilespmem:s21+$0x180] =	vst v22  }
0x168: {  	[tilespmem:s21+$0x200] =	vst v23  }
0x169: {  	[tilespmem:s21+$0x280] =	vst v24  }
0x16a: {  	[tilespmem:s21+$0x300] =	vst v25  }
0x16b: {  	[tilespmem:s21+$0x380] =	vst v26  }
0x16c: {  	[tilespmem:s21+$0x1000] =	vst v27  }
0x16d: {  	s30 =	simm.s32 $0x80;
	[tilespmem:s21+$0x1080] =	vst v29  }
0x16e: {  	[tilespmem:s10], [sflag:$0x1] =	stream.indirect.gather [hbm4b:s3+s30], $0x80, s14, s30, $0xb8;
	[tilespmem:$0xC400] =	vst v63  }
0x16f: {  	_ =	swait.ge [sflag:s15], $0x4000  }
0x170: {  	[sflag:s15] =	ssyncset.done $0x0  }
0x171: {  	[sflag:s15] =	ssyncadd.s32 $0xFFFFC000  }
0x172: {  	v2 =	vld [tilespmem:s30+$0x0];
	_ =	sdelay $0x4  }
0x173: {  	vm0 =	vgt.s32 v2, $0x61FF;
	vm1 =	vgt.s32 v2, $0xC3FF  }
0x174: {  	vm12 =	vgt.s32 v2, $0x125FF;
	v3 =	vsel vm0, $0x1, v0;
	v4 =	vsel vm1, $0x1, v0  }
0x175: {  	s31 =	simm.s32 $0x0;
	v2 =	vadd.s32 v4, v3;
	v3 =	vsel vm12, $0x1, v0  }
0x176: {  	v2 =	vadd.s32 v3, v2;
	v3 =	vmov s31  }
0x177: {  	v2 =	vshll.u32 v2, $0x5;
	v3 =	vshll.u32 v3, $0x7  }
0x178: {  	v2 =	vand.u32 $0x60, v2;
	v3 =	vor.u32 v1, v3  }
0x179: {  	v2 =	vor.u32 v3, v2  }
0x17a: {  	v3 =	vor.u32 $0x1, v2  }
0x17b: {  	v4 =	vor.u32 $0x2, v2  }
0x17c: {  	v5 =	vor.u32 $0x3, v2  }
0x17d: {  	v6 =	vor.u32 $0x4, v2  }
0x17e: {  	v8 =	vor.u32 $0x5, v2;
	v7 =	vld.idx.msk [tilespmem:v2+s12+$0x0], $0xffff  }
0x17f: {  	v9 =	vor.u32 $0x6, v2;
	v3 =	vld.idx.msk [tilespmem:v3+s12+$0x0], $0xffff  }
0x180: {  	v10 =	vor.u32 $0x7, v2;
	v4 =	vld.idx.msk [tilespmem:v4+s12+$0x0], $0xffff  }
0x181: {  	v11 =	vor.u32 $0x8, v2;
	v5 =	vld.idx.msk [tilespmem:v5+s12+$0x0], $0xffff  }
0x182: {  	v12 =	vor.u32 $0x9, v2;
	v6 =	vld.idx.msk [tilespmem:v6+s12+$0x0], $0xffff  }
0x183: {  	v13 =	vor.u32 $0xA, v2;
	v8 =	vld.idx.msk [tilespmem:v8+s12+$0x0], $0xffff  }
0x184: {  	v14 =	vor.u32 $0xB, v2;
	v9 =	vld.idx.msk [tilespmem:v9+s12+$0x0], $0xffff  }
0x185: {  	v15 =	vor.u32 $0xC, v2;
	v10 =	vld.idx.msk [tilespmem:v10+s12+$0x0], $0xffff  }
0x186: {  	v16 =	vor.u32 $0xD, v2;
	v11 =	vld.idx.msk [tilespmem:v11+s12+$0x0], $0xffff  }
0x187: {  	v17 =	vor.u32 $0xE, v2;
	v12 =	vld.idx.msk [tilespmem:v12+s12+$0x0], $0xffff  }
0x188: {  	v18 =	vor.u32 $0xF, v2;
	v13 =	vld.idx.msk [tilespmem:v13+s12+$0x0], $0xffff  }
0x189: {  	v19 =	vor.u32 $0x10, v2;
	v14 =	vld.idx.msk [tilespmem:v14+s12+$0x0], $0xffff  }
0x18a: {  	v50 =	vor.u32 $0x11, v2;
	v15 =	vld.idx.msk [tilespmem:v15+s12+$0x0], $0xffff  }
0x18b: {  	v51 =	vor.u32 $0x12, v2;
	v16 =	vld.idx.msk [tilespmem:v16+s12+$0x0], $0xffff  }
0x18c: {  	v52 =	vor.u32 $0x13, v2;
	v17 =	vld.idx.msk [tilespmem:v17+s12+$0x0], $0xffff  }
0x18d: {  	v53 =	vor.u32 $0x14, v2;
	v18 =	vld.idx.msk [tilespmem:v18+s12+$0x0], $0xffff  }
0x18e: {  	v54 =	vor.u32 $0x15, v2;
	v19 =	vld.idx.msk [tilespmem:v19+s12+$0x0], $0xffff  }
0x18f: {  	v55 =	vor.u32 $0x16, v2;
	v20 =	vld.idx.msk [tilespmem:v50+s12+$0x0], $0xffff  }
0x190: {  	v56 =	vor.u32 $0x17, v2;
	v21 =	vld.idx.msk [tilespmem:v51+s12+$0x0], $0xffff  }
0x191: {  	v57 =	vor.u32 $0x18, v2;
	v22 =	vld.idx.msk [tilespmem:v52+s12+$0x0], $0xffff  }
0x192: {  	v58 =	vor.u32 $0x1B, v2;
	v23 =	vld.idx.msk [tilespmem:v53+s12+$0x0], $0xffff  }
0x193: {  	v59 =	vor.u32 $0x19, v2;
	v24 =	vld.idx.msk [tilespmem:v54+s12+$0x0], $0xffff  }
0x194: {  	v60 =	vor.u32 $0x1A, v2;
	v25 =	vld.idx.msk [tilespmem:v55+s12+$0x0], $0xffff  }
0x195: {  	v61 =	vor.u32 $0x1C, v2;
	v26 =	vld.idx.msk [tilespmem:v56+s12+$0x0], $0xffff  }
0x196: {  	v62 =	vor.u32 $0x1D, v2;
	v27 =	vld.idx.msk [tilespmem:v57+s12+$0x0], $0xffff  }
0x197: {  	v63 =	vor.u32 $0x1E, v2;
	v28 =	vld.idx.msk [tilespmem:v58+s12+$0x0], $0xffff  }
0x198: {  	v2 =	vor.u32 $0x1F, v2;
	v29 =	vld.idx.msk [tilespmem:v59+s12+$0x0], $0xffff  }
0x199: {  	v30 =	vld.idx.msk [tilespmem:v60+s12+$0x0], $0xffff  }
0x19a: {  	v31 =	vld.idx.msk [tilespmem:v61+s12+$0x0], $0xffff  }
0x19b: {  	v32 =	vld.idx.msk [tilespmem:v62+s12+$0x0], $0xffff  }
0x19c: {  	s21 =	simm.s32 $0xA800;
	v33 =	vld.idx.msk [tilespmem:v63+s12+$0x0], $0xffff  }
0x19d: {  	v2 =	vld.idx.msk [tilespmem:v2+s12+$0x0], $0xffff;
	[tilespmem:s21+$0xFFFFE000] =	vst v7  }
0x19e: {  	[tilespmem:s21+$0x1180] =	vst v28  }
0x19f: {  	[tilespmem:s21+$0xFFFFE080] =	vst v3  }
0x1a0: {  	[tilespmem:s21+$0x1100] =	vst v30  }
0x1a1: {  	[tilespmem:s21+$0x1200] =	vst v31  }
0x1a2: {  	[tilespmem:s21+$0x1280] =	vst v32  }
0x1a3: {  	[tilespmem:s21+$0x1300] =	vst v33  }
0x1a4: {  	[tilespmem:s21+$0xFFFFE100] =	vst v4  }
0x1a5: {  	[tilespmem:s21+$0xFFFFE180] =	vst v5  }
0x1a6: {  	[tilespmem:s21+$0xFFFFE200] =	vst v6  }
0x1a7: {  	[tilespmem:s21+$0xFFFFE280] =	vst v8  }
0x1a8: {  	[tilespmem:s21+$0xFFFFE300] =	vst v9  }
0x1a9: {  	[tilespmem:s21+$0xFFFFE380] =	vst v10  }
0x1aa: {  	[tilespmem:s21+$0xFFFFF000] =	vst v11  }
0x1ab: {  	[tilespmem:s21+$0xFFFFF080] =	vst v12  }
0x1ac: {  	[tilespmem:s21+$0xFFFFF100] =	vst v13  }
0x1ad: {  	[tilespmem:s21+$0xFFFFF180] =	vst v14  }
0x1ae: {  	[tilespmem:s21+$0xFFFFF200] =	vst v15  }
0x1af: {  	[tilespmem:s21+$0xFFFFF280] =	vst v16  }
0x1b0: {  	[tilespmem:s21+$0xFFFFF300] =	vst v17  }
0x1b1: {  	[tilespmem:s21+$0xFFFFF380] =	vst v18  }
0x1b2: {  	[tilespmem:s21+$0x0] =	vst v19  }
0x1b3: {  	[tilespmem:s21+$0x80] =	vst v20  }
0x1b4: {  	[tilespmem:s21+$0x100] =	vst v21  }
0x1b5: {  	[tilespmem:s21+$0x180] =	vst v22  }
0x1b6: {  	[tilespmem:s21+$0x200] =	vst v23  }
0x1b7: {  	[tilespmem:s21+$0x280] =	vst v24  }
0x1b8: {  	[tilespmem:s21+$0x300] =	vst v25  }
0x1b9: {  	[tilespmem:s21+$0x380] =	vst v26  }
0x1ba: {  	[tilespmem:s21+$0x1000] =	vst v27  }
0x1bb: {  	[tilespmem:s21+$0x1080] =	vst v29  }
0x1bc: {  	s22 =	simm.s32 $0x90;
	[tilespmem:s21+$0x1380] =	vst v2  }
0x1bd: {  	v2 =	vld [tilespmem:s22+$0x0];
	_ =	sdelay $0x4  }
0x1be: {  	vm13 =	vgt.s32 v2, $0x61FF;
	vm14 =	vgt.s32 v2, $0xC3FF  }
0x1bf: {  	vm15 =	vgt.s32 v2, $0x125FF;
	v3 =	vsel vm13, $0x1, v0;
	v4 =	vsel vm14, $0x1, v0  }
0x1c0: {  	s23 =	simm.s32 $0x10;
	v2 =	vadd.s32 v4, v3;
	v3 =	vsel vm15, $0x1, v0  }
0x1c1: {  	v2 =	vadd.s32 v3, v2;
	v3 =	vmov s23  }
0x1c2: {  	v2 =	vshll.u32 v2, $0x5;
	v3 =	vshll.u32 v3, $0x7  }
0x1c3: {  	v2 =	vand.u32 $0x60, v2;
	v3 =	vor.u32 v1, v3  }
0x1c4: {  	v11 =	vor.u32 v3, v2  }
0x1c5: {  	v3 =	vor.u32 $0x1, v11  }
0x1c6: {  	v4 =	vor.u32 $0x2, v11  }
0x1c7: {  	v5 =	vor.u32 $0x3, v11  }
0x1c8: {  	v6 =	vor.u32 $0x4, v11  }
0x1c9: {  	v7 =	vor.u32 $0x5, v11;
	v2 =	vld.idx.msk [tilespmem:v11+s12+$0x0], $0xffff  }
0x1ca: {  	v8 =	vor.u32 $0x6, v11;
	v10 =	vld.idx.msk [tilespmem:v3+s12+$0x0], $0xffff  }
0x1cb: {  	v9 =	vor.u32 $0x7, v11;
	v3 =	vld.idx.msk [tilespmem:v4+s12+$0x0], $0xffff  }
0x1cc: {  	v13 =	vor.u32 $0x8, v11;
	v4 =	vld.idx.msk [tilespmem:v5+s12+$0x0], $0xffff  }
0x1cd: {  	v16 =	vor.u32 $0x9, v11;
	v5 =	vld.idx.msk [tilespmem:v6+s12+$0x0], $0xffff  }
0x1ce: {  	v14 =	vor.u32 $0xA, v11;
	v6 =	vld.idx.msk [tilespmem:v7+s12+$0x0], $0xffff  }
0x1cf: {  	v15 =	vor.u32 $0xB, v11;
	v7 =	vld.idx.msk [tilespmem:v8+s12+$0x0], $0xffff  }
0x1d0: {  	v12 =	vor.u32 $0xC, v11;
	v8 =	vld.idx.msk [tilespmem:v9+s12+$0x0], $0xffff  }
0x1d1: {  	s23 =	simm.s32 $0x20;
	v9 =	vld.idx.msk [tilespmem:v13+s12+$0x0], $0xffff;
	v13 =	vor.u32 $0xD, v11  }
.LBB2_4:
0x1d2: {  	p0 =	sne.s32 s23, $0x70;
	v16 =	vld.idx.msk [tilespmem:v16+s12+$0x0], $0xffff;
	v17 =	vor.u32 $0xE, v11  }
0x1d3: {  	v18 =	vor.u32 $0xF, v11;
	v14 =	vld.idx.msk [tilespmem:v14+s12+$0x0], $0xffff  }
0x1d4: {  	v19 =	vor.u32 $0x10, v11;
	v15 =	vld.idx.msk [tilespmem:v15+s12+$0x0], $0xffff  }
0x1d5: {  	v20 =	vor.u32 $0x11, v11;
	v12 =	vld.idx.msk [tilespmem:v12+s12+$0x0], $0xffff  }
0x1d6: {  	v21 =	vor.u32 $0x12, v11;
	v13 =	vld.idx.msk [tilespmem:v13+s12+$0x0], $0xffff  }
0x1d7: {  	v22 =	vor.u32 $0x13, v11;
	v17 =	vld.idx.msk [tilespmem:v17+s12+$0x0], $0xffff  }
0x1d8: {  	v23 =	vor.u32 $0x14, v11;
	v18 =	vld.idx.msk [tilespmem:v18+s12+$0x0], $0xffff  }
0x1d9: {  	v24 =	vor.u32 $0x15, v11;
	v19 =	vld.idx.msk [tilespmem:v19+s12+$0x0], $0xffff  }
0x1da: {  	v25 =	vor.u32 $0x16, v11;
	v20 =	vld.idx.msk [tilespmem:v20+s12+$0x0], $0xffff  }
0x1db: {  	v26 =	vor.u32 $0x17, v11;
	v21 =	vld.idx.msk [tilespmem:v21+s12+$0x0], $0xffff  }
0x1dc: {  	v27 =	vor.u32 $0x18, v11;
	v22 =	vld.idx.msk [tilespmem:v22+s12+$0x0], $0xffff  }
0x1dd: {  	v28 =	vor.u32 $0x1B, v11;
	v23 =	vld.idx.msk [tilespmem:v23+s12+$0x0], $0xffff  }
0x1de: {  	v29 =	vor.u32 $0x19, v11;
	v24 =	vld.idx.msk [tilespmem:v24+s12+$0x0], $0xffff  }
0x1df: {  	v30 =	vor.u32 $0x1A, v11;
	v25 =	vld.idx.msk [tilespmem:v25+s12+$0x0], $0xffff  }
0x1e0: {  	v31 =	vor.u32 $0x1C, v11;
	v26 =	vld.idx.msk [tilespmem:v26+s12+$0x0], $0xffff  }
0x1e1: {  	v32 =	vor.u32 $0x1D, v11;
	v27 =	vld.idx.msk [tilespmem:v27+s12+$0x0], $0xffff  }
0x1e2: {  	v33 =	vor.u32 $0x1E, v11;
	v28 =	vld.idx.msk [tilespmem:v28+s12+$0x0], $0xffff  }
0x1e3: {  	v11 =	vor.u32 $0x1F, v11;
	v29 =	vld.idx.msk [tilespmem:v29+s12+$0x0], $0xffff  }
0x1e4: {  	v30 =	vld.idx.msk [tilespmem:v30+s12+$0x0], $0xffff  }
0x1e5: {  	v31 =	vld.idx.msk [tilespmem:v31+s12+$0x0], $0xffff  }
0x1e6: {  	v32 =	vld.idx.msk [tilespmem:v32+s12+$0x0], $0xffff  }
0x1e7: {  	s21 =	sadd.s32 $0x10, s21;
	v33 =	vld.idx.msk [tilespmem:v33+s12+$0x0], $0xffff  }
0x1e8: {  	v11 =	vld.idx.msk [tilespmem:v11+s12+$0x0], $0xffff;
	[tilespmem:s21+$0x1180] =	vst v28  }
0x1e9: {  	[tilespmem:s21+$0xFFFFE080] =	vst v10  }
0x1ea: {  	[tilespmem:s21+$0x1100] =	vst v30  }
0x1eb: {  	[tilespmem:s21+$0x1200] =	vst v31  }
0x1ec: {  	[tilespmem:s21+$0x1280] =	vst v32  }
0x1ed: {  	[tilespmem:s21+$0x1300] =	vst v33  }
0x1ee: {  	[tilespmem:s21+$0x1380] =	vst v11  }
0x1ef: {  	[tilespmem:s21+$0xFFFFE100] =	vst v3  }
0x1f0: {  	[tilespmem:s21+$0xFFFFE180] =	vst v4  }
0x1f1: {  	[tilespmem:s21+$0xFFFFE200] =	vst v5  }
0x1f2: {  	[tilespmem:s21+$0xFFFFE280] =	vst v6  }
0x1f3: {  	[tilespmem:s21+$0xFFFFE300] =	vst v7  }
0x1f4: {  	[tilespmem:s21+$0xFFFFE380] =	vst v8  }
0x1f5: {  	[tilespmem:s21+$0xFFFFF000] =	vst v9  }
0x1f6: {  	[tilespmem:s21+$0xFFFFF080] =	vst v16  }
0x1f7: {  	[tilespmem:s21+$0xFFFFF100] =	vst v14  }
0x1f8: {  	[tilespmem:s21+$0xFFFFF180] =	vst v15  }
0x1f9: {  	[tilespmem:s21+$0xFFFFF200] =	vst v12  }
0x1fa: {  	[tilespmem:s21+$0xFFFFF280] =	vst v13  }
0x1fb: {  	[tilespmem:s21+$0xFFFFF300] =	vst v17  }
0x1fc: {  	[tilespmem:s21+$0xFFFFF380] =	vst v18  }
0x1fd: {  	[tilespmem:s21+$0x0] =	vst v19  }
0x1fe: {  	[tilespmem:s21+$0x80] =	vst v20  }
0x1ff: {  	[tilespmem:s21+$0x100] =	vst v21  }
0x200: {  	[tilespmem:s21+$0x180] =	vst v22  }
0x201: {  	[tilespmem:s21+$0x200] =	vst v23  }
0x202: {  	[tilespmem:s21+$0x280] =	vst v24  }
0x203: {  	[tilespmem:s21+$0x300] =	vst v25  }
0x204: {  	[tilespmem:s21+$0x380] =	vst v26  }
0x205: {  	[tilespmem:s21+$0x1000] =	vst v27  }
0x206: {  	[tilespmem:s21+$0x1080] =	vst v29  }
0x207: {  	s22 =	sadd.s32 $0x10, s22;
	[tilespmem:s21+$0xFFFFE000] =	vst v2  }
0x208: {  	v2 =	vld [tilespmem:s22+$0x0];
	_ =	sdelay $0x4  }
0x209: {  	vm0 =	vgt.s32 v2, $0x61FF;
	vm1 =	vgt.s32 v2, $0xC3FF  }
0x20a: {  	v3 =	vsel vm0, $0x1, v0;
	v4 =	vsel vm1, $0x1, v0;
	vm0 =	vgt.s32 v2, $0x125FF  }
0x20b: {  	v2 =	vadd.s32 v4, v3;
	v3 =	vsel vm0, $0x1, v0  }
0x20c: {  	v2 =	vadd.s32 v3, v2;
	v3 =	vmov s23  }
0x20d: {  	v2 =	vshll.u32 v2, $0x5;
	v3 =	vshll.u32 v3, $0x7  }
0x20e: {  	v2 =	vand.u32 $0x60, v2;
	v3 =	vor.u32 v1, v3  }
0x20f: {  	v11 =	vor.u32 v3, v2  }
0x210: {  	v3 =	vor.u32 $0x1, v11  }
0x211: {  	v4 =	vor.u32 $0x2, v11  }
0x212: {  	v5 =	vor.u32 $0x3, v11  }
0x213: {  	v6 =	vor.u32 $0x4, v11  }
0x214: {  	v7 =	vor.u32 $0x5, v11;
	v2 =	vld.idx.msk [tilespmem:v11+s12+$0x0], $0xffff  }
0x215: {  	v8 =	vor.u32 $0x6, v11;
	v10 =	vld.idx.msk [tilespmem:v3+s12+$0x0], $0xffff  }
0x216: {  	v9 =	vor.u32 $0x7, v11;
	v3 =	vld.idx.msk [tilespmem:v4+s12+$0x0], $0xffff  }
0x217: {  	v13 =	vor.u32 $0x8, v11;
	v4 =	vld.idx.msk [tilespmem:v5+s12+$0x0], $0xffff  }
.Ltmp1:
0x218: {  	v16 =	vor.u32 $0x9, v11;
	v5 =	vld.idx.msk [tilespmem:v6+s12+$0x0], $0xffff;
	(pc) =	sbr.rel @p0 .LBB2_4-.Ltmp1, $4  }
0x219: {  	v14 =	vor.u32 $0xA, v11;
	v6 =	vld.idx.msk [tilespmem:v7+s12+$0x0], $0xffff  }
0x21a: {  	v15 =	vor.u32 $0xB, v11;
	v7 =	vld.idx.msk [tilespmem:v8+s12+$0x0], $0xffff  }
0x21b: {  	v12 =	vor.u32 $0xC, v11;
	v8 =	vld.idx.msk [tilespmem:v9+s12+$0x0], $0xffff  }
0x21c: {  	s23 =	sadd.s32 $0x10, s23;
	v9 =	vld.idx.msk [tilespmem:v13+s12+$0x0], $0xffff;
	v13 =	vor.u32 $0xD, v11  }
0x21d: {  	_ =	sdelay $0x3  }
0x21e: {  	v16 =	vld.idx.msk [tilespmem:v16+s12+$0x0], $0xffff;
	v17 =	vor.u32 $0xE, v11  }
0x21f: {  	v14 =	vld.idx.msk [tilespmem:v14+s12+$0x0], $0xffff;
	v18 =	vor.u32 $0xF, v11  }
0x220: {  	v15 =	vld.idx.msk [tilespmem:v15+s12+$0x0], $0xffff;
	v19 =	vor.u32 $0x10, v11  }
0x221: {  	v12 =	vld.idx.msk [tilespmem:v12+s12+$0x0], $0xffff;
	v20 =	vor.u32 $0x11, v11  }
0x222: {  	v13 =	vld.idx.msk [tilespmem:v13+s12+$0x0], $0xffff;
	v21 =	vor.u32 $0x12, v11  }
0x223: {  	v22 =	vor.u32 $0x13, v11;
	v17 =	vld.idx.msk [tilespmem:v17+s12+$0x0], $0xffff  }
0x224: {  	v23 =	vor.u32 $0x14, v11;
	v18 =	vld.idx.msk [tilespmem:v18+s12+$0x0], $0xffff  }
0x225: {  	v24 =	vor.u32 $0x15, v11;
	v19 =	vld.idx.msk [tilespmem:v19+s12+$0x0], $0xffff  }
0x226: {  	v25 =	vor.u32 $0x16, v11;
	v20 =	vld.idx.msk [tilespmem:v20+s12+$0x0], $0xffff  }
0x227: {  	v26 =	vor.u32 $0x17, v11;
	v21 =	vld.idx.msk [tilespmem:v21+s12+$0x0], $0xffff  }
0x228: {  	v27 =	vor.u32 $0x18, v11;
	v22 =	vld.idx.msk [tilespmem:v22+s12+$0x0], $0xffff  }
0x229: {  	v28 =	vor.u32 $0x1B, v11;
	v23 =	vld.idx.msk [tilespmem:v23+s12+$0x0], $0xffff  }
0x22a: {  	v29 =	vor.u32 $0x19, v11;
	v24 =	vld.idx.msk [tilespmem:v24+s12+$0x0], $0xffff  }
0x22b: {  	v30 =	vor.u32 $0x1A, v11;
	v25 =	vld.idx.msk [tilespmem:v25+s12+$0x0], $0xffff  }
0x22c: {  	v31 =	vor.u32 $0x1C, v11;
	v26 =	vld.idx.msk [tilespmem:v26+s12+$0x0], $0xffff  }
0x22d: {  	v32 =	vor.u32 $0x1D, v11;
	v27 =	vld.idx.msk [tilespmem:v27+s12+$0x0], $0xffff  }
0x22e: {  	v33 =	vor.u32 $0x1E, v11;
	v28 =	vld.idx.msk [tilespmem:v28+s12+$0x0], $0xffff  }
0x22f: {  	v11 =	vor.u32 $0x1F, v11;
	v29 =	vld.idx.msk [tilespmem:v29+s12+$0x0], $0xffff  }
0x230: {  	v30 =	vld.idx.msk [tilespmem:v30+s12+$0x0], $0xffff  }
0x231: {  	v31 =	vld.idx.msk [tilespmem:v31+s12+$0x0], $0xffff  }
0x232: {  	v32 =	vld.idx.msk [tilespmem:v32+s12+$0x0], $0xffff  }
0x233: {  	s21 =	sadd.s32 $0x10, s21;
	v33 =	vld.idx.msk [tilespmem:v33+s12+$0x0], $0xffff  }
0x234: {  	v11 =	vld.idx.msk [tilespmem:v11+s12+$0x0], $0xffff;
	[tilespmem:s21+$0xFFFFE080] =	vst v10  }
0x235: {  	[tilespmem:s21+$0xFFFFE100] =	vst v3  }
0x236: {  	[tilespmem:s21+$0xFFFFE180] =	vst v4  }
0x237: {  	[tilespmem:s21+$0xFFFFE200] =	vst v5  }
0x238: {  	[tilespmem:s21+$0xFFFFE280] =	vst v6  }
0x239: {  	[tilespmem:s21+$0xFFFFE300] =	vst v7  }
0x23a: {  	[tilespmem:s21+$0xFFFFE380] =	vst v8  }
0x23b: {  	[tilespmem:s21+$0xFFFFF000] =	vst v9  }
0x23c: {  	[tilespmem:s21+$0xFFFFF080] =	vst v16  }
0x23d: {  	[tilespmem:s21+$0xFFFFF100] =	vst v14  }
0x23e: {  	[tilespmem:s21+$0xFFFFF180] =	vst v15  }
0x23f: {  	[tilespmem:s21+$0xFFFFF200] =	vst v12  }
0x240: {  	[tilespmem:s21+$0xFFFFF280] =	vst v13  }
0x241: {  	[tilespmem:s21+$0xFFFFE000] =	vst v2  }
0x242: {  	[tilespmem:s21+$0x1180] =	vst v28  }
0x243: {  	[tilespmem:s21+$0x1100] =	vst v30  }
0x244: {  	[tilespmem:s21+$0x1200] =	vst v31  }
0x245: {  	[tilespmem:s21+$0x1280] =	vst v32  }
0x246: {  	[tilespmem:s21+$0x1300] =	vst v33  }
0x247: {  	[tilespmem:s21+$0x1380] =	vst v11  }
0x248: {  	[tilespmem:s21+$0xFFFFF300] =	vst v17  }
0x249: {  	[tilespmem:s21+$0xFFFFF380] =	vst v18  }
0x24a: {  	[tilespmem:s21+$0x0] =	vst v19  }
0x24b: {  	[tilespmem:s21+$0x80] =	vst v20  }
0x24c: {  	[tilespmem:s21+$0x100] =	vst v21  }
0x24d: {  	[tilespmem:s21+$0x180] =	vst v22  }
0x24e: {  	[tilespmem:s21+$0x200] =	vst v23  }
0x24f: {  	[tilespmem:s21+$0x280] =	vst v24  }
0x250: {  	[tilespmem:s21+$0x300] =	vst v25  }
0x251: {  	[tilespmem:s21+$0x380] =	vst v26  }
0x252: {  	[tilespmem:s21+$0x1000] =	vst v27  }
0x253: {  	[tilespmem:s21+$0x1080] =	vst v29  }
0x254: {  	[tilespmem:s12], [sflag:$0x2] =	stream.indirect.gather [hbm4b:s3+s8], $0x80, s16, s8, $0xb8;
	[tilespmem:$0xC400] =	vst v63  }
0x255: {  	_ =	swait.ge [sflag:s13], $0x4000  }
0x256: {  	[sflag:s13] =	ssyncset.done $0x0  }
0x257: {  	s30 =	simm.s32 $0x100;
	[sflag:s13] =	ssyncadd.s32 $0xFFFFC000  }
0x258: {  	v2 =	vld [tilespmem:s30+$0x0];
	_ =	sdelay $0x4  }
0x259: {  	vm0 =	vgt.s32 v2, $0x61FF;
	vm1 =	vgt.s32 v2, $0xC3FF  }
0x25a: {  	vm12 =	vgt.s32 v2, $0x125FF;
	v3 =	vsel vm0, $0x1, v0;
	v4 =	vsel vm1, $0x1, v0  }
0x25b: {  	s31 =	simm.s32 $0x0;
	v2 =	vadd.s32 v4, v3;
	v3 =	vsel vm12, $0x1, v0  }
0x25c: {  	v2 =	vadd.s32 v3, v2;
	v3 =	vmov s31  }
0x25d: {  	v2 =	vshll.u32 v2, $0x5;
	v3 =	vshll.u32 v3, $0x7  }
0x25e: {  	v2 =	vand.u32 $0x60, v2;
	v3 =	vor.u32 v1, v3  }
0x25f: {  	v2 =	vor.u32 v3, v2  }
0x260: {  	v3 =	vor.u32 $0x1, v2  }
0x261: {  	v4 =	vor.u32 $0x2, v2  }
0x262: {  	v5 =	vor.u32 $0x3, v2  }
0x263: {  	v6 =	vor.u32 $0x4, v2  }
0x264: {  	v8 =	vor.u32 $0x5, v2;
	v7 =	vld.idx.msk [tilespmem:v2+s10+$0x0], $0xffff  }
0x265: {  	v9 =	vor.u32 $0x6, v2;
	v3 =	vld.idx.msk [tilespmem:v3+s10+$0x0], $0xffff  }
0x266: {  	v10 =	vor.u32 $0x7, v2;
	v4 =	vld.idx.msk [tilespmem:v4+s10+$0x0], $0xffff  }
0x267: {  	v11 =	vor.u32 $0x8, v2;
	v5 =	vld.idx.msk [tilespmem:v5+s10+$0x0], $0xffff  }
0x268: {  	v12 =	vor.u32 $0x9, v2;
	v6 =	vld.idx.msk [tilespmem:v6+s10+$0x0], $0xffff  }
0x269: {  	v13 =	vor.u32 $0xA, v2;
	v8 =	vld.idx.msk [tilespmem:v8+s10+$0x0], $0xffff  }
0x26a: {  	v14 =	vor.u32 $0xB, v2;
	v9 =	vld.idx.msk [tilespmem:v9+s10+$0x0], $0xffff  }
0x26b: {  	v15 =	vor.u32 $0xC, v2;
	v10 =	vld.idx.msk [tilespmem:v10+s10+$0x0], $0xffff  }
0x26c: {  	v16 =	vor.u32 $0xD, v2;
	v11 =	vld.idx.msk [tilespmem:v11+s10+$0x0], $0xffff  }
0x26d: {  	v17 =	vor.u32 $0xE, v2;
	v12 =	vld.idx.msk [tilespmem:v12+s10+$0x0], $0xffff  }
0x26e: {  	v18 =	vor.u32 $0xF, v2;
	v13 =	vld.idx.msk [tilespmem:v13+s10+$0x0], $0xffff  }
0x26f: {  	v19 =	vor.u32 $0x10, v2;
	v14 =	vld.idx.msk [tilespmem:v14+s10+$0x0], $0xffff  }
0x270: {  	v50 =	vor.u32 $0x11, v2;
	v15 =	vld.idx.msk [tilespmem:v15+s10+$0x0], $0xffff  }
0x271: {  	v51 =	vor.u32 $0x12, v2;
	v16 =	vld.idx.msk [tilespmem:v16+s10+$0x0], $0xffff  }
0x272: {  	v52 =	vor.u32 $0x13, v2;
	v17 =	vld.idx.msk [tilespmem:v17+s10+$0x0], $0xffff  }
0x273: {  	v53 =	vor.u32 $0x14, v2;
	v18 =	vld.idx.msk [tilespmem:v18+s10+$0x0], $0xffff  }
0x274: {  	v54 =	vor.u32 $0x15, v2;
	v19 =	vld.idx.msk [tilespmem:v19+s10+$0x0], $0xffff  }
0x275: {  	v55 =	vor.u32 $0x16, v2;
	v20 =	vld.idx.msk [tilespmem:v50+s10+$0x0], $0xffff  }
0x276: {  	v56 =	vor.u32 $0x17, v2;
	v21 =	vld.idx.msk [tilespmem:v51+s10+$0x0], $0xffff  }
0x277: {  	v57 =	vor.u32 $0x18, v2;
	v22 =	vld.idx.msk [tilespmem:v52+s10+$0x0], $0xffff  }
0x278: {  	v58 =	vor.u32 $0x1B, v2;
	v23 =	vld.idx.msk [tilespmem:v53+s10+$0x0], $0xffff  }
0x279: {  	v59 =	vor.u32 $0x19, v2;
	v24 =	vld.idx.msk [tilespmem:v54+s10+$0x0], $0xffff  }
0x27a: {  	v60 =	vor.u32 $0x1A, v2;
	v25 =	vld.idx.msk [tilespmem:v55+s10+$0x0], $0xffff  }
0x27b: {  	v61 =	vor.u32 $0x1C, v2;
	v26 =	vld.idx.msk [tilespmem:v56+s10+$0x0], $0xffff  }
0x27c: {  	v62 =	vor.u32 $0x1D, v2;
	v27 =	vld.idx.msk [tilespmem:v57+s10+$0x0], $0xffff  }
0x27d: {  	v63 =	vor.u32 $0x1E, v2;
	v28 =	vld.idx.msk [tilespmem:v58+s10+$0x0], $0xffff  }
0x27e: {  	v2 =	vor.u32 $0x1F, v2;
	v29 =	vld.idx.msk [tilespmem:v59+s10+$0x0], $0xffff  }
0x27f: {  	v30 =	vld.idx.msk [tilespmem:v60+s10+$0x0], $0xffff  }
0x280: {  	v31 =	vld.idx.msk [tilespmem:v61+s10+$0x0], $0xffff  }
0x281: {  	v32 =	vld.idx.msk [tilespmem:v62+s10+$0x0], $0xffff  }
0x282: {  	s21 =	simm.s32 $0xAC00;
	v33 =	vld.idx.msk [tilespmem:v63+s10+$0x0], $0xffff  }
0x283: {  	v2 =	vld.idx.msk [tilespmem:v2+s10+$0x0], $0xffff;
	[tilespmem:s21+$0xFFFFE000] =	vst v7  }
0x284: {  	[tilespmem:s21+$0x1180] =	vst v28  }
0x285: {  	[tilespmem:s21+$0xFFFFE080] =	vst v3  }
0x286: {  	[tilespmem:s21+$0x1100] =	vst v30  }
0x287: {  	[tilespmem:s21+$0x1200] =	vst v31  }
0x288: {  	[tilespmem:s21+$0x1280] =	vst v32  }
0x289: {  	[tilespmem:s21+$0x1300] =	vst v33  }
0x28a: {  	[tilespmem:s21+$0xFFFFE100] =	vst v4  }
0x28b: {  	[tilespmem:s21+$0xFFFFE180] =	vst v5  }
0x28c: {  	[tilespmem:s21+$0xFFFFE200] =	vst v6  }
0x28d: {  	[tilespmem:s21+$0xFFFFE280] =	vst v8  }
0x28e: {  	[tilespmem:s21+$0xFFFFE300] =	vst v9  }
0x28f: {  	[tilespmem:s21+$0xFFFFE380] =	vst v10  }
0x290: {  	[tilespmem:s21+$0xFFFFF000] =	vst v11  }
0x291: {  	[tilespmem:s21+$0xFFFFF080] =	vst v12  }
0x292: {  	[tilespmem:s21+$0xFFFFF100] =	vst v13  }
0x293: {  	[tilespmem:s21+$0xFFFFF180] =	vst v14  }
0x294: {  	[tilespmem:s21+$0xFFFFF200] =	vst v15  }
0x295: {  	[tilespmem:s21+$0xFFFFF280] =	vst v16  }
0x296: {  	[tilespmem:s21+$0xFFFFF300] =	vst v17  }
0x297: {  	[tilespmem:s21+$0xFFFFF380] =	vst v18  }
0x298: {  	[tilespmem:s21+$0x0] =	vst v19  }
0x299: {  	[tilespmem:s21+$0x80] =	vst v20  }
0x29a: {  	[tilespmem:s21+$0x100] =	vst v21  }
0x29b: {  	[tilespmem:s21+$0x180] =	vst v22  }
0x29c: {  	[tilespmem:s21+$0x200] =	vst v23  }
0x29d: {  	[tilespmem:s21+$0x280] =	vst v24  }
0x29e: {  	[tilespmem:s21+$0x300] =	vst v25  }
0x29f: {  	[tilespmem:s21+$0x380] =	vst v26  }
0x2a0: {  	[tilespmem:s21+$0x1000] =	vst v27  }
0x2a1: {  	[tilespmem:s21+$0x1080] =	vst v29  }
0x2a2: {  	s22 =	simm.s32 $0x110;
	[tilespmem:s21+$0x1380] =	vst v2  }
0x2a3: {  	v2 =	vld [tilespmem:s22+$0x0];
	_ =	sdelay $0x4  }
0x2a4: {  	vm13 =	vgt.s32 v2, $0x61FF;
	vm14 =	vgt.s32 v2, $0xC3FF  }
0x2a5: {  	vm15 =	vgt.s32 v2, $0x125FF;
	v3 =	vsel vm13, $0x1, v0;
	v4 =	vsel vm14, $0x1, v0  }
0x2a6: {  	s23 =	simm.s32 $0x10;
	v2 =	vadd.s32 v4, v3;
	v3 =	vsel vm15, $0x1, v0  }
0x2a7: {  	v2 =	vadd.s32 v3, v2;
	v3 =	vmov s23  }
0x2a8: {  	v2 =	vshll.u32 v2, $0x5;
	v3 =	vshll.u32 v3, $0x7  }
0x2a9: {  	v2 =	vand.u32 $0x60, v2;
	v3 =	vor.u32 v1, v3  }
0x2aa: {  	v11 =	vor.u32 v3, v2  }
0x2ab: {  	v3 =	vor.u32 $0x1, v11  }
0x2ac: {  	v4 =	vor.u32 $0x2, v11  }
0x2ad: {  	v5 =	vor.u32 $0x3, v11  }
0x2ae: {  	v6 =	vor.u32 $0x4, v11  }
0x2af: {  	v7 =	vor.u32 $0x5, v11;
	v2 =	vld.idx.msk [tilespmem:v11+s10+$0x0], $0xffff  }
0x2b0: {  	v8 =	vor.u32 $0x6, v11;
	v10 =	vld.idx.msk [tilespmem:v3+s10+$0x0], $0xffff  }
0x2b1: {  	v9 =	vor.u32 $0x7, v11;
	v3 =	vld.idx.msk [tilespmem:v4+s10+$0x0], $0xffff  }
0x2b2: {  	v13 =	vor.u32 $0x8, v11;
	v4 =	vld.idx.msk [tilespmem:v5+s10+$0x0], $0xffff  }
0x2b3: {  	v16 =	vor.u32 $0x9, v11;
	v5 =	vld.idx.msk [tilespmem:v6+s10+$0x0], $0xffff  }
0x2b4: {  	v14 =	vor.u32 $0xA, v11;
	v6 =	vld.idx.msk [tilespmem:v7+s10+$0x0], $0xffff  }
0x2b5: {  	v15 =	vor.u32 $0xB, v11;
	v7 =	vld.idx.msk [tilespmem:v8+s10+$0x0], $0xffff  }
0x2b6: {  	v12 =	vor.u32 $0xC, v11;
	v8 =	vld.idx.msk [tilespmem:v9+s10+$0x0], $0xffff  }
0x2b7: {  	s23 =	simm.s32 $0x20;
	v9 =	vld.idx.msk [tilespmem:v13+s10+$0x0], $0xffff;
	v13 =	vor.u32 $0xD, v11  }
.LBB2_6:
0x2b8: {  	p0 =	sne.s32 s23, $0x70;
	v16 =	vld.idx.msk [tilespmem:v16+s10+$0x0], $0xffff;
	v17 =	vor.u32 $0xE, v11  }
0x2b9: {  	v18 =	vor.u32 $0xF, v11;
	v14 =	vld.idx.msk [tilespmem:v14+s10+$0x0], $0xffff  }
0x2ba: {  	v19 =	vor.u32 $0x10, v11;
	v15 =	vld.idx.msk [tilespmem:v15+s10+$0x0], $0xffff  }
0x2bb: {  	v20 =	vor.u32 $0x11, v11;
	v12 =	vld.idx.msk [tilespmem:v12+s10+$0x0], $0xffff  }
0x2bc: {  	v21 =	vor.u32 $0x12, v11;
	v13 =	vld.idx.msk [tilespmem:v13+s10+$0x0], $0xffff  }
0x2bd: {  	v22 =	vor.u32 $0x13, v11;
	v17 =	vld.idx.msk [tilespmem:v17+s10+$0x0], $0xffff  }
0x2be: {  	v23 =	vor.u32 $0x14, v11;
	v18 =	vld.idx.msk [tilespmem:v18+s10+$0x0], $0xffff  }
0x2bf: {  	v24 =	vor.u32 $0x15, v11;
	v19 =	vld.idx.msk [tilespmem:v19+s10+$0x0], $0xffff  }
0x2c0: {  	v25 =	vor.u32 $0x16, v11;
	v20 =	vld.idx.msk [tilespmem:v20+s10+$0x0], $0xffff  }
0x2c1: {  	v26 =	vor.u32 $0x17, v11;
	v21 =	vld.idx.msk [tilespmem:v21+s10+$0x0], $0xffff  }
0x2c2: {  	v27 =	vor.u32 $0x18, v11;
	v22 =	vld.idx.msk [tilespmem:v22+s10+$0x0], $0xffff  }
0x2c3: {  	v28 =	vor.u32 $0x1B, v11;
	v23 =	vld.idx.msk [tilespmem:v23+s10+$0x0], $0xffff  }
0x2c4: {  	v29 =	vor.u32 $0x19, v11;
	v24 =	vld.idx.msk [tilespmem:v24+s10+$0x0], $0xffff  }
0x2c5: {  	v30 =	vor.u32 $0x1A, v11;
	v25 =	vld.idx.msk [tilespmem:v25+s10+$0x0], $0xffff  }
0x2c6: {  	v31 =	vor.u32 $0x1C, v11;
	v26 =	vld.idx.msk [tilespmem:v26+s10+$0x0], $0xffff  }
0x2c7: {  	v32 =	vor.u32 $0x1D, v11;
	v27 =	vld.idx.msk [tilespmem:v27+s10+$0x0], $0xffff  }
0x2c8: {  	v33 =	vor.u32 $0x1E, v11;
	v28 =	vld.idx.msk [tilespmem:v28+s10+$0x0], $0xffff  }
0x2c9: {  	v11 =	vor.u32 $0x1F, v11;
	v29 =	vld.idx.msk [tilespmem:v29+s10+$0x0], $0xffff  }
0x2ca: {  	v30 =	vld.idx.msk [tilespmem:v30+s10+$0x0], $0xffff  }
0x2cb: {  	v31 =	vld.idx.msk [tilespmem:v31+s10+$0x0], $0xffff  }
0x2cc: {  	v32 =	vld.idx.msk [tilespmem:v32+s10+$0x0], $0xffff  }
0x2cd: {  	s21 =	sadd.s32 $0x10, s21;
	v33 =	vld.idx.msk [tilespmem:v33+s10+$0x0], $0xffff  }
0x2ce: {  	v11 =	vld.idx.msk [tilespmem:v11+s10+$0x0], $0xffff;
	[tilespmem:s21+$0x1180] =	vst v28  }
0x2cf: {  	[tilespmem:s21+$0xFFFFE080] =	vst v10  }
0x2d0: {  	[tilespmem:s21+$0x1100] =	vst v30  }
0x2d1: {  	[tilespmem:s21+$0x1200] =	vst v31  }
0x2d2: {  	[tilespmem:s21+$0x1280] =	vst v32  }
0x2d3: {  	[tilespmem:s21+$0x1300] =	vst v33  }
0x2d4: {  	[tilespmem:s21+$0x1380] =	vst v11  }
0x2d5: {  	[tilespmem:s21+$0xFFFFE100] =	vst v3  }
0x2d6: {  	[tilespmem:s21+$0xFFFFE180] =	vst v4  }
0x2d7: {  	[tilespmem:s21+$0xFFFFE200] =	vst v5  }
0x2d8: {  	[tilespmem:s21+$0xFFFFE280] =	vst v6  }
0x2d9: {  	[tilespmem:s21+$0xFFFFE300] =	vst v7  }
0x2da: {  	[tilespmem:s21+$0xFFFFE380] =	vst v8  }
0x2db: {  	[tilespmem:s21+$0xFFFFF000] =	vst v9  }
0x2dc: {  	[tilespmem:s21+$0xFFFFF080] =	vst v16  }
0x2dd: {  	[tilespmem:s21+$0xFFFFF100] =	vst v14  }
0x2de: {  	[tilespmem:s21+$0xFFFFF180] =	vst v15  }
0x2df: {  	[tilespmem:s21+$0xFFFFF200] =	vst v12  }
0x2e0: {  	[tilespmem:s21+$0xFFFFF280] =	vst v13  }
0x2e1: {  	[tilespmem:s21+$0xFFFFF300] =	vst v17  }
0x2e2: {  	[tilespmem:s21+$0xFFFFF380] =	vst v18  }
0x2e3: {  	[tilespmem:s21+$0x0] =	vst v19  }
0x2e4: {  	[tilespmem:s21+$0x80] =	vst v20  }
0x2e5: {  	[tilespmem:s21+$0x100] =	vst v21  }
0x2e6: {  	[tilespmem:s21+$0x180] =	vst v22  }
0x2e7: {  	[tilespmem:s21+$0x200] =	vst v23  }
0x2e8: {  	[tilespmem:s21+$0x280] =	vst v24  }
0x2e9: {  	[tilespmem:s21+$0x300] =	vst v25  }
0x2ea: {  	[tilespmem:s21+$0x380] =	vst v26  }
0x2eb: {  	[tilespmem:s21+$0x1000] =	vst v27  }
0x2ec: {  	[tilespmem:s21+$0x1080] =	vst v29  }
0x2ed: {  	s22 =	sadd.s32 $0x10, s22;
	[tilespmem:s21+$0xFFFFE000] =	vst v2  }
0x2ee: {  	v2 =	vld [tilespmem:s22+$0x0];
	_ =	sdelay $0x4  }
0x2ef: {  	vm0 =	vgt.s32 v2, $0x61FF;
	vm1 =	vgt.s32 v2, $0xC3FF  }
0x2f0: {  	v3 =	vsel vm0, $0x1, v0;
	v4 =	vsel vm1, $0x1, v0;
	vm0 =	vgt.s32 v2, $0x125FF  }
0x2f1: {  	v2 =	vadd.s32 v4, v3;
	v3 =	vsel vm0, $0x1, v0  }
0x2f2: {  	v2 =	vadd.s32 v3, v2;
	v3 =	vmov s23  }
0x2f3: {  	v2 =	vshll.u32 v2, $0x5;
	v3 =	vshll.u32 v3, $0x7  }
0x2f4: {  	v2 =	vand.u32 $0x60, v2;
	v3 =	vor.u32 v1, v3  }
0x2f5: {  	v11 =	vor.u32 v3, v2  }
0x2f6: {  	v3 =	vor.u32 $0x1, v11  }
0x2f7: {  	v4 =	vor.u32 $0x2, v11  }
0x2f8: {  	v5 =	vor.u32 $0x3, v11  }
0x2f9: {  	v6 =	vor.u32 $0x4, v11  }
0x2fa: {  	v7 =	vor.u32 $0x5, v11;
	v2 =	vld.idx.msk [tilespmem:v11+s10+$0x0], $0xffff  }
0x2fb: {  	v8 =	vor.u32 $0x6, v11;
	v10 =	vld.idx.msk [tilespmem:v3+s10+$0x0], $0xffff  }
0x2fc: {  	v9 =	vor.u32 $0x7, v11;
	v3 =	vld.idx.msk [tilespmem:v4+s10+$0x0], $0xffff  }
0x2fd: {  	v13 =	vor.u32 $0x8, v11;
	v4 =	vld.idx.msk [tilespmem:v5+s10+$0x0], $0xffff  }
.Ltmp2:
0x2fe: {  	v16 =	vor.u32 $0x9, v11;
	v5 =	vld.idx.msk [tilespmem:v6+s10+$0x0], $0xffff;
	(pc) =	sbr.rel @p0 .LBB2_6-.Ltmp2, $4  }
0x2ff: {  	v14 =	vor.u32 $0xA, v11;
	v6 =	vld.idx.msk [tilespmem:v7+s10+$0x0], $0xffff  }
0x300: {  	v15 =	vor.u32 $0xB, v11;
	v7 =	vld.idx.msk [tilespmem:v8+s10+$0x0], $0xffff  }
0x301: {  	v12 =	vor.u32 $0xC, v11;
	v8 =	vld.idx.msk [tilespmem:v9+s10+$0x0], $0xffff  }
0x302: {  	s23 =	sadd.s32 $0x10, s23;
	v9 =	vld.idx.msk [tilespmem:v13+s10+$0x0], $0xffff;
	v13 =	vor.u32 $0xD, v11  }
0x303: {  	_ =	sdelay $0x3  }
0x304: {  	v16 =	vld.idx.msk [tilespmem:v16+s10+$0x0], $0xffff;
	v17 =	vor.u32 $0xE, v11  }
0x305: {  	v14 =	vld.idx.msk [tilespmem:v14+s10+$0x0], $0xffff;
	v18 =	vor.u32 $0xF, v11  }
0x306: {  	v15 =	vld.idx.msk [tilespmem:v15+s10+$0x0], $0xffff;
	v19 =	vor.u32 $0x10, v11  }
0x307: {  	v12 =	vld.idx.msk [tilespmem:v12+s10+$0x0], $0xffff;
	v20 =	vor.u32 $0x11, v11  }
0x308: {  	v13 =	vld.idx.msk [tilespmem:v13+s10+$0x0], $0xffff;
	v21 =	vor.u32 $0x12, v11  }
0x309: {  	v22 =	vor.u32 $0x13, v11;
	v17 =	vld.idx.msk [tilespmem:v17+s10+$0x0], $0xffff  }
0x30a: {  	v23 =	vor.u32 $0x14, v11;
	v18 =	vld.idx.msk [tilespmem:v18+s10+$0x0], $0xffff  }
0x30b: {  	v24 =	vor.u32 $0x15, v11;
	v19 =	vld.idx.msk [tilespmem:v19+s10+$0x0], $0xffff  }
0x30c: {  	v25 =	vor.u32 $0x16, v11;
	v20 =	vld.idx.msk [tilespmem:v20+s10+$0x0], $0xffff  }
0x30d: {  	v26 =	vor.u32 $0x17, v11;
	v21 =	vld.idx.msk [tilespmem:v21+s10+$0x0], $0xffff  }
0x30e: {  	v27 =	vor.u32 $0x18, v11;
	v22 =	vld.idx.msk [tilespmem:v22+s10+$0x0], $0xffff  }
0x30f: {  	v28 =	vor.u32 $0x1B, v11;
	v23 =	vld.idx.msk [tilespmem:v23+s10+$0x0], $0xffff  }
0x310: {  	v29 =	vor.u32 $0x19, v11;
	v24 =	vld.idx.msk [tilespmem:v24+s10+$0x0], $0xffff  }
0x311: {  	v30 =	vor.u32 $0x1A, v11;
	v25 =	vld.idx.msk [tilespmem:v25+s10+$0x0], $0xffff  }
0x312: {  	v31 =	vor.u32 $0x1C, v11;
	v26 =	vld.idx.msk [tilespmem:v26+s10+$0x0], $0xffff  }
0x313: {  	v32 =	vor.u32 $0x1D, v11;
	v27 =	vld.idx.msk [tilespmem:v27+s10+$0x0], $0xffff  }
0x314: {  	v33 =	vor.u32 $0x1E, v11;
	v28 =	vld.idx.msk [tilespmem:v28+s10+$0x0], $0xffff  }
0x315: {  	v11 =	vor.u32 $0x1F, v11;
	v29 =	vld.idx.msk [tilespmem:v29+s10+$0x0], $0xffff  }
0x316: {  	v30 =	vld.idx.msk [tilespmem:v30+s10+$0x0], $0xffff  }
0x317: {  	v31 =	vld.idx.msk [tilespmem:v31+s10+$0x0], $0xffff  }
0x318: {  	v32 =	vld.idx.msk [tilespmem:v32+s10+$0x0], $0xffff  }
0x319: {  	s21 =	sadd.s32 $0x10, s21;
	v33 =	vld.idx.msk [tilespmem:v33+s10+$0x0], $0xffff  }
0x31a: {  	v11 =	vld.idx.msk [tilespmem:v11+s10+$0x0], $0xffff;
	[tilespmem:s21+$0xFFFFE080] =	vst v10  }
0x31b: {  	[tilespmem:s21+$0xFFFFE100] =	vst v3  }
0x31c: {  	[tilespmem:s21+$0xFFFFE180] =	vst v4  }
0x31d: {  	[tilespmem:s21+$0xFFFFE200] =	vst v5  }
0x31e: {  	[tilespmem:s21+$0xFFFFE280] =	vst v6  }
0x31f: {  	[tilespmem:s21+$0xFFFFE300] =	vst v7  }
0x320: {  	[tilespmem:s21+$0xFFFFE380] =	vst v8  }
0x321: {  	[tilespmem:s21+$0xFFFFF000] =	vst v9  }
0x322: {  	[tilespmem:s21+$0xFFFFF080] =	vst v16  }
0x323: {  	[tilespmem:s21+$0xFFFFF100] =	vst v14  }
0x324: {  	[tilespmem:s21+$0xFFFFF180] =	vst v15  }
0x325: {  	[tilespmem:s21+$0xFFFFF200] =	vst v12  }
0x326: {  	[tilespmem:s21+$0xFFFFF280] =	vst v13  }
0x327: {  	[tilespmem:s21+$0xFFFFE000] =	vst v2  }
0x328: {  	[tilespmem:s21+$0x1180] =	vst v28  }
0x329: {  	[tilespmem:s21+$0x1100] =	vst v30  }
0x32a: {  	[tilespmem:s21+$0x1200] =	vst v31  }
0x32b: {  	[tilespmem:s21+$0x1280] =	vst v32  }
0x32c: {  	[tilespmem:s21+$0x1300] =	vst v33  }
0x32d: {  	[tilespmem:s21+$0x1380] =	vst v11  }
0x32e: {  	[tilespmem:s21+$0xFFFFF300] =	vst v17  }
0x32f: {  	[tilespmem:s21+$0xFFFFF380] =	vst v18  }
0x330: {  	[tilespmem:s21+$0x0] =	vst v19  }
0x331: {  	[tilespmem:s21+$0x80] =	vst v20  }
0x332: {  	[tilespmem:s21+$0x100] =	vst v21  }
0x333: {  	[tilespmem:s21+$0x180] =	vst v22  }
0x334: {  	[tilespmem:s21+$0x200] =	vst v23  }
0x335: {  	[tilespmem:s21+$0x280] =	vst v24  }
0x336: {  	[tilespmem:s21+$0x300] =	vst v25  }
0x337: {  	[tilespmem:s21+$0x380] =	vst v26  }
0x338: {  	[tilespmem:s21+$0x1000] =	vst v27  }
0x339: {  	[tilespmem:s21+$0x1080] =	vst v29  }
0x33a: {  	_ =	swait.ge [sflag:s15], $0x4000  }
0x33b: {  	[sflag:s15] =	ssyncset.done $0x0  }
0x33c: {  	s30 =	simm.s32 $0x180;
	[sflag:s15] =	ssyncadd.s32 $0xFFFFC000  }
0x33d: {  	v2 =	vld [tilespmem:s30+$0x0];
	_ =	sdelay $0x4  }
0x33e: {  	vm0 =	vgt.s32 v2, $0x61FF;
	vm1 =	vgt.s32 v2, $0xC3FF  }
0x33f: {  	vm12 =	vgt.s32 v2, $0x125FF;
	v3 =	vsel vm0, $0x1, v0;
	v4 =	vsel vm1, $0x1, v0  }
0x340: {  	s31 =	simm.s32 $0x0;
	v2 =	vadd.s32 v4, v3;
	v3 =	vsel vm12, $0x1, v0  }
0x341: {  	v2 =	vadd.s32 v3, v2;
	v3 =	vmov s31  }
0x342: {  	v2 =	vshll.u32 v2, $0x5;
	v3 =	vshll.u32 v3, $0x7  }
0x343: {  	v2 =	vand.u32 $0x60, v2;
	v3 =	vor.u32 v1, v3  }
0x344: {  	v2 =	vor.u32 v3, v2  }
0x345: {  	v3 =	vor.u32 $0x1, v2  }
0x346: {  	v4 =	vor.u32 $0x2, v2  }
0x347: {  	v5 =	vor.u32 $0x3, v2  }
0x348: {  	v6 =	vor.u32 $0x4, v2  }
0x349: {  	v8 =	vor.u32 $0x5, v2;
	v7 =	vld.idx.msk [tilespmem:v2+s12+$0x0], $0xffff  }
0x34a: {  	v9 =	vor.u32 $0x6, v2;
	v3 =	vld.idx.msk [tilespmem:v3+s12+$0x0], $0xffff  }
0x34b: {  	v10 =	vor.u32 $0x7, v2;
	v4 =	vld.idx.msk [tilespmem:v4+s12+$0x0], $0xffff  }
0x34c: {  	v11 =	vor.u32 $0x8, v2;
	v5 =	vld.idx.msk [tilespmem:v5+s12+$0x0], $0xffff  }
0x34d: {  	v12 =	vor.u32 $0x9, v2;
	v6 =	vld.idx.msk [tilespmem:v6+s12+$0x0], $0xffff  }
0x34e: {  	v13 =	vor.u32 $0xA, v2;
	v8 =	vld.idx.msk [tilespmem:v8+s12+$0x0], $0xffff  }
0x34f: {  	v14 =	vor.u32 $0xB, v2;
	v9 =	vld.idx.msk [tilespmem:v9+s12+$0x0], $0xffff  }
0x350: {  	v15 =	vor.u32 $0xC, v2;
	v10 =	vld.idx.msk [tilespmem:v10+s12+$0x0], $0xffff  }
0x351: {  	v16 =	vor.u32 $0xD, v2;
	v11 =	vld.idx.msk [tilespmem:v11+s12+$0x0], $0xffff  }
0x352: {  	v17 =	vor.u32 $0xE, v2;
	v12 =	vld.idx.msk [tilespmem:v12+s12+$0x0], $0xffff  }
0x353: {  	v18 =	vor.u32 $0xF, v2;
	v13 =	vld.idx.msk [tilespmem:v13+s12+$0x0], $0xffff  }
0x354: {  	v19 =	vor.u32 $0x10, v2;
	v14 =	vld.idx.msk [tilespmem:v14+s12+$0x0], $0xffff  }
0x355: {  	v50 =	vor.u32 $0x11, v2;
	v15 =	vld.idx.msk [tilespmem:v15+s12+$0x0], $0xffff  }
0x356: {  	v51 =	vor.u32 $0x12, v2;
	v16 =	vld.idx.msk [tilespmem:v16+s12+$0x0], $0xffff  }
0x357: {  	v52 =	vor.u32 $0x13, v2;
	v17 =	vld.idx.msk [tilespmem:v17+s12+$0x0], $0xffff  }
0x358: {  	v53 =	vor.u32 $0x14, v2;
	v18 =	vld.idx.msk [tilespmem:v18+s12+$0x0], $0xffff  }
0x359: {  	v54 =	vor.u32 $0x15, v2;
	v19 =	vld.idx.msk [tilespmem:v19+s12+$0x0], $0xffff  }
0x35a: {  	v55 =	vor.u32 $0x16, v2;
	v20 =	vld.idx.msk [tilespmem:v50+s12+$0x0], $0xffff  }
0x35b: {  	v56 =	vor.u32 $0x17, v2;
	v21 =	vld.idx.msk [tilespmem:v51+s12+$0x0], $0xffff  }
0x35c: {  	v57 =	vor.u32 $0x18, v2;
	v22 =	vld.idx.msk [tilespmem:v52+s12+$0x0], $0xffff  }
0x35d: {  	v58 =	vor.u32 $0x1B, v2;
	v23 =	vld.idx.msk [tilespmem:v53+s12+$0x0], $0xffff  }
0x35e: {  	v59 =	vor.u32 $0x19, v2;
	v24 =	vld.idx.msk [tilespmem:v54+s12+$0x0], $0xffff  }
0x35f: {  	v60 =	vor.u32 $0x1A, v2;
	v25 =	vld.idx.msk [tilespmem:v55+s12+$0x0], $0xffff  }
0x360: {  	v61 =	vor.u32 $0x1C, v2;
	v26 =	vld.idx.msk [tilespmem:v56+s12+$0x0], $0xffff  }
0x361: {  	v62 =	vor.u32 $0x1D, v2;
	v27 =	vld.idx.msk [tilespmem:v57+s12+$0x0], $0xffff  }
0x362: {  	v63 =	vor.u32 $0x1E, v2;
	v28 =	vld.idx.msk [tilespmem:v58+s12+$0x0], $0xffff  }
0x363: {  	v2 =	vor.u32 $0x1F, v2;
	v29 =	vld.idx.msk [tilespmem:v59+s12+$0x0], $0xffff  }
0x364: {  	v30 =	vld.idx.msk [tilespmem:v60+s12+$0x0], $0xffff  }
0x365: {  	v31 =	vld.idx.msk [tilespmem:v61+s12+$0x0], $0xffff  }
0x366: {  	v32 =	vld.idx.msk [tilespmem:v62+s12+$0x0], $0xffff  }
0x367: {  	s21 =	simm.s32 $0xB000;
	v33 =	vld.idx.msk [tilespmem:v63+s12+$0x0], $0xffff  }
0x368: {  	v2 =	vld.idx.msk [tilespmem:v2+s12+$0x0], $0xffff;
	[tilespmem:s21+$0xFFFFE000] =	vst v7  }
0x369: {  	[tilespmem:s21+$0x1180] =	vst v28  }
0x36a: {  	[tilespmem:s21+$0xFFFFE080] =	vst v3  }
0x36b: {  	[tilespmem:s21+$0x1100] =	vst v30  }
0x36c: {  	[tilespmem:s21+$0x1200] =	vst v31  }
0x36d: {  	[tilespmem:s21+$0x1280] =	vst v32  }
0x36e: {  	[tilespmem:s21+$0x1300] =	vst v33  }
0x36f: {  	[tilespmem:s21+$0xFFFFE100] =	vst v4  }
0x370: {  	[tilespmem:s21+$0xFFFFE180] =	vst v5  }
0x371: {  	[tilespmem:s21+$0xFFFFE200] =	vst v6  }
0x372: {  	[tilespmem:s21+$0xFFFFE280] =	vst v8  }
0x373: {  	[tilespmem:s21+$0xFFFFE300] =	vst v9  }
0x374: {  	[tilespmem:s21+$0xFFFFE380] =	vst v10  }
0x375: {  	[tilespmem:s21+$0xFFFFF000] =	vst v11  }
0x376: {  	[tilespmem:s21+$0xFFFFF080] =	vst v12  }
0x377: {  	[tilespmem:s21+$0xFFFFF100] =	vst v13  }
0x378: {  	[tilespmem:s21+$0xFFFFF180] =	vst v14  }
0x379: {  	[tilespmem:s21+$0xFFFFF200] =	vst v15  }
0x37a: {  	[tilespmem:s21+$0xFFFFF280] =	vst v16  }
0x37b: {  	[tilespmem:s21+$0xFFFFF300] =	vst v17  }
0x37c: {  	[tilespmem:s21+$0xFFFFF380] =	vst v18  }
0x37d: {  	[tilespmem:s21+$0x0] =	vst v19  }
0x37e: {  	[tilespmem:s21+$0x80] =	vst v20  }
0x37f: {  	[tilespmem:s21+$0x100] =	vst v21  }
0x380: {  	[tilespmem:s21+$0x180] =	vst v22  }
0x381: {  	[tilespmem:s21+$0x200] =	vst v23  }
0x382: {  	[tilespmem:s21+$0x280] =	vst v24  }
0x383: {  	[tilespmem:s21+$0x300] =	vst v25  }
0x384: {  	[tilespmem:s21+$0x380] =	vst v26  }
0x385: {  	[tilespmem:s21+$0x1000] =	vst v27  }
0x386: {  	[tilespmem:s21+$0x1080] =	vst v29  }
0x387: {  	s22 =	simm.s32 $0x190;
	[tilespmem:s21+$0x1380] =	vst v2  }
0x388: {  	v2 =	vld [tilespmem:s22+$0x0];
	_ =	sdelay $0x4  }
0x389: {  	vm13 =	vgt.s32 v2, $0x61FF;
	vm14 =	vgt.s32 v2, $0xC3FF  }
0x38a: {  	vm15 =	vgt.s32 v2, $0x125FF;
	v3 =	vsel vm13, $0x1, v0;
	v4 =	vsel vm14, $0x1, v0  }
0x38b: {  	s23 =	simm.s32 $0x10;
	v2 =	vadd.s32 v4, v3;
	v3 =	vsel vm15, $0x1, v0  }
0x38c: {  	v2 =	vadd.s32 v3, v2;
	v3 =	vmov s23  }
0x38d: {  	v2 =	vshll.u32 v2, $0x5;
	v3 =	vshll.u32 v3, $0x7  }
0x38e: {  	v2 =	vand.u32 $0x60, v2;
	v3 =	vor.u32 v1, v3  }
0x38f: {  	v11 =	vor.u32 v3, v2  }
0x390: {  	v3 =	vor.u32 $0x1, v11  }
0x391: {  	v4 =	vor.u32 $0x2, v11  }
0x392: {  	v5 =	vor.u32 $0x3, v11  }
0x393: {  	v6 =	vor.u32 $0x4, v11  }
0x394: {  	v7 =	vor.u32 $0x5, v11;
	v2 =	vld.idx.msk [tilespmem:v11+s12+$0x0], $0xffff  }
0x395: {  	v8 =	vor.u32 $0x6, v11;
	v10 =	vld.idx.msk [tilespmem:v3+s12+$0x0], $0xffff  }
0x396: {  	v9 =	vor.u32 $0x7, v11;
	v3 =	vld.idx.msk [tilespmem:v4+s12+$0x0], $0xffff  }
0x397: {  	v13 =	vor.u32 $0x8, v11;
	v4 =	vld.idx.msk [tilespmem:v5+s12+$0x0], $0xffff  }
0x398: {  	v16 =	vor.u32 $0x9, v11;
	v5 =	vld.idx.msk [tilespmem:v6+s12+$0x0], $0xffff  }
0x399: {  	v14 =	vor.u32 $0xA, v11;
	v6 =	vld.idx.msk [tilespmem:v7+s12+$0x0], $0xffff  }
0x39a: {  	v15 =	vor.u32 $0xB, v11;
	v7 =	vld.idx.msk [tilespmem:v8+s12+$0x0], $0xffff  }
0x39b: {  	v12 =	vor.u32 $0xC, v11;
	v8 =	vld.idx.msk [tilespmem:v9+s12+$0x0], $0xffff  }
0x39c: {  	s23 =	simm.s32 $0x20;
	v9 =	vld.idx.msk [tilespmem:v13+s12+$0x0], $0xffff;
	v13 =	vor.u32 $0xD, v11  }
.LBB2_8:
0x39d: {  	p0 =	sne.s32 s23, $0x70;
	v16 =	vld.idx.msk [tilespmem:v16+s12+$0x0], $0xffff;
	v17 =	vor.u32 $0xE, v11  }
0x39e: {  	v18 =	vor.u32 $0xF, v11;
	v14 =	vld.idx.msk [tilespmem:v14+s12+$0x0], $0xffff  }
0x39f: {  	v19 =	vor.u32 $0x10, v11;
	v15 =	vld.idx.msk [tilespmem:v15+s12+$0x0], $0xffff  }
0x3a0: {  	v20 =	vor.u32 $0x11, v11;
	v12 =	vld.idx.msk [tilespmem:v12+s12+$0x0], $0xffff  }
0x3a1: {  	v21 =	vor.u32 $0x12, v11;
	v13 =	vld.idx.msk [tilespmem:v13+s12+$0x0], $0xffff  }
0x3a2: {  	v22 =	vor.u32 $0x13, v11;
	v17 =	vld.idx.msk [tilespmem:v17+s12+$0x0], $0xffff  }
0x3a3: {  	v23 =	vor.u32 $0x14, v11;
	v18 =	vld.idx.msk [tilespmem:v18+s12+$0x0], $0xffff  }
0x3a4: {  	v24 =	vor.u32 $0x15, v11;
	v19 =	vld.idx.msk [tilespmem:v19+s12+$0x0], $0xffff  }
0x3a5: {  	v25 =	vor.u32 $0x16, v11;
	v20 =	vld.idx.msk [tilespmem:v20+s12+$0x0], $0xffff  }
0x3a6: {  	v26 =	vor.u32 $0x17, v11;
	v21 =	vld.idx.msk [tilespmem:v21+s12+$0x0], $0xffff  }
0x3a7: {  	v27 =	vor.u32 $0x18, v11;
	v22 =	vld.idx.msk [tilespmem:v22+s12+$0x0], $0xffff  }
0x3a8: {  	v28 =	vor.u32 $0x1B, v11;
	v23 =	vld.idx.msk [tilespmem:v23+s12+$0x0], $0xffff  }
0x3a9: {  	v29 =	vor.u32 $0x19, v11;
	v24 =	vld.idx.msk [tilespmem:v24+s12+$0x0], $0xffff  }
0x3aa: {  	v30 =	vor.u32 $0x1A, v11;
	v25 =	vld.idx.msk [tilespmem:v25+s12+$0x0], $0xffff  }
0x3ab: {  	v31 =	vor.u32 $0x1C, v11;
	v26 =	vld.idx.msk [tilespmem:v26+s12+$0x0], $0xffff  }
0x3ac: {  	v32 =	vor.u32 $0x1D, v11;
	v27 =	vld.idx.msk [tilespmem:v27+s12+$0x0], $0xffff  }
0x3ad: {  	v33 =	vor.u32 $0x1E, v11;
	v28 =	vld.idx.msk [tilespmem:v28+s12+$0x0], $0xffff  }
0x3ae: {  	v11 =	vor.u32 $0x1F, v11;
	v29 =	vld.idx.msk [tilespmem:v29+s12+$0x0], $0xffff  }
0x3af: {  	v30 =	vld.idx.msk [tilespmem:v30+s12+$0x0], $0xffff  }
0x3b0: {  	v31 =	vld.idx.msk [tilespmem:v31+s12+$0x0], $0xffff  }
0x3b1: {  	v32 =	vld.idx.msk [tilespmem:v32+s12+$0x0], $0xffff  }
0x3b2: {  	s21 =	sadd.s32 $0x10, s21;
	v33 =	vld.idx.msk [tilespmem:v33+s12+$0x0], $0xffff  }
0x3b3: {  	v11 =	vld.idx.msk [tilespmem:v11+s12+$0x0], $0xffff;
	[tilespmem:s21+$0x1180] =	vst v28  }
0x3b4: {  	[tilespmem:s21+$0xFFFFE080] =	vst v10  }
0x3b5: {  	[tilespmem:s21+$0x1100] =	vst v30  }
0x3b6: {  	[tilespmem:s21+$0x1200] =	vst v31  }
0x3b7: {  	[tilespmem:s21+$0x1280] =	vst v32  }
0x3b8: {  	[tilespmem:s21+$0x1300] =	vst v33  }
0x3b9: {  	[tilespmem:s21+$0x1380] =	vst v11  }
0x3ba: {  	[tilespmem:s21+$0xFFFFE100] =	vst v3  }
0x3bb: {  	[tilespmem:s21+$0xFFFFE180] =	vst v4  }
0x3bc: {  	[tilespmem:s21+$0xFFFFE200] =	vst v5  }
0x3bd: {  	[tilespmem:s21+$0xFFFFE280] =	vst v6  }
0x3be: {  	[tilespmem:s21+$0xFFFFE300] =	vst v7  }
0x3bf: {  	[tilespmem:s21+$0xFFFFE380] =	vst v8  }
0x3c0: {  	[tilespmem:s21+$0xFFFFF000] =	vst v9  }
0x3c1: {  	[tilespmem:s21+$0xFFFFF080] =	vst v16  }
0x3c2: {  	[tilespmem:s21+$0xFFFFF100] =	vst v14  }
0x3c3: {  	[tilespmem:s21+$0xFFFFF180] =	vst v15  }
0x3c4: {  	[tilespmem:s21+$0xFFFFF200] =	vst v12  }
0x3c5: {  	[tilespmem:s21+$0xFFFFF280] =	vst v13  }
0x3c6: {  	[tilespmem:s21+$0xFFFFF300] =	vst v17  }
0x3c7: {  	[tilespmem:s21+$0xFFFFF380] =	vst v18  }
0x3c8: {  	[tilespmem:s21+$0x0] =	vst v19  }
0x3c9: {  	[tilespmem:s21+$0x80] =	vst v20  }
0x3ca: {  	[tilespmem:s21+$0x100] =	vst v21  }
0x3cb: {  	[tilespmem:s21+$0x180] =	vst v22  }
0x3cc: {  	[tilespmem:s21+$0x200] =	vst v23  }
0x3cd: {  	[tilespmem:s21+$0x280] =	vst v24  }
0x3ce: {  	[tilespmem:s21+$0x300] =	vst v25  }
0x3cf: {  	[tilespmem:s21+$0x380] =	vst v26  }
0x3d0: {  	[tilespmem:s21+$0x1000] =	vst v27  }
0x3d1: {  	[tilespmem:s21+$0x1080] =	vst v29  }
0x3d2: {  	s22 =	sadd.s32 $0x10, s22;
	[tilespmem:s21+$0xFFFFE000] =	vst v2  }
0x3d3: {  	v2 =	vld [tilespmem:s22+$0x0];
	_ =	sdelay $0x4  }
0x3d4: {  	vm0 =	vgt.s32 v2, $0x61FF;
	vm1 =	vgt.s32 v2, $0xC3FF  }
0x3d5: {  	v3 =	vsel vm0, $0x1, v0;
	v4 =	vsel vm1, $0x1, v0;
	vm0 =	vgt.s32 v2, $0x125FF  }
0x3d6: {  	v2 =	vadd.s32 v4, v3;
	v3 =	vsel vm0, $0x1, v0  }
0x3d7: {  	v2 =	vadd.s32 v3, v2;
	v3 =	vmov s23  }
0x3d8: {  	v2 =	vshll.u32 v2, $0x5;
	v3 =	vshll.u32 v3, $0x7  }
0x3d9: {  	v2 =	vand.u32 $0x60, v2;
	v3 =	vor.u32 v1, v3  }
0x3da: {  	v11 =	vor.u32 v3, v2  }
0x3db: {  	v3 =	vor.u32 $0x1, v11  }
0x3dc: {  	v4 =	vor.u32 $0x2, v11  }
0x3dd: {  	v5 =	vor.u32 $0x3, v11  }
0x3de: {  	v6 =	vor.u32 $0x4, v11  }
0x3df: {  	v7 =	vor.u32 $0x5, v11;
	v2 =	vld.idx.msk [tilespmem:v11+s12+$0x0], $0xffff  }
0x3e0: {  	v8 =	vor.u32 $0x6, v11;
	v10 =	vld.idx.msk [tilespmem:v3+s12+$0x0], $0xffff  }
0x3e1: {  	v9 =	vor.u32 $0x7, v11;
	v3 =	vld.idx.msk [tilespmem:v4+s12+$0x0], $0xffff  }
0x3e2: {  	v13 =	vor.u32 $0x8, v11;
	v4 =	vld.idx.msk [tilespmem:v5+s12+$0x0], $0xffff  }
.Ltmp3:
0x3e3: {  	v16 =	vor.u32 $0x9, v11;
	v5 =	vld.idx.msk [tilespmem:v6+s12+$0x0], $0xffff;
	(pc) =	sbr.rel @p0 .LBB2_8-.Ltmp3, $4  }
0x3e4: {  	v14 =	vor.u32 $0xA, v11;
	v6 =	vld.idx.msk [tilespmem:v7+s12+$0x0], $0xffff  }
0x3e5: {  	v15 =	vor.u32 $0xB, v11;
	v7 =	vld.idx.msk [tilespmem:v8+s12+$0x0], $0xffff  }
0x3e6: {  	v12 =	vor.u32 $0xC, v11;
	v8 =	vld.idx.msk [tilespmem:v9+s12+$0x0], $0xffff  }
0x3e7: {  	s23 =	sadd.s32 $0x10, s23;
	v9 =	vld.idx.msk [tilespmem:v13+s12+$0x0], $0xffff;
	v13 =	vor.u32 $0xD, v11  }
0x3e8: {  	_ =	sdelay $0x3  }
0x3e9: {  	v16 =	vld.idx.msk [tilespmem:v16+s12+$0x0], $0xffff;
	v17 =	vor.u32 $0xE, v11  }
0x3ea: {  	v14 =	vld.idx.msk [tilespmem:v14+s12+$0x0], $0xffff;
	v18 =	vor.u32 $0xF, v11  }
0x3eb: {  	v15 =	vld.idx.msk [tilespmem:v15+s12+$0x0], $0xffff;
	v19 =	vor.u32 $0x10, v11  }
0x3ec: {  	v12 =	vld.idx.msk [tilespmem:v12+s12+$0x0], $0xffff;
	v20 =	vor.u32 $0x11, v11  }
0x3ed: {  	v13 =	vld.idx.msk [tilespmem:v13+s12+$0x0], $0xffff;
	v21 =	vor.u32 $0x12, v11  }
0x3ee: {  	v22 =	vor.u32 $0x13, v11;
	v17 =	vld.idx.msk [tilespmem:v17+s12+$0x0], $0xffff  }
0x3ef: {  	v23 =	vor.u32 $0x14, v11;
	v18 =	vld.idx.msk [tilespmem:v18+s12+$0x0], $0xffff  }
0x3f0: {  	v24 =	vor.u32 $0x15, v11;
	v19 =	vld.idx.msk [tilespmem:v19+s12+$0x0], $0xffff  }
0x3f1: {  	v25 =	vor.u32 $0x16, v11;
	v20 =	vld.idx.msk [tilespmem:v20+s12+$0x0], $0xffff  }
0x3f2: {  	v26 =	vor.u32 $0x17, v11;
	v21 =	vld.idx.msk [tilespmem:v21+s12+$0x0], $0xffff  }
0x3f3: {  	v27 =	vor.u32 $0x18, v11;
	v22 =	vld.idx.msk [tilespmem:v22+s12+$0x0], $0xffff  }
0x3f4: {  	v28 =	vor.u32 $0x1B, v11;
	v23 =	vld.idx.msk [tilespmem:v23+s12+$0x0], $0xffff  }
0x3f5: {  	v29 =	vor.u32 $0x19, v11;
	v24 =	vld.idx.msk [tilespmem:v24+s12+$0x0], $0xffff  }
0x3f6: {  	v30 =	vor.u32 $0x1A, v11;
	v25 =	vld.idx.msk [tilespmem:v25+s12+$0x0], $0xffff  }
0x3f7: {  	v31 =	vor.u32 $0x1C, v11;
	v26 =	vld.idx.msk [tilespmem:v26+s12+$0x0], $0xffff  }
0x3f8: {  	v32 =	vor.u32 $0x1D, v11;
	v27 =	vld.idx.msk [tilespmem:v27+s12+$0x0], $0xffff  }
0x3f9: {  	v33 =	vor.u32 $0x1E, v11;
	v28 =	vld.idx.msk [tilespmem:v28+s12+$0x0], $0xffff  }
0x3fa: {  	v63 =	vor.u32 $0x1F, v11;
	v29 =	vld.idx.msk [tilespmem:v29+s12+$0x0], $0xffff  }
0x3fb: {  	v30 =	vld.idx.msk [tilespmem:v30+s12+$0x0], $0xffff  }
0x3fc: {  	v31 =	vld.idx.msk [tilespmem:v31+s12+$0x0], $0xffff  }
0x3fd: {  	v32 =	vld.idx.msk [tilespmem:v32+s12+$0x0], $0xffff  }
0x3fe: {  	s21 =	sadd.s32 $0x10, s21;
	v33 =	vld.idx.msk [tilespmem:v33+s12+$0x0], $0xffff  }
0x3ff: {  	v11 =	vld.idx.msk [tilespmem:v63+s12+$0x0], $0xffff;
	[tilespmem:s21+$0xFFFFE080] =	vst v10  }
0x400: {  	[tilespmem:s21+$0xFFFFE100] =	vst v3  }
0x401: {  	[tilespmem:s21+$0xFFFFE180] =	vst v4  }
0x402: {  	[tilespmem:s21+$0xFFFFE200] =	vst v5  }
0x403: {  	[tilespmem:s21+$0xFFFFE280] =	vst v6  }
0x404: {  	[tilespmem:s21+$0xFFFFE300] =	vst v7  }
0x405: {  	[tilespmem:s21+$0xFFFFE380] =	vst v8  }
0x406: {  	[tilespmem:s21+$0xFFFFF000] =	vst v9  }
0x407: {  	[tilespmem:s21+$0xFFFFF080] =	vst v16  }
0x408: {  	[tilespmem:s21+$0xFFFFF100] =	vst v14  }
0x409: {  	[tilespmem:s21+$0xFFFFF180] =	vst v15  }
0x40a: {  	[tilespmem:s21+$0xFFFFF200] =	vst v12  }
0x40b: {  	[tilespmem:s21+$0xFFFFF280] =	vst v13  }
0x40c: {  	[tilespmem:s21+$0xFFFFE000] =	vst v2  }
0x40d: {  	[tilespmem:s21+$0x1180] =	vst v28  }
0x40e: {  	[tilespmem:s21+$0x1100] =	vst v30  }
0x40f: {  	[tilespmem:s21+$0x1200] =	vst v31  }
0x410: {  	[tilespmem:s21+$0x1280] =	vst v32  }
0x411: {  	[tilespmem:s21+$0x1300] =	vst v33  }
0x412: {  	[tilespmem:s21+$0x1380] =	vst v11  }
0x413: {  	[tilespmem:s21+$0xFFFFF300] =	vst v17  }
0x414: {  	[tilespmem:s21+$0xFFFFF380] =	vst v18  }
0x415: {  	[tilespmem:s21+$0x0] =	vst v19  }
0x416: {  	[tilespmem:s21+$0x80] =	vst v20  }
0x417: {  	[tilespmem:s21+$0x100] =	vst v21  }
0x418: {  	[tilespmem:s21+$0x180] =	vst v22  }
0x419: {  	[tilespmem:s21+$0x200] =	vst v23  }
0x41a: {  	[tilespmem:s21+$0x280] =	vst v24  }
0x41b: {  	[tilespmem:s21+$0x300] =	vst v25  }
0x41c: {  	s20 =	sadd.s32 $0x1, s20;
	[tilespmem:s21+$0x380] =	vst v26  }
0x41d: {  	p0 =	sne.s32 s20, s6;
	[tilespmem:s21+$0x1000] =	vst v27  }
.Ltmp4:
0x41e: {  	[tilespmem:s21+$0x1080] =	vst v29;
	(pc) =	sbr.rel @p0 .LBB2_1-.Ltmp4, $4  }
0x41f: {  	[hbm4b:s5+s17] =	stream.strided.scatter [tilespmem:s19], [sflag:$0x3], $0x4000, s18, s17, $0x38;
	[tilespmem:$0xC400] =	vst v63  }
0x420: {  	_ =	swait.ge [sflag:s7], $0x4000  }
0x421: {  	[sflag:s7] =	ssyncset.done $0x0  }
0x422: {  	[sflag:s7] =	ssyncadd.s32 $0xFFFFC000  }
0x423: {  	_ =	sfence.sel $0x180000  }
0x424: {  	[bflag:$0x0] =	sbarrier.arrive $0xFFFF  }
0x425: {  	p0 =	sne.s32 s1, $0x0;
	_ =	strace $0x90000047  }
0x426: {  	s0 =	sadd.s32 @!p0 $0x100000, s0;
	[bflag:$0x2] =	sbarrier.arrive $0xFFFF  }
0x427: {  	[sflag:s0] =	ssyncadd.tile.s32 @!p0 $0x1;
	_ =	shalt  }
.Lfunc_end2:
_tile_overlayer_lowered:
.L_overlay_start_2:
0x428: {  	(tag) =	ssettag $0x2  }
0x429: {  	s0 =	rddreg [dreg:$0x0];
	s2 =	stileid.u32  }
0x42a: {  	s1 =	rddreg [dreg:$0x1];
	p0 =	sne.s32 s2, $0x0  }
0x42b: {  	s3 =	rddreg [dreg:$0x2];
	[bflag:$0x3] =	sbarrier.arrive $0xFFFF;
	s2 =	simm.s32 @!p0 $0x1C03  }
0x42c: {  	[timem:s3], [sflag:s2] =	dma.local @!p0 [hbm:s0], s1  }
0x42d: {  	s0 =	simm.s32 @!p0 $0x3  }
0x42e: {  	_ =	swait.ge @!p0 [sflag:s0], s1  }
0x42f: {  	s1 =	ssub.s32 @!p0 $0x0, s1;
	[sflag:s0] =	ssyncset.done @!p0 $0x0  }
0x430: {  	[sflag:s0] =	ssyncadd.s32 @!p0 s1  }
0x431: {  	[bflag:$0x3] =	sbarrier.arrive $0xFFFF  }
0x432: {  	_ =	shalt  }

</sc_bundles>
